<compile_context>
chip_gen: v7x
topology: tpu7x:2x2x1
jax: 0.10.2.dev20260603
libtpu: 0.0.44.dev20260713+nightly
codegen_flags: <defaults>
</compile_context>

<pallas_src>
import functools

import jax
import jax.numpy as jnp
from jax import lax
from jax.experimental import pallas as pl
from jax.experimental.pallas import tpu as pltpu
from jax.experimental.pallas import tpu_sc as plsc

N = 10000
D_IN = 128
H = 256
NH = 8
PHD = 32
NET = 4
NL = 4
INT = 512
NG = 64
OUT = 256

HH = H // 2
NP = 10112
NSUB = 16
WIN = 128
WPT = 320
CHW = 64
EPAD = NSUB * WPT * WIN
DWPT = 157
EPADD = 2 * NSUB * DWPT * WIN
RB = 1000
NBLK = N // RB

_MESH = dict(core_axis_name="c", subcore_axis_name="s")



def _sc_layer_body(tbl_h, gidx_h, dst_h, zeros_h, out_h, gv, dv, b0, b1, acc,
                   sg0, sg1):
    c = lax.axis_index("c")
    s = lax.axis_index("s")
    rows = NP // NSUB
    pltpu.sync_copy(zeros_h.at[pl.ds(s * rows, rows)],
                    acc.at[pl.ds(s * rows, rows)])
    plsc.subcore_barrier()
    tbl = tbl_h.at[c]
    gidx_t = gidx_h.at[s]
    dst_t = dst_h.at[s]

    @pl.loop(0, WPT // CHW)
    def _(ci):
        pltpu.sync_copy(gidx_t.at[pl.ds(ci * CHW, CHW)], gv)
        pltpu.sync_copy(dst_t.at[pl.ds(ci * CHW, CHW)], dv)
        pltpu.async_copy(tbl.at[gv.at[0]], b0, sg0)
        pltpu.async_copy(tbl.at[gv.at[1]], b1, sg1)

        @pl.loop(0, CHW, step=2)
        def _(j):
            pltpu.make_async_copy(tbl.at[gv.at[0]], b0, sg0).wait()
            pltpu.sync_copy(b0, acc.at[dv.at[j]], add=True)

            @pl.when(j + 2 < CHW)
            def _():
                pltpu.async_copy(tbl.at[gv.at[j + 2]], b0, sg0)

            pltpu.make_async_copy(tbl.at[gv.at[1]], b1, sg1).wait()
            pltpu.sync_copy(b1, acc.at[dv.at[j + 1]], add=True)

            @pl.when(j + 3 < CHW)
            def _():
                pltpu.async_copy(tbl.at[gv.at[j + 3]], b1, sg1)

    plsc.subcore_barrier()
    pltpu.sync_copy(acc.at[pl.ds(s * rows, rows)],
                    out_h.at[c].at[pl.ds(s * rows, rows)])


def _sc_layer(table, gidx, dstw, zeros):
    k = pl.kernel(
        _sc_layer_body,
        out_type=jax.ShapeDtypeStruct((2, NP, HH), jnp.float32),
        mesh=plsc.VectorSubcoreMesh(**_MESH),
        scratch_types=[
            pltpu.VMEM((CHW, WIN), jnp.int32),
            pltpu.VMEM((CHW, WIN), jnp.int32),
            pltpu.VMEM((WIN, HH), jnp.float32),
            pltpu.VMEM((WIN, HH), jnp.float32),
            pltpu.VMEM_SHARED((NP, HH), jnp.float32),
            pltpu.SemaphoreType.DMA,
            pltpu.SemaphoreType.DMA,
        ],
    )
    return k(table, gidx, dstw, zeros)


def _sc_deg_body(ddst_h, ones_h, zeros_h, out_h, dv, ones_v, acc):
    c = lax.axis_index("c")
    s = lax.axis_index("s")
    wid = c * NSUB + s
    pltpu.sync_copy(ddst_h.at[wid], dv)
    pltpu.sync_copy(ones_h, ones_v)
    rows = NP // NSUB
    pltpu.sync_copy(zeros_h.at[pl.ds(s * rows, rows)],
                    acc.at[pl.ds(s * rows, rows)])
    plsc.subcore_barrier()

    @pl.loop(0, DWPT)
    def _(j):
        pltpu.sync_copy(ones_v, acc.at[dv.at[j]], add=True)

    plsc.subcore_barrier()
    pltpu.sync_copy(acc.at[pl.ds(s * rows, rows)],
                    out_h.at[c].at[pl.ds(s * rows, rows)])


def _sc_deg(ddst, ones, zeros):
    k = pl.kernel(
        _sc_deg_body,
        out_type=jax.ShapeDtypeStruct((2, NP, HH), jnp.float32),
        mesh=plsc.VectorSubcoreMesh(**_MESH),
        scratch_types=[
            pltpu.VMEM((DWPT, WIN), jnp.int32),
            pltpu.VMEM((WIN, HH), jnp.float32),
            pltpu.VMEM_SHARED((NP, HH), jnp.float32),
        ],
    )
    return k(ddst, ones, zeros)



def _dot(a, b):
    return jnp.dot(a.astype(jnp.bfloat16), b.astype(jnp.bfloat16),
                   preferred_element_type=jnp.float32)


def _embed_body(x_ref, we_ref, wall_ref, h_ref, tab_ref):
    h = _dot(x_ref[...], we_ref[...])
    h_ref[...] = h
    tab_ref[0] = jax.nn.relu(_dot(h, wall_ref[0]))
    tab_ref[1] = jax.nn.relu(_dot(h, wall_ref[1]))


def _embed(x, W_embed, wall0):
    return pl.pallas_call(
        _embed_body,
        grid=(NBLK,),
        in_specs=[
            pl.BlockSpec((RB, D_IN), lambda i: (i, 0)),
            pl.BlockSpec((D_IN, H), lambda i: (0, 0)),
            pl.BlockSpec((2, H, NET * HH), lambda i: (0, 0, 0)),
        ],
        out_specs=[
            pl.BlockSpec((RB, H), lambda i: (i, 0)),
            pl.BlockSpec((2, RB, NET * HH), lambda i: (0, i, 0)),
        ],
        out_shape=[
            jax.ShapeDtypeStruct((N, H), jnp.float32),
            jax.ShapeDtypeStruct((2, N, NET * HH), jnp.float32),
        ],
    )(x, W_embed, wall0)


def _stats_body(degs_ref, inv_ref, samp_ref, satt_ref):
    dcol = degs_ref[0][:, 0:1] + degs_ref[1][:, 0:1]
    logd = jnp.log(dcol + 1.0)
    mask = lax.broadcasted_iota(jnp.int32, (NP, 1), 0) < N
    delta = jnp.sum(jnp.where(mask, logd, 0.0)) / N
    inv_ref[...] = 1.0 / jnp.maximum(dcol, 1.0)
    samp_ref[...] = logd / (delta + 1e-7)
    satt_ref[...] = delta / (logd + 1e-7)


def _stats(degs):
    return pl.pallas_call(
        _stats_body,
        grid=(1,),
        in_specs=[pl.BlockSpec((2, NP, HH), lambda i: (0, 0, 0))],
        out_specs=[pl.BlockSpec((NP, 1), lambda i: (0, 0))] * 3,
        out_shape=[jax.ShapeDtypeStruct((NP, 1), jnp.float32)] * 3,
    )(degs)


def _ln_rows(x, g, b):
    mu = jnp.mean(x, axis=-1, keepdims=True)
    var = jnp.mean((x - mu) * (x - mu), axis=-1, keepdims=True)
    return (x - mu) / jnp.sqrt(var + 1e-5) * g + b


def _post_body(emit_table, s0_ref, s1_ref, h_ref, inv_ref, samp_ref, satt_ref,
               A_ref, B_ref, C_ref, bout_ref, lg_ref, lb_ref, w1_ref, b1_ref,
               w2_ref, b2_ref, al_ref, *rest):
    if emit_table:
        wall_ref, hn_ref, tab_ref = rest
    else:
        (hn_ref,) = rest
    M = jnp.concatenate([s0_ref[...], s1_ref[...]], axis=1) * inv_ref[...]
    new = (_dot(M, A_ref[...]) + _dot(samp_ref[...] * M, B_ref[...])
           + _dot(satt_ref[...] * M, C_ref[...]) + bout_ref[...])
    al = al_ref[0, 0]
    h1 = h_ref[...] + al * new
    ln = _ln_rows(h1, lg_ref[...], lb_ref[...])
    boom = _dot(jax.nn.gelu(_dot(ln, w1_ref[...]) + b1_ref[...]),
                w2_ref[...]) + b2_ref[...]
    h2 = h1 + al * boom
    hn_ref[...] = h2
    if emit_table:
        tab_ref[0] = jax.nn.relu(_dot(h2, wall_ref[0]))
        tab_ref[1] = jax.nn.relu(_dot(h2, wall_ref[1]))


def _post(sum0, sum1, h, inv_deg, s_amp, s_att, A, B, C, bout, lg, lb,
          w1, b1, w2, b2, al, wall_next):
    emit_table = wall_next is not None
    in_specs = [
        pl.BlockSpec((RB, HH), lambda i: (i, 0)),
        pl.BlockSpec((RB, HH), lambda i: (i, 0)),
        pl.BlockSpec((RB, H), lambda i: (i, 0)),
        pl.BlockSpec((RB, 1), lambda i: (i, 0)),
        pl.BlockSpec((RB, 1), lambda i: (i, 0)),
        pl.BlockSpec((RB, 1), lambda i: (i, 0)),
        pl.BlockSpec((H, H), lambda i: (0, 0)),
        pl.BlockSpec((H, H), lambda i: (0, 0)),
        pl.BlockSpec((H, H), lambda i: (0, 0)),
        pl.BlockSpec((1, H), lambda i: (0, 0)),
        pl.BlockSpec((1, H), lambda i: (0, 0)),
        pl.BlockSpec((1, H), lambda i: (0, 0)),
        pl.BlockSpec((H, INT), lambda i: (0, 0)),
        pl.BlockSpec((1, INT), lambda i: (0, 0)),
        pl.BlockSpec((INT, H), lambda i: (0, 0)),
        pl.BlockSpec((1, H), lambda i: (0, 0)),
        pl.BlockSpec((1, 1), lambda i: (0, 0)),
    ]
    out_specs = [pl.BlockSpec((RB, H), lambda i: (i, 0))]
    out_shape = [jax.ShapeDtypeStruct((N, H), jnp.float32)]
    args = [sum0, sum1, h, inv_deg, s_amp, s_att, A, B, C, bout, lg, lb,
            w1, b1, w2, b2, al]
    if emit_table:
        in_specs.append(pl.BlockSpec((2, H, NET * HH), lambda i: (0, 0, 0)))
        out_specs.append(pl.BlockSpec((2, RB, NET * HH), lambda i: (0, i, 0)))
        out_shape.append(jax.ShapeDtypeStruct((2, N, NET * HH), jnp.float32))
        args.append(wall_next)
    res = pl.pallas_call(
        functools.partial(_post_body, emit_table),
        grid=(NBLK,),
        in_specs=in_specs,
        out_specs=out_specs,
        out_shape=out_shape,
    )(*args)
    return res if emit_table else (res[0], None)


def _read_body(h0_ref, h1_ref, h2_ref, h3_ref, h4_ref, b_ref, wr_ref, br_ref,
               fg_ref, fb_ref, out_ref, acc_ref, cnt_ref):
    i = pl.program_id(0)

    @pl.when(i == 0)
    def _():
        acc_ref[...] = jnp.zeros_like(acc_ref)
        cnt_ref[...] = jnp.zeros_like(cnt_ref)

    onehot = (b_ref[...] == lax.broadcasted_iota(jnp.int32, (RB, NG), 1))
    onehot = onehot.astype(jnp.float32)
    rep = jnp.concatenate([h0_ref[...], h1_ref[...], h2_ref[...],
                           h3_ref[...], h4_ref[...]], axis=1)
    dn = (((0,), (0,)), ((), ()))
    oh = onehot.astype(jnp.bfloat16)
    acc_ref[...] += lax.dot_general(oh, rep.astype(jnp.bfloat16), dn,
                                    preferred_element_type=jnp.float32)
    cnt_ref[...] += lax.dot_general(oh, jnp.ones((RB, 1), jnp.bfloat16),
                                    dn, preferred_element_type=jnp.float32)

    @pl.when(i == NBLK - 1)
    def _():
        gmean = acc_ref[...] / jnp.maximum(cnt_ref[...], 1.0)
        o = _dot(gmean, wr_ref[...]) + br_ref[...]
        out_ref[...] = _ln_rows(o, fg_ref[...], fb_ref[...])


def _readout(states, batch2d, W_read, b_read, fin_g, fin_b):
    return pl.pallas_call(
        _read_body,
        grid=(NBLK,),
        in_specs=[pl.BlockSpec((RB, H), lambda i: (i, 0))] * 5 + [
            pl.BlockSpec((RB, 1), lambda i: (i, 0)),
            pl.BlockSpec(((NL + 1) * H, OUT), lambda i: (0, 0)),
            pl.BlockSpec((1, OUT), lambda i: (0, 0)),
            pl.BlockSpec((1, OUT), lambda i: (0, 0)),
            pl.BlockSpec((1, OUT), lambda i: (0, 0)),
        ],
        out_specs=pl.BlockSpec((NG, OUT), lambda i: (0, 0)),
        out_shape=jax.ShapeDtypeStruct((NG, OUT), jnp.float32),
        scratch_shapes=[
            pltpu.VMEM((NG, (NL + 1) * H), jnp.float32),
            pltpu.VMEM((NG, 1), jnp.float32),
        ],
    )(*states, batch2d, W_read, b_read, fin_g, fin_b)



def kernel(x, edge_index, edge_attr, batch, num_graphs, W_embed, W_rel, Wout,
           bout, ln_g, ln_b, W1, b1, W2, b2, alpha, W_read, b_read, fin_g,
           fin_b):
    f32 = jnp.float32
    Wb = jnp.zeros((NL, NET, H, H), f32)
    for i in range(NH):
        Wb = Wb.at[:, :, i * PHD:(i + 1) * PHD, i * PHD:(i + 1) * PHD].set(
            W_rel[:, i])
    W_all = jnp.transpose(Wb, (0, 2, 1, 3))
    wall = jnp.stack([
        W_all[:, :, :, :HH].reshape(NL, H, NET * HH),
        W_all[:, :, :, HH:].reshape(NL, H, NET * HH),
    ], axis=1)
    Wr = Wout.reshape(NL, NH, 3, PHD, H)
    Amat = Wr[:, :, 0].reshape(NL, H, H)
    Bmat = Wr[:, :, 1].reshape(NL, H, H)
    Cmat = Wr[:, :, 2].reshape(NL, H, H)

    src = jnp.concatenate([edge_index[0], edge_index[1]])
    dst = jnp.concatenate([edge_index[1], edge_index[0]])
    ea2 = jnp.tile(edge_attr, (2,))
    e2 = src.shape[0]
    gidx = src * NET + ea2
    pad = EPAD - e2
    gidx_p = jnp.concatenate([gidx, jnp.zeros((pad,), jnp.int32)])
    dump = N + (jnp.arange(pad, dtype=jnp.int32) % 16)
    dst_p = jnp.concatenate([dst, dump])
    gidx_w = gidx_p.reshape(NSUB, WPT, WIN)
    dst_w = dst_p.reshape(NSUB, WPT, WIN)
    padd = EPADD - e2
    dumpd = N + (jnp.arange(padd, dtype=jnp.int32) % 16)
    ddst = jnp.concatenate([dst, dumpd]).reshape(2 * NSUB, DWPT, WIN)

    zeros_hh = jnp.zeros((NP, HH), f32)
    ones_win = jnp.ones((WIN, HH), f32)
    batch2d = batch.astype(jnp.int32).reshape(N, 1)

    degs = _sc_deg(ddst, ones_win, zeros_hh)
    inv_deg, s_amp, s_att = _stats(degs)

    h, table = _embed(x, W_embed, wall[0])

    states = [h]
    for l in range(NL):
        summed = _sc_layer(table.reshape(2, NET * N, HH), gidx_w, dst_w,
                           zeros_hh)
        wall_next = wall[l + 1] if l + 1 < NL else None
        h, table = _post(summed[0], summed[1], h, inv_deg, s_amp, s_att,
                         Amat[l], Bmat[l], Cmat[l],
                         bout[l].reshape(1, H), ln_g[l].reshape(1, H),
                         ln_b[l].reshape(1, H), W1[l], b1[l].reshape(1, INT),
                         W2[l], b2[l].reshape(1, H),
                         alpha[l].reshape(1, 1), wall_next)
        states.append(h)

    return _readout(states, batch2d, W_read, b_read.reshape(1, OUT),
                    fin_g.reshape(1, OUT), fin_b.reshape(1, OUT))

# --- scband reference (transcript-rebuilt; emitter-appended) ---
"""Pipeline reference for scband-py-g-graph-feature-extractor-19164144075496 (READ-ONLY COPY).

The authoritative reference and input builder live on the scoring server;
editing this copy changes nothing except your own understanding.
"""

import jax, jax.numpy as jnp
import numpy as np

N = 10000
E = 320000
D_IN = 128
H = 256
NH = 8
PHD = 32
NET = 4
NL = 4
INT = 512
NG = 64
OUT = 256

def _ln(x, g, b):
    mu = jnp.mean(x, axis=-1, keepdims=True)
    var = jnp.var(x, axis=-1, keepdims=True)
    return (x - mu) / jnp.sqrt(var + 1e-5) * g + b

def setup_inputs(seed: int = 0):
    key = jax.random.key(seed)
    ks = jax.random.split(key, 24)
    inp = {}
    inp["x"] = jax.random.normal(ks[0], (N, D_IN), jnp.float32)
    inp["edge_index"] = jax.random.randint(ks[1], (2, E), 0, N, jnp.int32)
    inp["edge_attr"] = jax.random.randint(ks[2], (E,), 0, NET, jnp.int32)
    inp["batch"] = jnp.sort(jax.random.randint(ks[3], (N,), 0, NG, jnp.int32))
    inp["num_graphs"] = NG
    inp["W_embed"] = jax.random.normal(ks[4], (D_IN, H), jnp.float32) / np.sqrt(D_IN)
    inp["W_rel"] = jax.random.normal(ks[5], (NL, NH, NET, PHD, PHD), jnp.float32) / np.sqrt(PHD)
    inp["Wout"] = jax.random.normal(ks[6], (NL, NH * 3 * PHD, H), jnp.float32) / np.sqrt(NH * 3 * PHD)
    inp["bout"] = jnp.zeros((NL, H), jnp.float32)
    inp["ln_g"] = jnp.ones((NL, H), jnp.float32)
    inp["ln_b"] = jnp.zeros((NL, H), jnp.float32)
    inp["W1"] = jax.random.normal(ks[7], (NL, H, INT), jnp.float32) / np.sqrt(H)
    inp["b1"] = jnp.zeros((NL, INT), jnp.float32)
    inp["W2"] = jax.random.normal(ks[8], (NL, INT, H), jnp.float32) / np.sqrt(INT)
    inp["b2"] = jnp.zeros((NL, H), jnp.float32)
    inp["alpha"] = jnp.full((NL,), 1e-7, jnp.float32)
    inp["W_read"] = jax.random.normal(ks[9], ((NL + 1) * H, OUT), jnp.float32) / np.sqrt((NL + 1) * H)
    inp["b_read"] = jnp.zeros((OUT,), jnp.float32)
    inp["fin_g"] = jnp.ones((OUT,), jnp.float32)
    inp["fin_b"] = jnp.zeros((OUT,), jnp.float32)
    return inp

def _mp_head(x_h, src, dst, etype, W_rel_h):
    # relational message passing: per-edge-type linear transform, relu, mean-agg with PNA scalers
    trans = jnp.einsum("nd,tdm->tnm", x_h, W_rel_h)
    msgs = jax.nn.relu(trans[etype, src])
    n = x_h.shape[0]
    summed = jnp.zeros((n, W_rel_h.shape[-1]), x_h.dtype).at[dst].add(msgs)
    deg = jnp.zeros((n,), x_h.dtype).at[dst].add(1.0)
    mean = summed / jnp.maximum(deg, 1.0)[:, None]
    logd = jnp.log(deg + 1.0)
    delta = jnp.mean(logd)
    amp = mean * (logd / (delta + 1e-7))[:, None]
    att = mean * (delta / (logd + 1e-7))[:, None]
    return jnp.concatenate([mean, amp, att], axis=-1)

def _forward(x, W_embed, W_rel, Wout, bout, ln_g, ln_b, W1, b1, W2, b2, alpha, W_read, b_read, fin_g, fin_b, edge_index, edge_attr, batch, num_graphs):
    h = x @ W_embed
    ei = jnp.concatenate([edge_index, jnp.flip(edge_index, axis=0)], axis=1)
    ea = jnp.tile(edge_attr, (2,))
    src, dst = ei[0], ei[1]
    states = [h]
    for l in range(NL):
        msgs = [_mp_head(h[:, i * PHD:(i + 1) * PHD], src, dst, ea, W_rel[l, i]) for i in range(NH)]
        m = jnp.concatenate(msgs, axis=-1)
        new = m @ Wout[l] + bout[l]
        h = h + alpha[l] * new
        ln = _ln(h, ln_g[l], ln_b[l])
        boom = jax.nn.gelu(ln @ W1[l] + b1[l]) @ W2[l] + b2[l]
        h = h + alpha[l] * boom
        states.append(h)
    rep = jnp.concatenate(states, axis=-1)
    gsum = jnp.zeros((NG, rep.shape[-1]), rep.dtype).at[batch].add(rep)
    cnt = jnp.zeros((NG,), rep.dtype).at[batch].add(1.0)
    gmean = gsum / jnp.maximum(cnt, 1.0)[:, None]
    gmean = gmean + jnp.zeros((), rep.dtype) * jnp.asarray(num_graphs).astype(rep.dtype)
    out = gmean @ W_read + b_read
    return _ln(out, fin_g, fin_b)

def reference(x, edge_index, edge_attr, batch, num_graphs, W_embed, W_rel, Wout, bout, ln_g, ln_b, W1, b1, W2, b2, alpha, W_read, b_read, fin_g, fin_b):
    return _forward(x, W_embed, W_rel, Wout, bout, ln_g, ln_b, W1, b1, W2, b2, alpha, W_read, b_read, fin_g, fin_b, edge_index, edge_attr, batch, num_graphs)

if __name__ == "__main__":
    import jax
    _d = setup_inputs()
    print(jax.jit(kernel)(*tuple(_d.values())))

</pallas_src>

<mosaic_0001>
#map = affine_map<(d0, d1) -> (0, 0, 0)>
#map1 = affine_map<(d0, d1) -> (0, 0)>
module attributes {stable_mosaic.version = 14 : i64} {
  func.func @_sc_layer_body(%arg0: i32, %arg1: i32, %arg2: memref<2x40000x128xf32, #tpu.memory_space<hbm>>, %arg3: memref<16x320x128xi32, #tpu.memory_space<hbm>>, %arg4: memref<16x320x128xi32, #tpu.memory_space<hbm>>, %arg5: memref<10112x128xf32, #tpu.memory_space<hbm>>, %arg6: memref<2x10112x128xf32, #tpu.memory_space<hbm>>, %arg7: memref<64x128xi32, #tpu.memory_space<vmem>>, %arg8: memref<64x128xi32, #tpu.memory_space<vmem>>, %arg9: memref<128x128xf32, #tpu.memory_space<vmem>>, %arg10: memref<128x128xf32, #tpu.memory_space<vmem>>, %arg11: memref<10112x128xf32, #tpu.memory_space<vmem_shared>>, %arg12: memref<!tpu.dma_semaphore, #tpu.memory_space<semaphore_mem>>, %arg13: memref<!tpu.dma_semaphore, #tpu.memory_space<semaphore_mem>>) attributes {dimension_semantics = [#tpu.dimension_semantics<core_parallel>, #tpu.dimension_semantics<subcore_parallel>], iteration_bounds = array<i64: 2, 16>, scalar_prefetch = 0 : i64, scratch_operands = 7 : i64, tpu.core_type = #tpu.core_type<sc_vector_subcore>, window_params = [{transform_indices = #map}, {transform_indices = #map}, {transform_indices = #map}, {transform_indices = #map1}, {transform_indices = #map}]} {
    %mul3A = arith.constant 632 : i32
    %mul3A_0 = arith.muli %arg1, %mul3A : i32
    %mul3A_1 = arith.constant 632 : i32
    %mul3A_2 = arith.muli %arg1, %mul3A_1 : i32
    "tpu.region"() ({
      %run_scoped3A = tpu.sem_alloc : memref<!tpu.dma_semaphore, #tpu.memory_space<semaphore_mem>>
      %dma_start3A = arith.constant 0 : i32
      %dma_start3A_12 = tpu.memref_slice %arg11[%mul3A_2, %dma_start3A] : memref<10112x128xf32, #tpu.memory_space<vmem_shared>> -> memref<632x128xf32, #tpu.memory_space<vmem_shared>>
      %dma_start3A_13 = arith.constant 0 : i32
      %dma_start3A_14 = tpu.memref_slice %arg5[%mul3A_0, %dma_start3A_13] : memref<10112x128xf32, #tpu.memory_space<hbm>> -> memref<632x128xf32, #tpu.memory_space<hbm>>
      tpu.enqueue_dma source(%dma_start3A_14 : memref<632x128xf32, #tpu.memory_space<hbm>>) target(%dma_start3A_12 : memref<632x128xf32, #tpu.memory_space<vmem_shared>>) target_semaphore(%run_scoped3A : memref<!tpu.dma_semaphore, #tpu.memory_space<semaphore_mem>>)
      %dma_wait3A = arith.constant 0 : i32
      %dma_wait3A_15 = tpu.memref_slice %arg11[%mul3A_2, %dma_wait3A] : memref<10112x128xf32, #tpu.memory_space<vmem_shared>> -> memref<632x128xf32, #tpu.memory_space<vmem_shared>>
      %dma_wait3A_16 = arith.constant 0 : i32
      %dma_wait3A_17 = tpu.memref_slice %arg5[%mul3A_0, %dma_wait3A_16] : memref<10112x128xf32, #tpu.memory_space<hbm>> -> memref<632x128xf32, #tpu.memory_space<hbm>>
      tpu.wait_dma2 semaphore(%run_scoped3A : memref<!tpu.dma_semaphore, #tpu.memory_space<semaphore_mem>>) src(%dma_wait3A_17 : memref<632x128xf32, #tpu.memory_space<hbm>>) dst(%dma_wait3A_15 : memref<632x128xf32, #tpu.memory_space<vmem_shared>>)
      tpu.yield
    }) : () -> ()
    %barrier3A = arith.constant 0 : index
    tpu.barrier barrier_id(%barrier3A)
    %scan3A = arith.constant 0 : i32
    %scan3A_3 = arith.constant 5 : i32
    %scan3A_4 = arith.addi %scan3A, %scan3A_3 : i32
    %scan3A_5 = arith.constant 1 : i32
    scf.for %scan3A_12 = %scan3A to %scan3A_4 step %scan3A_5  : i32 {
      %mul3A_13 = arith.constant 1 : i32
      %mul3A_14 = arith.muli %scan3A_12, %mul3A_13 : i32
      %add3A = arith.constant 0 : i32
      %add3A_15 = arith.addi %add3A, %mul3A_14 : i32
      %mul3A_16 = arith.constant 64 : i32
      %mul3A_17 = arith.muli %add3A_15, %mul3A_16 : i32
      "tpu.region"() ({
        %run_scoped3A = tpu.sem_alloc : memref<!tpu.dma_semaphore, #tpu.memory_space<semaphore_mem>>
        %dma_start3A_46 = arith.constant 0 : i32
        %dma_start3A_47 = arith.constant 0 : i32
        %dma_start3A_48 = tpu.memref_slice %arg3[%arg1, %dma_start3A_46, %dma_start3A_47] : memref<16x320x128xi32, #tpu.memory_space<hbm>> -> memref<1x320x128xi32, #tpu.memory_space<hbm>>
        %dma_start3A_49 = tpu.memref_squeeze %dma_start3A_48 : memref<1x320x128xi32, #tpu.memory_space<hbm>> -> memref<320x128xi32, #tpu.memory_space<hbm>>
        %dma_start3A_50 = arith.constant 0 : i32
        %dma_start3A_51 = tpu.memref_slice %dma_start3A_49[%mul3A_17, %dma_start3A_50] : memref<320x128xi32, #tpu.memory_space<hbm>> -> memref<64x128xi32, #tpu.memory_space<hbm>>
        %dma_start3A_52 = arith.constant 0 : i32
        %dma_start3A_53 = arith.constant 0 : i32
        %dma_start3A_54 = tpu.memref_slice %arg3[%arg1, %dma_start3A_52, %dma_start3A_53] : memref<16x320x128xi32, #tpu.memory_space<hbm>> -> memref<1x320x128xi32, #tpu.memory_space<hbm>>
        %dma_start3A_55 = tpu.memref_squeeze %dma_start3A_54 : memref<1x320x128xi32, #tpu.memory_space<hbm>> -> memref<320x128xi32, #tpu.memory_space<hbm>>
        %dma_start3A_56 = arith.constant 0 : i32
        %dma_start3A_57 = tpu.memref_slice %dma_start3A_55[%mul3A_17, %dma_start3A_56] : memref<320x128xi32, #tpu.memory_space<hbm>> -> memref<64x128xi32, #tpu.memory_space<hbm>>
        tpu.enqueue_dma source(%dma_start3A_57 : memref<64x128xi32, #tpu.memory_space<hbm>>) target(%arg7 : memref<64x128xi32, #tpu.memory_space<vmem>>) target_semaphore(%run_scoped3A : memref<!tpu.dma_semaphore, #tpu.memory_space<semaphore_mem>>)
        %dma_wait3A = arith.constant 0 : i32
        %dma_wait3A_58 = arith.constant 0 : i32
        %dma_wait3A_59 = tpu.memref_slice %arg3[%arg1, %dma_wait3A, %dma_wait3A_58] : memref<16x320x128xi32, #tpu.memory_space<hbm>> -> memref<1x320x128xi32, #tpu.memory_space<hbm>>
        %dma_wait3A_60 = tpu.memref_squeeze %dma_wait3A_59 : memref<1x320x128xi32, #tpu.memory_space<hbm>> -> memref<320x128xi32, #tpu.memory_space<hbm>>
        %dma_wait3A_61 = arith.constant 0 : i32
        %dma_wait3A_62 = tpu.memref_slice %dma_wait3A_60[%mul3A_17, %dma_wait3A_61] : memref<320x128xi32, #tpu.memory_space<hbm>> -> memref<64x128xi32, #tpu.memory_space<hbm>>
        %dma_wait3A_63 = arith.constant 0 : i32
        %dma_wait3A_64 = arith.constant 0 : i32
        %dma_wait3A_65 = tpu.memref_slice %arg3[%arg1, %dma_wait3A_63, %dma_wait3A_64] : memref<16x320x128xi32, #tpu.memory_space<hbm>> -> memref<1x320x128xi32, #tpu.memory_space<hbm>>
        %dma_wait3A_66 = tpu.memref_squeeze %dma_wait3A_65 : memref<1x320x128xi32, #tpu.memory_space<hbm>> -> memref<320x128xi32, #tpu.memory_space<hbm>>
        %dma_wait3A_67 = arith.constant 0 : i32
        %dma_wait3A_68 = tpu.memref_slice %dma_wait3A_66[%mul3A_17, %dma_wait3A_67] : memref<320x128xi32, #tpu.memory_space<hbm>> -> memref<64x128xi32, #tpu.memory_space<hbm>>
        tpu.wait_dma2 semaphore(%run_scoped3A : memref<!tpu.dma_semaphore, #tpu.memory_space<semaphore_mem>>) src(%dma_wait3A_68 : memref<64x128xi32, #tpu.memory_space<hbm>>) dst(%arg7 : memref<64x128xi32, #tpu.memory_space<vmem>>)
        tpu.yield
      }) : () -> ()
      %mul3A_18 = arith.constant 64 : i32
      %mul3A_19 = arith.muli %add3A_15, %mul3A_18 : i32
      "tpu.region"() ({
        %run_scoped3A = tpu.sem_alloc : memref<!tpu.dma_semaphore, #tpu.memory_space<semaphore_mem>>
        %dma_start3A_46 = arith.constant 0 : i32
        %dma_start3A_47 = arith.constant 0 : i32
        %dma_start3A_48 = tpu.memref_slice %arg4[%arg1, %dma_start3A_46, %dma_start3A_47] : memref<16x320x128xi32, #tpu.memory_space<hbm>> -> memref<1x320x128xi32, #tpu.memory_space<hbm>>
        %dma_start3A_49 = tpu.memref_squeeze %dma_start3A_48 : memref<1x320x128xi32, #tpu.memory_space<hbm>> -> memref<320x128xi32, #tpu.memory_space<hbm>>
        %dma_start3A_50 = arith.constant 0 : i32
        %dma_start3A_51 = tpu.memref_slice %dma_start3A_49[%mul3A_19, %dma_start3A_50] : memref<320x128xi32, #tpu.memory_space<hbm>> -> memref<64x128xi32, #tpu.memory_space<hbm>>
        %dma_start3A_52 = arith.constant 0 : i32
        %dma_start3A_53 = arith.constant 0 : i32
        %dma_start3A_54 = tpu.memref_slice %arg4[%arg1, %dma_start3A_52, %dma_start3A_53] : memref<16x320x128xi32, #tpu.memory_space<hbm>> -> memref<1x320x128xi32, #tpu.memory_space<hbm>>
        %dma_start3A_55 = tpu.memref_squeeze %dma_start3A_54 : memref<1x320x128xi32, #tpu.memory_space<hbm>> -> memref<320x128xi32, #tpu.memory_space<hbm>>
        %dma_start3A_56 = arith.constant 0 : i32
        %dma_start3A_57 = tpu.memref_slice %dma_start3A_55[%mul3A_19, %dma_start3A_56] : memref<320x128xi32, #tpu.memory_space<hbm>> -> memref<64x128xi32, #tpu.memory_space<hbm>>
        tpu.enqueue_dma source(%dma_start3A_57 : memref<64x128xi32, #tpu.memory_space<hbm>>) target(%arg8 : memref<64x128xi32, #tpu.memory_space<vmem>>) target_semaphore(%run_scoped3A : memref<!tpu.dma_semaphore, #tpu.memory_space<semaphore_mem>>)
        %dma_wait3A = arith.constant 0 : i32
        %dma_wait3A_58 = arith.constant 0 : i32
        %dma_wait3A_59 = tpu.memref_slice %arg4[%arg1, %dma_wait3A, %dma_wait3A_58] : memref<16x320x128xi32, #tpu.memory_space<hbm>> -> memref<1x320x128xi32, #tpu.memory_space<hbm>>
        %dma_wait3A_60 = tpu.memref_squeeze %dma_wait3A_59 : memref<1x320x128xi32, #tpu.memory_space<hbm>> -> memref<320x128xi32, #tpu.memory_space<hbm>>
        %dma_wait3A_61 = arith.constant 0 : i32
        %dma_wait3A_62 = tpu.memref_slice %dma_wait3A_60[%mul3A_19, %dma_wait3A_61] : memref<320x128xi32, #tpu.memory_space<hbm>> -> memref<64x128xi32, #tpu.memory_space<hbm>>
        %dma_wait3A_63 = arith.constant 0 : i32
        %dma_wait3A_64 = arith.constant 0 : i32
        %dma_wait3A_65 = tpu.memref_slice %arg4[%arg1, %dma_wait3A_63, %dma_wait3A_64] : memref<16x320x128xi32, #tpu.memory_space<hbm>> -> memref<1x320x128xi32, #tpu.memory_space<hbm>>
        %dma_wait3A_66 = tpu.memref_squeeze %dma_wait3A_65 : memref<1x320x128xi32, #tpu.memory_space<hbm>> -> memref<320x128xi32, #tpu.memory_space<hbm>>
        %dma_wait3A_67 = arith.constant 0 : i32
        %dma_wait3A_68 = tpu.memref_slice %dma_wait3A_66[%mul3A_19, %dma_wait3A_67] : memref<320x128xi32, #tpu.memory_space<hbm>> -> memref<64x128xi32, #tpu.memory_space<hbm>>
        tpu.wait_dma2 semaphore(%run_scoped3A : memref<!tpu.dma_semaphore, #tpu.memory_space<semaphore_mem>>) src(%dma_wait3A_68 : memref<64x128xi32, #tpu.memory_space<hbm>>) dst(%arg8 : memref<64x128xi32, #tpu.memory_space<vmem>>)
        tpu.yield
      }) : () -> ()
      %dma_start3A = arith.constant 0 : i32
      %dma_start3A_20 = arith.constant 0 : i32
      %dma_start3A_21 = tpu.memref_slice %arg7[%dma_start3A, %dma_start3A_20] : memref<64x128xi32, #tpu.memory_space<vmem>> -> memref<1x128xi32, #tpu.memory_space<vmem>>
      %dma_start3A_22 = tpu.memref_squeeze %dma_start3A_21 : memref<1x128xi32, #tpu.memory_space<vmem>> -> memref<128xi32, #tpu.memory_space<vmem>>
      %dma_start3A_23 = arith.constant 0 : i32
      %dma_start3A_24 = arith.constant 0 : i32
      %dma_start3A_25 = tpu.memref_slice %arg2[%arg0, %dma_start3A_23, %dma_start3A_24] : memref<2x40000x128xf32, #tpu.memory_space<hbm>> -> memref<1x40000x128xf32, #tpu.memory_space<hbm>>
      %dma_start3A_26 = tpu.memref_squeeze %dma_start3A_25 : memref<1x40000x128xf32, #tpu.memory_space<hbm>> -> memref<40000x128xf32, #tpu.memory_space<hbm>>
      %dma_start3A_27 = arith.constant 0 : i32
      %dma_start3A_28 = arith.constant 0 : i32
      %dma_start3A_29 = tpu.memref_slice %dma_start3A_26[%dma_start3A_27, %dma_start3A_28] : memref<40000x128xf32, #tpu.memory_space<hbm>> -> memref<40000x128xf32, #tpu.memory_space<hbm>>
      tpu.enqueue_indirect_dma source(%dma_start3A_29 : memref<40000x128xf32, #tpu.memory_space<hbm>>) target(%arg9 : memref<128x128xf32, #tpu.memory_space<vmem>>) offsets(%dma_start3A_22 : memref<128xi32, #tpu.memory_space<vmem>>) semaphore(%arg12 : memref<!tpu.dma_semaphore, #tpu.memory_space<semaphore_mem>>)
      %dma_start3A_30 = arith.constant 1 : i32
      %dma_start3A_31 = arith.constant 0 : i32
      %dma_start3A_32 = tpu.memref_slice %arg7[%dma_start3A_30, %dma_start3A_31] : memref<64x128xi32, #tpu.memory_space<vmem>> -> memref<1x128xi32, #tpu.memory_space<vmem>>
      %dma_start3A_33 = tpu.memref_squeeze %dma_start3A_32 : memref<1x128xi32, #tpu.memory_space<vmem>> -> memref<128xi32, #tpu.memory_space<vmem>>
      %dma_start3A_34 = arith.constant 0 : i32
      %dma_start3A_35 = arith.constant 0 : i32
      %dma_start3A_36 = tpu.memref_slice %arg2[%arg0, %dma_start3A_34, %dma_start3A_35] : memref<2x40000x128xf32, #tpu.memory_space<hbm>> -> memref<1x40000x128xf32, #tpu.memory_space<hbm>>
      %dma_start3A_37 = tpu.memref_squeeze %dma_start3A_36 : memref<1x40000x128xf32, #tpu.memory_space<hbm>> -> memref<40000x128xf32, #tpu.memory_space<hbm>>
      %dma_start3A_38 = arith.constant 0 : i32
      %dma_start3A_39 = arith.constant 0 : i32
      %dma_start3A_40 = tpu.memref_slice %dma_start3A_37[%dma_start3A_38, %dma_start3A_39] : memref<40000x128xf32, #tpu.memory_space<hbm>> -> memref<40000x128xf32, #tpu.memory_space<hbm>>
      tpu.enqueue_indirect_dma source(%dma_start3A_40 : memref<40000x128xf32, #tpu.memory_space<hbm>>) target(%arg10 : memref<128x128xf32, #tpu.memory_space<vmem>>) offsets(%dma_start3A_33 : memref<128xi32, #tpu.memory_space<vmem>>) semaphore(%arg13 : memref<!tpu.dma_semaphore, #tpu.memory_space<semaphore_mem>>)
      %scan3A_41 = arith.constant 0 : i32
      %scan3A_42 = arith.constant 32 : i32
      %scan3A_43 = arith.addi %scan3A_41, %scan3A_42 : i32
      %scan3A_44 = arith.constant 1 : i32
      scf.for %scan3A_46 = %scan3A_41 to %scan3A_43 step %scan3A_44  : i32 {
        %mul3A_47 = arith.constant 2 : i32
        %mul3A_48 = arith.muli %scan3A_46, %mul3A_47 : i32
        %add3A_49 = arith.constant 0 : i32
        %add3A_50 = arith.addi %add3A_49, %mul3A_48 : i32
        %dma_wait3A = arith.constant 0 : i32
        %dma_wait3A_51 = arith.constant 0 : i32
        %dma_wait3A_52 = tpu.memref_slice %arg7[%dma_wait3A, %dma_wait3A_51] : memref<64x128xi32, #tpu.memory_space<vmem>> -> memref<1x128xi32, #tpu.memory_space<vmem>>
        %dma_wait3A_53 = tpu.memref_squeeze %dma_wait3A_52 : memref<1x128xi32, #tpu.memory_space<vmem>> -> memref<128xi32, #tpu.memory_space<vmem>>
        %dma_wait3A_54 = arith.constant 0 : i32
        %dma_wait3A_55 = arith.constant 0 : i32
        %dma_wait3A_56 = tpu.memref_slice %arg2[%arg0, %dma_wait3A_54, %dma_wait3A_55] : memref<2x40000x128xf32, #tpu.memory_space<hbm>> -> memref<1x40000x128xf32, #tpu.memory_space<hbm>>
        %dma_wait3A_57 = tpu.memref_squeeze %dma_wait3A_56 : memref<1x40000x128xf32, #tpu.memory_space<hbm>> -> memref<40000x128xf32, #tpu.memory_space<hbm>>
        %dma_wait3A_58 = arith.constant 0 : i32
        %dma_wait3A_59 = arith.constant 0 : i32
        %dma_wait3A_60 = tpu.memref_slice %dma_wait3A_57[%dma_wait3A_58, %dma_wait3A_59] : memref<40000x128xf32, #tpu.memory_space<hbm>> -> memref<40000x128xf32, #tpu.memory_space<hbm>>
        tpu.wait_indirect_dma semaphore(%arg12 : memref<!tpu.dma_semaphore, #tpu.memory_space<semaphore_mem>>) src(%dma_wait3A_60 : memref<40000x128xf32, #tpu.memory_space<hbm>>) dst(%arg9 : memref<128x128xf32, #tpu.memory_space<vmem>>)
        "tpu.region"() ({
          %run_scoped3A = tpu.sem_alloc : memref<!tpu.dma_semaphore, #tpu.memory_space<semaphore_mem>>
          %dma_start3A_85 = arith.constant 0 : i32
          %dma_start3A_86 = tpu.memref_slice %arg8[%add3A_50, %dma_start3A_85] : memref<64x128xi32, #tpu.memory_space<vmem>> -> memref<1x128xi32, #tpu.memory_space<vmem>>
          %dma_start3A_87 = tpu.memref_squeeze %dma_start3A_86 : memref<1x128xi32, #tpu.memory_space<vmem>> -> memref<128xi32, #tpu.memory_space<vmem>>
          %dma_start3A_88 = arith.constant 0 : i32
          %dma_start3A_89 = arith.constant 0 : i32
          %dma_start3A_90 = tpu.memref_slice %arg11[%dma_start3A_88, %dma_start3A_89] : memref<10112x128xf32, #tpu.memory_space<vmem_shared>> -> memref<10112x128xf32, #tpu.memory_space<vmem_shared>>
          tpu.enqueue_indirect_dma source(%arg9 : memref<128x128xf32, #tpu.memory_space<vmem>>) target(%dma_start3A_90 : memref<10112x128xf32, #tpu.memory_space<vmem_shared>>) offsets(%dma_start3A_87 : memref<128xi32, #tpu.memory_space<vmem>>) semaphore(%run_scoped3A : memref<!tpu.dma_semaphore, #tpu.memory_space<semaphore_mem>>) {add = true}
          %dma_wait3A_91 = arith.constant 0 : i32
          %dma_wait3A_92 = tpu.memref_slice %arg8[%add3A_50, %dma_wait3A_91] : memref<64x128xi32, #tpu.memory_space<vmem>> -> memref<1x128xi32, #tpu.memory_space<vmem>>
          %dma_wait3A_93 = tpu.memref_squeeze %dma_wait3A_92 : memref<1x128xi32, #tpu.memory_space<vmem>> -> memref<128xi32, #tpu.memory_space<vmem>>
          %dma_wait3A_94 = arith.constant 0 : i32
          %dma_wait3A_95 = arith.constant 0 : i32
          %dma_wait3A_96 = tpu.memref_slice %arg11[%dma_wait3A_94, %dma_wait3A_95] : memref<10112x128xf32, #tpu.memory_space<vmem_shared>> -> memref<10112x128xf32, #tpu.memory_space<vmem_shared>>
          tpu.wait_indirect_dma semaphore(%run_scoped3A : memref<!tpu.dma_semaphore, #tpu.memory_space<semaphore_mem>>) src(%arg9 : memref<128x128xf32, #tpu.memory_space<vmem>>) dst(%dma_wait3A_96 : memref<10112x128xf32, #tpu.memory_space<vmem_shared>>)
          tpu.yield
        }) : () -> ()
        %add3A_61 = arith.constant 2 : i32
        %add3A_62 = arith.addi %add3A_50, %add3A_61 : i32
        %lt3A = arith.constant 64 : i32
        %lt3A_63 = arith.cmpi slt, %add3A_62, %lt3A : i32
        %convert_element_type3A = arith.extui %lt3A_63 : i1 to i32
        %cond3A = arith.constant 0 : i32
        %cond3A_64 = arith.cmpi ne, %convert_element_type3A, %cond3A : i32
        scf.if %cond3A_64 {
          %add3A_85 = arith.constant 2 : i32
          %add3A_86 = arith.addi %add3A_50, %add3A_85 : i32
          %dma_start3A_87 = arith.constant 0 : i32
          %dma_start3A_88 = tpu.memref_slice %arg7[%add3A_86, %dma_start3A_87] : memref<64x128xi32, #tpu.memory_space<vmem>> -> memref<1x128xi32, #tpu.memory_space<vmem>>
          %dma_start3A_89 = tpu.memref_squeeze %dma_start3A_88 : memref<1x128xi32, #tpu.memory_space<vmem>> -> memref<128xi32, #tpu.memory_space<vmem>>
          %dma_start3A_90 = arith.constant 0 : i32
          %dma_start3A_91 = arith.constant 0 : i32
          %dma_start3A_92 = tpu.memref_slice %arg2[%arg0, %dma_start3A_90, %dma_start3A_91] : memref<2x40000x128xf32, #tpu.memory_space<hbm>> -> memref<1x40000x128xf32, #tpu.memory_space<hbm>>
          %dma_start3A_93 = tpu.memref_squeeze %dma_start3A_92 : memref<1x40000x128xf32, #tpu.memory_space<hbm>> -> memref<40000x128xf32, #tpu.memory_space<hbm>>
          %dma_start3A_94 = arith.constant 0 : i32
          %dma_start3A_95 = arith.constant 0 : i32
          %dma_start3A_96 = tpu.memref_slice %dma_start3A_93[%dma_start3A_94, %dma_start3A_95] : memref<40000x128xf32, #tpu.memory_space<hbm>> -> memref<40000x128xf32, #tpu.memory_space<hbm>>
          tpu.enqueue_indirect_dma source(%dma_start3A_96 : memref<40000x128xf32, #tpu.memory_space<hbm>>) target(%arg9 : memref<128x128xf32, #tpu.memory_space<vmem>>) offsets(%dma_start3A_89 : memref<128xi32, #tpu.memory_space<vmem>>) semaphore(%arg12 : memref<!tpu.dma_semaphore, #tpu.memory_space<semaphore_mem>>)
        } else {
        }
        %dma_wait3A_65 = arith.constant 1 : i32
        %dma_wait3A_66 = arith.constant 0 : i32
        %dma_wait3A_67 = tpu.memref_slice %arg7[%dma_wait3A_65, %dma_wait3A_66] : memref<64x128xi32, #tpu.memory_space<vmem>> -> memref<1x128xi32, #tpu.memory_space<vmem>>
        %dma_wait3A_68 = tpu.memref_squeeze %dma_wait3A_67 : memref<1x128xi32, #tpu.memory_space<vmem>> -> memref<128xi32, #tpu.memory_space<vmem>>
        %dma_wait3A_69 = arith.constant 0 : i32
        %dma_wait3A_70 = arith.constant 0 : i32
        %dma_wait3A_71 = tpu.memref_slice %arg2[%arg0, %dma_wait3A_69, %dma_wait3A_70] : memref<2x40000x128xf32, #tpu.memory_space<hbm>> -> memref<1x40000x128xf32, #tpu.memory_space<hbm>>
        %dma_wait3A_72 = tpu.memref_squeeze %dma_wait3A_71 : memref<1x40000x128xf32, #tpu.memory_space<hbm>> -> memref<40000x128xf32, #tpu.memory_space<hbm>>
        %dma_wait3A_73 = arith.constant 0 : i32
        %dma_wait3A_74 = arith.constant 0 : i32
        %dma_wait3A_75 = tpu.memref_slice %dma_wait3A_72[%dma_wait3A_73, %dma_wait3A_74] : memref<40000x128xf32, #tpu.memory_space<hbm>> -> memref<40000x128xf32, #tpu.memory_space<hbm>>
        tpu.wait_indirect_dma semaphore(%arg13 : memref<!tpu.dma_semaphore, #tpu.memory_space<semaphore_mem>>) src(%dma_wait3A_75 : memref<40000x128xf32, #tpu.memory_space<hbm>>) dst(%arg10 : memref<128x128xf32, #tpu.memory_space<vmem>>)
        %add3A_76 = arith.constant 1 : i32
        %add3A_77 = arith.addi %add3A_50, %add3A_76 : i32
        "tpu.region"() ({
          %run_scoped3A = tpu.sem_alloc : memref<!tpu.dma_semaphore, #tpu.memory_space<semaphore_mem>>
          %dma_start3A_85 = arith.constant 0 : i32
          %dma_start3A_86 = tpu.memref_slice %arg8[%add3A_77, %dma_start3A_85] : memref<64x128xi32, #tpu.memory_space<vmem>> -> memref<1x128xi32, #tpu.memory_space<vmem>>
          %dma_start3A_87 = tpu.memref_squeeze %dma_start3A_86 : memref<1x128xi32, #tpu.memory_space<vmem>> -> memref<128xi32, #tpu.memory_space<vmem>>
          %dma_start3A_88 = arith.constant 0 : i32
          %dma_start3A_89 = arith.constant 0 : i32
          %dma_start3A_90 = tpu.memref_slice %arg11[%dma_start3A_88, %dma_start3A_89] : memref<10112x128xf32, #tpu.memory_space<vmem_shared>> -> memref<10112x128xf32, #tpu.memory_space<vmem_shared>>
          tpu.enqueue_indirect_dma source(%arg10 : memref<128x128xf32, #tpu.memory_space<vmem>>) target(%dma_start3A_90 : memref<10112x128xf32, #tpu.memory_space<vmem_shared>>) offsets(%dma_start3A_87 : memref<128xi32, #tpu.memory_space<vmem>>) semaphore(%run_scoped3A : memref<!tpu.dma_semaphore, #tpu.memory_space<semaphore_mem>>) {add = true}
          %dma_wait3A_91 = arith.constant 0 : i32
          %dma_wait3A_92 = tpu.memref_slice %arg8[%add3A_77, %dma_wait3A_91] : memref<64x128xi32, #tpu.memory_space<vmem>> -> memref<1x128xi32, #tpu.memory_space<vmem>>
          %dma_wait3A_93 = tpu.memref_squeeze %dma_wait3A_92 : memref<1x128xi32, #tpu.memory_space<vmem>> -> memref<128xi32, #tpu.memory_space<vmem>>
          %dma_wait3A_94 = arith.constant 0 : i32
          %dma_wait3A_95 = arith.constant 0 : i32
          %dma_wait3A_96 = tpu.memref_slice %arg11[%dma_wait3A_94, %dma_wait3A_95] : memref<10112x128xf32, #tpu.memory_space<vmem_shared>> -> memref<10112x128xf32, #tpu.memory_space<vmem_shared>>
          tpu.wait_indirect_dma semaphore(%run_scoped3A : memref<!tpu.dma_semaphore, #tpu.memory_space<semaphore_mem>>) src(%arg10 : memref<128x128xf32, #tpu.memory_space<vmem>>) dst(%dma_wait3A_96 : memref<10112x128xf32, #tpu.memory_space<vmem_shared>>)
          tpu.yield
        }) : () -> ()
        %add3A_78 = arith.constant 3 : i32
        %add3A_79 = arith.addi %add3A_50, %add3A_78 : i32
        %lt3A_80 = arith.constant 64 : i32
        %lt3A_81 = arith.cmpi slt, %add3A_79, %lt3A_80 : i32
        %convert_element_type3A_82 = arith.extui %lt3A_81 : i1 to i32
        %cond3A_83 = arith.constant 0 : i32
        %cond3A_84 = arith.cmpi ne, %convert_element_type3A_82, %cond3A_83 : i32
        scf.if %cond3A_84 {
          %add3A_85 = arith.constant 3 : i32
          %add3A_86 = arith.addi %add3A_50, %add3A_85 : i32
          %dma_start3A_87 = arith.constant 0 : i32
          %dma_start3A_88 = tpu.memref_slice %arg7[%add3A_86, %dma_start3A_87] : memref<64x128xi32, #tpu.memory_space<vmem>> -> memref<1x128xi32, #tpu.memory_space<vmem>>
          %dma_start3A_89 = tpu.memref_squeeze %dma_start3A_88 : memref<1x128xi32, #tpu.memory_space<vmem>> -> memref<128xi32, #tpu.memory_space<vmem>>
          %dma_start3A_90 = arith.constant 0 : i32
          %dma_start3A_91 = arith.constant 0 : i32
          %dma_start3A_92 = tpu.memref_slice %arg2[%arg0, %dma_start3A_90, %dma_start3A_91] : memref<2x40000x128xf32, #tpu.memory_space<hbm>> -> memref<1x40000x128xf32, #tpu.memory_space<hbm>>
          %dma_start3A_93 = tpu.memref_squeeze %dma_start3A_92 : memref<1x40000x128xf32, #tpu.memory_space<hbm>> -> memref<40000x128xf32, #tpu.memory_space<hbm>>
          %dma_start3A_94 = arith.constant 0 : i32
          %dma_start3A_95 = arith.constant 0 : i32
          %dma_start3A_96 = tpu.memref_slice %dma_start3A_93[%dma_start3A_94, %dma_start3A_95] : memref<40000x128xf32, #tpu.memory_space<hbm>> -> memref<40000x128xf32, #tpu.memory_space<hbm>>
          tpu.enqueue_indirect_dma source(%dma_start3A_96 : memref<40000x128xf32, #tpu.memory_space<hbm>>) target(%arg10 : memref<128x128xf32, #tpu.memory_space<vmem>>) offsets(%dma_start3A_89 : memref<128xi32, #tpu.memory_space<vmem>>) semaphore(%arg13 : memref<!tpu.dma_semaphore, #tpu.memory_space<semaphore_mem>>)
        } else {
        }
      }
      %scan3A_45 = arith.constant 32 : i32
    }
    %scan3A_6 = arith.constant 5 : i32
    %barrier3A_7 = arith.constant 0 : index
    tpu.barrier barrier_id(%barrier3A_7)
    %mul3A_8 = arith.constant 632 : i32
    %mul3A_9 = arith.muli %arg1, %mul3A_8 : i32
    %mul3A_10 = arith.constant 632 : i32
    %mul3A_11 = arith.muli %arg1, %mul3A_10 : i32
    "tpu.region"() ({
      %run_scoped3A = tpu.sem_alloc : memref<!tpu.dma_semaphore, #tpu.memory_space<semaphore_mem>>
      %dma_start3A = arith.constant 0 : i32
      %dma_start3A_12 = arith.constant 0 : i32
      %dma_start3A_13 = tpu.memref_slice %arg6[%arg0, %dma_start3A, %dma_start3A_12] : memref<2x10112x128xf32, #tpu.memory_space<hbm>> -> memref<1x10112x128xf32, #tpu.memory_space<hbm>>
      %dma_start3A_14 = tpu.memref_squeeze %dma_start3A_13 : memref<1x10112x128xf32, #tpu.memory_space<hbm>> -> memref<10112x128xf32, #tpu.memory_space<hbm>>
      %dma_start3A_15 = arith.constant 0 : i32
      %dma_start3A_16 = tpu.memref_slice %dma_start3A_14[%mul3A_11, %dma_start3A_15] : memref<10112x128xf32, #tpu.memory_space<hbm>> -> memref<632x128xf32, #tpu.memory_space<hbm>>
      %dma_start3A_17 = arith.constant 0 : i32
      %dma_start3A_18 = tpu.memref_slice %arg11[%mul3A_9, %dma_start3A_17] : memref<10112x128xf32, #tpu.memory_space<vmem_shared>> -> memref<632x128xf32, #tpu.memory_space<vmem_shared>>
      tpu.enqueue_dma source(%dma_start3A_18 : memref<632x128xf32, #tpu.memory_space<vmem_shared>>) target(%dma_start3A_16 : memref<632x128xf32, #tpu.memory_space<hbm>>) target_semaphore(%run_scoped3A : memref<!tpu.dma_semaphore, #tpu.memory_space<semaphore_mem>>)
      %dma_wait3A = arith.constant 0 : i32
      %dma_wait3A_19 = arith.constant 0 : i32
      %dma_wait3A_20 = tpu.memref_slice %arg6[%arg0, %dma_wait3A, %dma_wait3A_19] : memref<2x10112x128xf32, #tpu.memory_space<hbm>> -> memref<1x10112x128xf32, #tpu.memory_space<hbm>>
      %dma_wait3A_21 = tpu.memref_squeeze %dma_wait3A_20 : memref<1x10112x128xf32, #tpu.memory_space<hbm>> -> memref<10112x128xf32, #tpu.memory_space<hbm>>
      %dma_wait3A_22 = arith.constant 0 : i32
      %dma_wait3A_23 = tpu.memref_slice %dma_wait3A_21[%mul3A_11, %dma_wait3A_22] : memref<10112x128xf32, #tpu.memory_space<hbm>> -> memref<632x128xf32, #tpu.memory_space<hbm>>
      %dma_wait3A_24 = arith.constant 0 : i32
      %dma_wait3A_25 = tpu.memref_slice %arg11[%mul3A_9, %dma_wait3A_24] : memref<10112x128xf32, #tpu.memory_space<vmem_shared>> -> memref<632x128xf32, #tpu.memory_space<vmem_shared>>
      tpu.wait_dma2 semaphore(%run_scoped3A : memref<!tpu.dma_semaphore, #tpu.memory_space<semaphore_mem>>) src(%dma_wait3A_25 : memref<632x128xf32, #tpu.memory_space<vmem_shared>>) dst(%dma_wait3A_23 : memref<632x128xf32, #tpu.memory_space<hbm>>)
      tpu.yield
    }) : () -> ()
    return
  }
}

#map = affine_map<(d0, d1) -> (0, 0, 0)>
#map1 = affine_map<(d0, d1) -> (0, 0)>
module attributes {stable_mosaic.version = 14 : i64} {
  func.func @_sc_layer_body(%arg0: i32, %arg1: i32, %arg2: memref<2x40000x128xf32, #tpu.memory_space<hbm>>, %arg3: memref<16x320x128xi32, #tpu.memory_space<hbm>>, %arg4: memref<16x320x128xi32, #tpu.memory_space<hbm>>, %arg5: memref<10112x128xf32, #tpu.memory_space<hbm>>, %arg6: memref<2x10112x128xf32, #tpu.memory_space<hbm>>, %arg7: memref<64x128xi32, #tpu.memory_space<vmem>>, %arg8: memref<64x128xi32, #tpu.memory_space<vmem>>, %arg9: memref<128x128xf32, #tpu.memory_space<vmem>>, %arg10: memref<128x128xf32, #tpu.memory_space<vmem>>, %arg11: memref<10112x128xf32, #tpu.memory_space<vmem_shared>>, %arg12: memref<!tpu.dma_semaphore, #tpu.memory_space<semaphore_mem>>, %arg13: memref<!tpu.dma_semaphore, #tpu.memory_space<semaphore_mem>>) attributes {dimension_semantics = [#tpu.dimension_semantics<core_parallel>, #tpu.dimension_semantics<subcore_parallel>], iteration_bounds = array<i64: 2, 16>, scalar_prefetch = 0 : i64, scratch_operands = 7 : i64, tpu.core_type = #tpu.core_type<sc_vector_subcore>, window_params = [{transform_indices = #map}, {transform_indices = #map}, {transform_indices = #map}, {transform_indices = #map1}, {transform_indices = #map}]} {
    %mul3A = arith.constant 632 : i32
    %mul3A_0 = arith.muli %arg1, %mul3A : i32
    %mul3A_1 = arith.constant 632 : i32
    %mul3A_2 = arith.muli %arg1, %mul3A_1 : i32
    "tpu.region"() ({
      %run_scoped3A = tpu.sem_alloc : memref<!tpu.dma_semaphore, #tpu.memory_space<semaphore_mem>>
      %dma_start3A = arith.constant 0 : i32
      %dma_start3A_12 = tpu.memref_slice %arg11[%mul3A_2, %dma_start3A] : memref<10112x128xf32, #tpu.memory_space<vmem_shared>> -> memref<632x128xf32, #tpu.memory_space<vmem_shared>>
      %dma_start3A_13 = arith.constant 0 : i32
      %dma_start3A_14 = tpu.memref_slice %arg5[%mul3A_0, %dma_start3A_13] : memref<10112x128xf32, #tpu.memory_space<hbm>> -> memref<632x128xf32, #tpu.memory_space<hbm>>
      tpu.enqueue_dma source(%dma_start3A_14 : memref<632x128xf32, #tpu.memory_space<hbm>>) target(%dma_start3A_12 : memref<632x128xf32, #tpu.memory_space<vmem_shared>>) target_semaphore(%run_scoped3A : memref<!tpu.dma_semaphore, #tpu.memory_space<semaphore_mem>>)
      %dma_wait3A = arith.constant 0 : i32
      %dma_wait3A_15 = tpu.memref_slice %arg11[%mul3A_2, %dma_wait3A] : memref<10112x128xf32, #tpu.memory_space<vmem_shared>> -> memref<632x128xf32, #tpu.memory_space<vmem_shared>>
      %dma_wait3A_16 = arith.constant 0 : i32
      %dma_wait3A_17 = tpu.memref_slice %arg5[%mul3A_0, %dma_wait3A_16] : memref<10112x128xf32, #tpu.memory_space<hbm>> -> memref<632x128xf32, #tpu.memory_space<hbm>>
      tpu.wait_dma2 semaphore(%run_scoped3A : memref<!tpu.dma_semaphore, #tpu.memory_space<semaphore_mem>>) src(%dma_wait3A_17 : memref<632x128xf32, #tpu.memory_space<hbm>>) dst(%dma_wait3A_15 : memref<632x128xf32, #tpu.memory_space<vmem_shared>>)
      tpu.yield
    }) : () -> ()
    %barrier3A = arith.constant 0 : index
    tpu.barrier barrier_id(%barrier3A)
    %scan3A = arith.constant 0 : i32
    %scan3A_3 = arith.constant 5 : i32
    %scan3A_4 = arith.addi %scan3A, %scan3A_3 : i32
    %scan3A_5 = arith.constant 1 : i32
    scf.for %scan3A_12 = %scan3A to %scan3A_4 step %scan3A_5  : i32 {
      %mul3A_13 = arith.constant 1 : i32
      %mul3A_14 = arith.muli %scan3A_12, %mul3A_13 : i32
      %add3A = arith.constant 0 : i32
      %add3A_15 = arith.addi %add3A, %mul3A_14 : i32
      %mul3A_16 = arith.constant 64 : i32
      %mul3A_17 = arith.muli %add3A_15, %mul3A_16 : i32
      "tpu.region"() ({
        %run_scoped3A = tpu.sem_alloc : memref<!tpu.dma_semaphore, #tpu.memory_space<semaphore_mem>>
        %dma_start3A_46 = arith.constant 0 : i32
        %dma_start3A_47 = arith.constant 0 : i32
        %dma_start3A_48 = tpu.memref_slice %arg3[%arg1, %dma_start3A_46, %dma_start3A_47] : memref<16x320x128xi32, #tpu.memory_space<hbm>> -> memref<1x320x128xi32, #tpu.memory_space<hbm>>
        %dma_start3A_49 = tpu.memref_squeeze %dma_start3A_48 : memref<1x320x128xi32, #tpu.memory_space<hbm>> -> memref<320x128xi32, #tpu.memory_space<hbm>>
        %dma_start3A_50 = arith.constant 0 : i32
        %dma_start3A_51 = tpu.memref_slice %dma_start3A_49[%mul3A_17, %dma_start3A_50] : memref<320x128xi32, #tpu.memory_space<hbm>> -> memref<64x128xi32, #tpu.memory_space<hbm>>
        %dma_start3A_52 = arith.constant 0 : i32
        %dma_start3A_53 = arith.constant 0 : i32
        %dma_start3A_54 = tpu.memref_slice %arg3[%arg1, %dma_start3A_52, %dma_start3A_53] : memref<16x320x128xi32, #tpu.memory_space<hbm>> -> memref<1x320x128xi32, #tpu.memory_space<hbm>>
        %dma_start3A_55 = tpu.memref_squeeze %dma_start3A_54 : memref<1x320x128xi32, #tpu.memory_space<hbm>> -> memref<320x128xi32, #tpu.memory_space<hbm>>
        %dma_start3A_56 = arith.constant 0 : i32
        %dma_start3A_57 = tpu.memref_slice %dma_start3A_55[%mul3A_17, %dma_start3A_56] : memref<320x128xi32, #tpu.memory_space<hbm>> -> memref<64x128xi32, #tpu.memory_space<hbm>>
        tpu.enqueue_dma source(%dma_start3A_57 : memref<64x128xi32, #tpu.memory_space<hbm>>) target(%arg7 : memref<64x128xi32, #tpu.memory_space<vmem>>) target_semaphore(%run_scoped3A : memref<!tpu.dma_semaphore, #tpu.memory_space<semaphore_mem>>)
        %dma_wait3A = arith.constant 0 : i32
        %dma_wait3A_58 = arith.constant 0 : i32
        %dma_wait3A_59 = tpu.memref_slice %arg3[%arg1, %dma_wait3A, %dma_wait3A_58] : memref<16x320x128xi32, #tpu.memory_space<hbm>> -> memref<1x320x128xi32, #tpu.memory_space<hbm>>
        %dma_wait3A_60 = tpu.memref_squeeze %dma_wait3A_59 : memref<1x320x128xi32, #tpu.memory_space<hbm>> -> memref<320x128xi32, #tpu.memory_space<hbm>>
        %dma_wait3A_61 = arith.constant 0 : i32
        %dma_wait3A_62 = tpu.memref_slice %dma_wait3A_60[%mul3A_17, %dma_wait3A_61] : memref<320x128xi32, #tpu.memory_space<hbm>> -> memref<64x128xi32, #tpu.memory_space<hbm>>
        %dma_wait3A_63 = arith.constant 0 : i32
        %dma_wait3A_64 = arith.constant 0 : i32
        %dma_wait3A_65 = tpu.memref_slice %arg3[%arg1, %dma_wait3A_63, %dma_wait3A_64] : memref<16x320x128xi32, #tpu.memory_space<hbm>> -> memref<1x320x128xi32, #tpu.memory_space<hbm>>
        %dma_wait3A_66 = tpu.memref_squeeze %dma_wait3A_65 : memref<1x320x128xi32, #tpu.memory_space<hbm>> -> memref<320x128xi32, #tpu.memory_space<hbm>>
        %dma_wait3A_67 = arith.constant 0 : i32
        %dma_wait3A_68 = tpu.memref_slice %dma_wait3A_66[%mul3A_17, %dma_wait3A_67] : memref<320x128xi32, #tpu.memory_space<hbm>> -> memref<64x128xi32, #tpu.memory_space<hbm>>
        tpu.wait_dma2 semaphore(%run_scoped3A : memref<!tpu.dma_semaphore, #tpu.memory_space<semaphore_mem>>) src(%dma_wait3A_68 : memref<64x128xi32, #tpu.memory_space<hbm>>) dst(%arg7 : memref<64x128xi32, #tpu.memory_space<vmem>>)
        tpu.yield
      }) : () -> ()
      %mul3A_18 = arith.constant 64 : i32
      %mul3A_19 = arith.muli %add3A_15, %mul3A_18 : i32
      "tpu.region"() ({
        %run_scoped3A = tpu.sem_alloc : memref<!tpu.dma_semaphore, #tpu.memory_space<semaphore_mem>>
        %dma_start3A_46 = arith.constant 0 : i32
        %dma_start3A_47 = arith.constant 0 : i32
        %dma_start3A_48 = tpu.memref_slice %arg4[%arg1, %dma_start3A_46, %dma_start3A_47] : memref<16x320x128xi32, #tpu.memory_space<hbm>> -> memref<1x320x128xi32, #tpu.memory_space<hbm>>
        %dma_start3A_49 = tpu.memref_squeeze %dma_start3A_48 : memref<1x320x128xi32, #tpu.memory_space<hbm>> -> memref<320x128xi32, #tpu.memory_space<hbm>>
        %dma_start3A_50 = arith.constant 0 : i32
        %dma_start3A_51 = tpu.memref_slice %dma_start3A_49[%mul3A_19, %dma_start3A_50] : memref<320x128xi32, #tpu.memory_space<hbm>> -> memref<64x128xi32, #tpu.memory_space<hbm>>
        %dma_start3A_52 = arith.constant 0 : i32
        %dma_start3A_53 = arith.constant 0 : i32
        %dma_start3A_54 = tpu.memref_slice %arg4[%arg1, %dma_start3A_52, %dma_start3A_53] : memref<16x320x128xi32, #tpu.memory_space<hbm>> -> memref<1x320x128xi32, #tpu.memory_space<hbm>>
        %dma_start3A_55 = tpu.memref_squeeze %dma_start3A_54 : memref<1x320x128xi32, #tpu.memory_space<hbm>> -> memref<320x128xi32, #tpu.memory_space<hbm>>
        %dma_start3A_56 = arith.constant 0 : i32
        %dma_start3A_57 = tpu.memref_slice %dma_start3A_55[%mul3A_19, %dma_start3A_56] : memref<320x128xi32, #tpu.memory_space<hbm>> -> memref<64x128xi32, #tpu.memory_space<hbm>>
        tpu.enqueue_dma source(%dma_start3A_57 : memref<64x128xi32, #tpu.memory_space<hbm>>) target(%arg8 : memref<64x128xi32, #tpu.memory_space<vmem>>) target_semaphore(%run_scoped3A : memref<!tpu.dma_semaphore, #tpu.memory_space<semaphore_mem>>)
        %dma_wait3A = arith.constant 0 : i32
        %dma_wait3A_58 = arith.constant 0 : i32
        %dma_wait3A_59 = tpu.memref_slice %arg4[%arg1, %dma_wait3A, %dma_wait3A_58] : memref<16x320x128xi32, #tpu.memory_space<hbm>> -> memref<1x320x128xi32, #tpu.memory_space<hbm>>
        %dma_wait3A_60 = tpu.memref_squeeze %dma_wait3A_59 : memref<1x320x128xi32, #tpu.memory_space<hbm>> -> memref<320x128xi32, #tpu.memory_space<hbm>>
        %dma_wait3A_61 = arith.constant 0 : i32
        %dma_wait3A_62 = tpu.memref_slice %dma_wait3A_60[%mul3A_19, %dma_wait3A_61] : memref<320x128xi32, #tpu.memory_space<hbm>> -> memref<64x128xi32, #tpu.memory_space<hbm>>
        %dma_wait3A_63 = arith.constant 0 : i32
        %dma_wait3A_64 = arith.constant 0 : i32
        %dma_wait3A_65 = tpu.memref_slice %arg4[%arg1, %dma_wait3A_63, %dma_wait3A_64] : memref<16x320x128xi32, #tpu.memory_space<hbm>> -> memref<1x320x128xi32, #tpu.memory_space<hbm>>
        %dma_wait3A_66 = tpu.memref_squeeze %dma_wait3A_65 : memref<1x320x128xi32, #tpu.memory_space<hbm>> -> memref<320x128xi32, #tpu.memory_space<hbm>>
        %dma_wait3A_67 = arith.constant 0 : i32
        %dma_wait3A_68 = tpu.memref_slice %dma_wait3A_66[%mul3A_19, %dma_wait3A_67] : memref<320x128xi32, #tpu.memory_space<hbm>> -> memref<64x128xi32, #tpu.memory_space<hbm>>
        tpu.wait_dma2 semaphore(%run_scoped3A : memref<!tpu.dma_semaphore, #tpu.memory_space<semaphore_mem>>) src(%dma_wait3A_68 : memref<64x128xi32, #tpu.memory_space<hbm>>) dst(%arg8 : memref<64x128xi32, #tpu.memory_space<vmem>>)
        tpu.yield
      }) : () -> ()
      %dma_start3A = arith.constant 0 : i32
      %dma_start3A_20 = arith.constant 0 : i32
      %dma_start3A_21 = tpu.memref_slice %arg7[%dma_start3A, %dma_start3A_20] : memref<64x128xi32, #tpu.memory_space<vmem>> -> memref<1x128xi32, #tpu.memory_space<vmem>>
      %dma_start3A_22 = tpu.memref_squeeze %dma_start3A_21 : memref<1x128xi32, #tpu.memory_space<vmem>> -> memref<128xi32, #tpu.memory_space<vmem>>
      %dma_start3A_23 = arith.constant 0 : i32
      %dma_start3A_24 = arith.constant 0 : i32
      %dma_start3A_25 = tpu.memref_slice %arg2[%arg0, %dma_start3A_23, %dma_start3A_24] : memref<2x40000x128xf32, #tpu.memory_space<hbm>> -> memref<1x40000x128xf32, #tpu.memory_space<hbm>>
      %dma_start3A_26 = tpu.memref_squeeze %dma_start3A_25 : memref<1x40000x128xf32, #tpu.memory_space<hbm>> -> memref<40000x128xf32, #tpu.memory_space<hbm>>
      %dma_start3A_27 = arith.constant 0 : i32
      %dma_start3A_28 = arith.constant 0 : i32
      %dma_start3A_29 = tpu.memref_slice %dma_start3A_26[%dma_start3A_27, %dma_start3A_28] : memref<40000x128xf32, #tpu.memory_space<hbm>> -> memref<40000x128xf32, #tpu.memory_space<hbm>>
      tpu.enqueue_indirect_dma source(%dma_start3A_29 : memref<40000x128xf32, #tpu.memory_space<hbm>>) target(%arg9 : memref<128x128xf32, #tpu.memory_space<vmem>>) offsets(%dma_start3A_22 : memref<128xi32, #tpu.memory_space<vmem>>) semaphore(%arg12 : memref<!tpu.dma_semaphore, #tpu.memory_space<semaphore_mem>>)
      %dma_start3A_30 = arith.constant 1 : i32
      %dma_start3A_31 = arith.constant 0 : i32
      %dma_start3A_32 = tpu.memref_slice %arg7[%dma_start3A_30, %dma_start3A_31] : memref<64x128xi32, #tpu.memory_space<vmem>> -> memref<1x128xi32, #tpu.memory_space<vmem>>
      %dma_start3A_33 = tpu.memref_squeeze %dma_start3A_32 : memref<1x128xi32, #tpu.memory_space<vmem>> -> memref<128xi32, #tpu.memory_space<vmem>>
      %dma_start3A_34 = arith.constant 0 : i32
      %dma_start3A_35 = arith.constant 0 : i32
      %dma_start3A_36 = tpu.memref_slice %arg2[%arg0, %dma_start3A_34, %dma_start3A_35] : memref<2x40000x128xf32, #tpu.memory_space<hbm>> -> memref<1x40000x128xf32, #tpu.memory_space<hbm>>
      %dma_start3A_37 = tpu.memref_squeeze %dma_start3A_36 : memref<1x40000x128xf32, #tpu.memory_space<hbm>> -> memref<40000x128xf32, #tpu.memory_space<hbm>>
      %dma_start3A_38 = arith.constant 0 : i32
      %dma_start3A_39 = arith.constant 0 : i32
      %dma_start3A_40 = tpu.memref_slice %dma_start3A_37[%dma_start3A_38, %dma_start3A_39] : memref<40000x128xf32, #tpu.memory_space<hbm>> -> memref<40000x128xf32, #tpu.memory_space<hbm>>
      tpu.enqueue_indirect_dma source(%dma_start3A_40 : memref<40000x128xf32, #tpu.memory_space<hbm>>) target(%arg10 : memref<128x128xf32, #tpu.memory_space<vmem>>) offsets(%dma_start3A_33 : memref<128xi32, #tpu.memory_space<vmem>>) semaphore(%arg13 : memref<!tpu.dma_semaphore, #tpu.memory_space<semaphore_mem>>)
      %scan3A_41 = arith.constant 0 : i32
      %scan3A_42 = arith.constant 32 : i32
      %scan3A_43 = arith.addi %scan3A_41, %scan3A_42 : i32
      %scan3A_44 = arith.constant 1 : i32
      scf.for %scan3A_46 = %scan3A_41 to %scan3A_43 step %scan3A_44  : i32 {
        %mul3A_47 = arith.constant 2 : i32
        %mul3A_48 = arith.muli %scan3A_46, %mul3A_47 : i32
        %add3A_49 = arith.constant 0 : i32
        %add3A_50 = arith.addi %add3A_49, %mul3A_48 : i32
        %dma_wait3A = arith.constant 0 : i32
        %dma_wait3A_51 = arith.constant 0 : i32
        %dma_wait3A_52 = tpu.memref_slice %arg7[%dma_wait3A, %dma_wait3A_51] : memref<64x128xi32, #tpu.memory_space<vmem>> -> memref<1x128xi32, #tpu.memory_space<vmem>>
        %dma_wait3A_53 = tpu.memref_squeeze %dma_wait3A_52 : memref<1x128xi32, #tpu.memory_space<vmem>> -> memref<128xi32, #tpu.memory_space<vmem>>
        %dma_wait3A_54 = arith.constant 0 : i32
        %dma_wait3A_55 = arith.constant 0 : i32
        %dma_wait3A_56 = tpu.memref_slice %arg2[%arg0, %dma_wait3A_54, %dma_wait3A_55] : memref<2x40000x128xf32, #tpu.memory_space<hbm>> -> memref<1x40000x128xf32, #tpu.memory_space<hbm>>
        %dma_wait3A_57 = tpu.memref_squeeze %dma_wait3A_56 : memref<1x40000x128xf32, #tpu.memory_space<hbm>> -> memref<40000x128xf32, #tpu.memory_space<hbm>>
        %dma_wait3A_58 = arith.constant 0 : i32
        %dma_wait3A_59 = arith.constant 0 : i32
        %dma_wait3A_60 = tpu.memref_slice %dma_wait3A_57[%dma_wait3A_58, %dma_wait3A_59] : memref<40000x128xf32, #tpu.memory_space<hbm>> -> memref<40000x128xf32, #tpu.memory_space<hbm>>
        tpu.wait_indirect_dma semaphore(%arg12 : memref<!tpu.dma_semaphore, #tpu.memory_space<semaphore_mem>>) src(%dma_wait3A_60 : memref<40000x128xf32, #tpu.memory_space<hbm>>) dst(%arg9 : memref<128x128xf32, #tpu.memory_space<vmem>>)
        "tpu.region"() ({
          %run_scoped3A = tpu.sem_alloc : memref<!tpu.dma_semaphore, #tpu.memory_space<semaphore_mem>>
          %dma_start3A_85 = arith.constant 0 : i32
          %dma_start3A_86 = tpu.memref_slice %arg8[%add3A_50, %dma_start3A_85] : memref<64x128xi32, #tpu.memory_space<vmem>> -> memref<1x128xi32, #tpu.memory_space<vmem>>
          %dma_start3A_87 = tpu.memref_squeeze %dma_start3A_86 : memref<1x128xi32, #tpu.memory_space<vmem>> -> memref<128xi32, #tpu.memory_space<vmem>>
          %dma_start3A_88 = arith.constant 0 : i32
          %dma_start3A_89 = arith.constant 0 : i32
          %dma_start3A_90 = tpu.memref_slice %arg11[%dma_start3A_88, %dma_start3A_89] : memref<10112x128xf32, #tpu.memory_space<vmem_shared>> -> memref<10112x128xf32, #tpu.memory_space<vmem_shared>>
          tpu.enqueue_indirect_dma source(%arg9 : memref<128x128xf32, #tpu.memory_space<vmem>>) target(%dma_start3A_90 : memref<10112x128xf32, #tpu.memory_space<vmem_shared>>) offsets(%dma_start3A_87 : memref<128xi32, #tpu.memory_space<vmem>>) semaphore(%run_scoped3A : memref<!tpu.dma_semaphore, #tpu.memory_space<semaphore_mem>>) {add = true}
          %dma_wait3A_91 = arith.constant 0 : i32
          %dma_wait3A_92 = tpu.memref_slice %arg8[%add3A_50, %dma_wait3A_91] : memref<64x128xi32, #tpu.memory_space<vmem>> -> memref<1x128xi32, #tpu.memory_space<vmem>>
          %dma_wait3A_93 = tpu.memref_squeeze %dma_wait3A_92 : memref<1x128xi32, #tpu.memory_space<vmem>> -> memref<128xi32, #tpu.memory_space<vmem>>
          %dma_wait3A_94 = arith.constant 0 : i32
          %dma_wait3A_95 = arith.constant 0 : i32
          %dma_wait3A_96 = tpu.memref_slice %arg11[%dma_wait3A_94, %dma_wait3A_95] : memref<10112x128xf32, #tpu.memory_space<vmem_shared>> -> memref<10112x128xf32, #tpu.memory_space<vmem_shared>>
          tpu.wait_indirect_dma semaphore(%run_scoped3A : memref<!tpu.dma_semaphore, #tpu.memory_space<semaphore_mem>>) src(%arg9 : memref<128x128xf32, #tpu.memory_space<vmem>>) dst(%dma_wait3A_96 : memref<10112x128xf32, #tpu.memory_space<vmem_shared>>)
          tpu.yield
        }) : () -> ()
        %add3A_61 = arith.constant 2 : i32
        %add3A_62 = arith.addi %add3A_50, %add3A_61 : i32
        %lt3A = arith.constant 64 : i32
        %lt3A_63 = arith.cmpi slt, %add3A_62, %lt3A : i32
        %convert_element_type3A = arith.extui %lt3A_63 : i1 to i32
        %cond3A = arith.constant 0 : i32
        %cond3A_64 = arith.cmpi ne, %convert_element_type3A, %cond3A : i32
        scf.if %cond3A_64 {
          %add3A_85 = arith.constant 2 : i32
          %add3A_86 = arith.addi %add3A_50, %add3A_85 : i32
          %dma_start3A_87 = arith.constant 0 : i32
          %dma_start3A_88 = tpu.memref_slice %arg7[%add3A_86, %dma_start3A_87] : memref<64x128xi32, #tpu.memory_space<vmem>> -> memref<1x128xi32, #tpu.memory_space<vmem>>
          %dma_start3A_89 = tpu.memref_squeeze %dma_start3A_88 : memref<1x128xi32, #tpu.memory_space<vmem>> -> memref<128xi32, #tpu.memory_space<vmem>>
          %dma_start3A_90 = arith.constant 0 : i32
          %dma_start3A_91 = arith.constant 0 : i32
          %dma_start3A_92 = tpu.memref_slice %arg2[%arg0, %dma_start3A_90, %dma_start3A_91] : memref<2x40000x128xf32, #tpu.memory_space<hbm>> -> memref<1x40000x128xf32, #tpu.memory_space<hbm>>
          %dma_start3A_93 = tpu.memref_squeeze %dma_start3A_92 : memref<1x40000x128xf32, #tpu.memory_space<hbm>> -> memref<40000x128xf32, #tpu.memory_space<hbm>>
          %dma_start3A_94 = arith.constant 0 : i32
          %dma_start3A_95 = arith.constant 0 : i32
          %dma_start3A_96 = tpu.memref_slice %dma_start3A_93[%dma_start3A_94, %dma_start3A_95] : memref<40000x128xf32, #tpu.memory_space<hbm>> -> memref<40000x128xf32, #tpu.memory_space<hbm>>
          tpu.enqueue_indirect_dma source(%dma_start3A_96 : memref<40000x128xf32, #tpu.memory_space<hbm>>) target(%arg9 : memref<128x128xf32, #tpu.memory_space<vmem>>) offsets(%dma_start3A_89 : memref<128xi32, #tpu.memory_space<vmem>>) semaphore(%arg12 : memref<!tpu.dma_semaphore, #tpu.memory_space<semaphore_mem>>)
        } else {
        }
        %dma_wait3A_65 = arith.constant 1 : i32
        %dma_wait3A_66 = arith.constant 0 : i32
        %dma_wait3A_67 = tpu.memref_slice %arg7[%dma_wait3A_65, %dma_wait3A_66] : memref<64x128xi32, #tpu.memory_space<vmem>> -> memref<1x128xi32, #tpu.memory_space<vmem>>
        %dma_wait3A_68 = tpu.memref_squeeze %dma_wait3A_67 : memref<1x128xi32, #tpu.memory_space<vmem>> -> memref<128xi32, #tpu.memory_space<vmem>>
        %dma_wait3A_69 = arith.constant 0 : i32
        %dma_wait3A_70 = arith.constant 0 : i32
        %dma_wait3A_71 = tpu.memref_slice %arg2[%arg0, %dma_wait3A_69, %dma_wait3A_70] : memref<2x40000x128xf32, #tpu.memory_space<hbm>> -> memref<1x40000x128xf32, #tpu.memory_space<hbm>>
        %dma_wait3A_72 = tpu.memref_squeeze %dma_wait3A_71 : memref<1x40000x128xf32, #tpu.memory_space<hbm>> -> memref<40000x128xf32, #tpu.memory_space<hbm>>
        %dma_wait3A_73 = arith.constant 0 : i32
        %dma_wait3A_74 = arith.constant 0 : i32
        %dma_wait3A_75 = tpu.memref_slice %dma_wait3A_72[%dma_wait3A_73, %dma_wait3A_74] : memref<40000x128xf32, #tpu.memory_space<hbm>> -> memref<40000x128xf32, #tpu.memory_space<hbm>>
        tpu.wait_indirect_dma semaphore(%arg13 : memref<!tpu.dma_semaphore, #tpu.memory_space<semaphore_mem>>) src(%dma_wait3A_75 : memref<40000x128xf32, #tpu.memory_space<hbm>>) dst(%arg10 : memref<128x128xf32, #tpu.memory_space<vmem>>)
        %add3A_76 = arith.constant 1 : i32
        %add3A_77 = arith.addi %add3A_50, %add3A_76 : i32
        "tpu.region"() ({
          %run_scoped3A = tpu.sem_alloc : memref<!tpu.dma_semaphore, #tpu.memory_space<semaphore_mem>>
          %dma_start3A_85 = arith.constant 0 : i32
          %dma_start3A_86 = tpu.memref_slice %arg8[%add3A_77, %dma_start3A_85] : memref<64x128xi32, #tpu.memory_space<vmem>> -> memref<1x128xi32, #tpu.memory_space<vmem>>
          %dma_start3A_87 = tpu.memref_squeeze %dma_start3A_86 : memref<1x128xi32, #tpu.memory_space<vmem>> -> memref<128xi32, #tpu.memory_space<vmem>>
          %dma_start3A_88 = arith.constant 0 : i32
          %dma_start3A_89 = arith.constant 0 : i32
          %dma_start3A_90 = tpu.memref_slice %arg11[%dma_start3A_88, %dma_start3A_89] : memref<10112x128xf32, #tpu.memory_space<vmem_shared>> -> memref<10112x128xf32, #tpu.memory_space<vmem_shared>>
          tpu.enqueue_indirect_dma source(%arg10 : memref<128x128xf32, #tpu.memory_space<vmem>>) target(%dma_start3A_90 : memref<10112x128xf32, #tpu.memory_space<vmem_shared>>) offsets(%dma_start3A_87 : memref<128xi32, #tpu.memory_space<vmem>>) semaphore(%run_scoped3A : memref<!tpu.dma_semaphore, #tpu.memory_space<semaphore_mem>>) {add = true}
          %dma_wait3A_91 = arith.constant 0 : i32
          %dma_wait3A_92 = tpu.memref_slice %arg8[%add3A_77, %dma_wait3A_91] : memref<64x128xi32, #tpu.memory_space<vmem>> -> memref<1x128xi32, #tpu.memory_space<vmem>>
          %dma_wait3A_93 = tpu.memref_squeeze %dma_wait3A_92 : memref<1x128xi32, #tpu.memory_space<vmem>> -> memref<128xi32, #tpu.memory_space<vmem>>
          %dma_wait3A_94 = arith.constant 0 : i32
          %dma_wait3A_95 = arith.constant 0 : i32
          %dma_wait3A_96 = tpu.memref_slice %arg11[%dma_wait3A_94, %dma_wait3A_95] : memref<10112x128xf32, #tpu.memory_space<vmem_shared>> -> memref<10112x128xf32, #tpu.memory_space<vmem_shared>>
          tpu.wait_indirect_dma semaphore(%run_scoped3A : memref<!tpu.dma_semaphore, #tpu.memory_space<semaphore_mem>>) src(%arg10 : memref<128x128xf32, #tpu.memory_space<vmem>>) dst(%dma_wait3A_96 : memref<10112x128xf32, #tpu.memory_space<vmem_shared>>)
          tpu.yield
        }) : () -> ()
        %add3A_78 = arith.constant 3 : i32
        %add3A_79 = arith.addi %add3A_50, %add3A_78 : i32
        %lt3A_80 = arith.constant 64 : i32
        %lt3A_81 = arith.cmpi slt, %add3A_79, %lt3A_80 : i32
        %convert_element_type3A_82 = arith.extui %lt3A_81 : i1 to i32
        %cond3A_83 = arith.constant 0 : i32
        %cond3A_84 = arith.cmpi ne, %convert_element_type3A_82, %cond3A_83 : i32
        scf.if %cond3A_84 {
          %add3A_85 = arith.constant 3 : i32
          %add3A_86 = arith.addi %add3A_50, %add3A_85 : i32
          %dma_start3A_87 = arith.constant 0 : i32
          %dma_start3A_88 = tpu.memref_slice %arg7[%add3A_86, %dma_start3A_87] : memref<64x128xi32, #tpu.memory_space<vmem>> -> memref<1x128xi32, #tpu.memory_space<vmem>>
          %dma_start3A_89 = tpu.memref_squeeze %dma_start3A_88 : memref<1x128xi32, #tpu.memory_space<vmem>> -> memref<128xi32, #tpu.memory_space<vmem>>
          %dma_start3A_90 = arith.constant 0 : i32
          %dma_start3A_91 = arith.constant 0 : i32
          %dma_start3A_92 = tpu.memref_slice %arg2[%arg0, %dma_start3A_90, %dma_start3A_91] : memref<2x40000x128xf32, #tpu.memory_space<hbm>> -> memref<1x40000x128xf32, #tpu.memory_space<hbm>>
          %dma_start3A_93 = tpu.memref_squeeze %dma_start3A_92 : memref<1x40000x128xf32, #tpu.memory_space<hbm>> -> memref<40000x128xf32, #tpu.memory_space<hbm>>
          %dma_start3A_94 = arith.constant 0 : i32
          %dma_start3A_95 = arith.constant 0 : i32
          %dma_start3A_96 = tpu.memref_slice %dma_start3A_93[%dma_start3A_94, %dma_start3A_95] : memref<40000x128xf32, #tpu.memory_space<hbm>> -> memref<40000x128xf32, #tpu.memory_space<hbm>>
          tpu.enqueue_indirect_dma source(%dma_start3A_96 : memref<40000x128xf32, #tpu.memory_space<hbm>>) target(%arg10 : memref<128x128xf32, #tpu.memory_space<vmem>>) offsets(%dma_start3A_89 : memref<128xi32, #tpu.memory_space<vmem>>) semaphore(%arg13 : memref<!tpu.dma_semaphore, #tpu.memory_space<semaphore_mem>>)
        } else {
        }
      }
      %scan3A_45 = arith.constant 32 : i32
    }
    %scan3A_6 = arith.constant 5 : i32
    %barrier3A_7 = arith.constant 0 : index
    tpu.barrier barrier_id(%barrier3A_7)
    %mul3A_8 = arith.constant 632 : i32
    %mul3A_9 = arith.muli %arg1, %mul3A_8 : i32
    %mul3A_10 = arith.constant 632 : i32
    %mul3A_11 = arith.muli %arg1, %mul3A_10 : i32
    "tpu.region"() ({
      %run_scoped3A = tpu.sem_alloc : memref<!tpu.dma_semaphore, #tpu.memory_space<semaphore_mem>>
      %dma_start3A = arith.constant 0 : i32
      %dma_start3A_12 = arith.constant 0 : i32
      %dma_start3A_13 = tpu.memref_slice %arg6[%arg0, %dma_start3A, %dma_start3A_12] : memref<2x10112x128xf32, #tpu.memory_space<hbm>> -> memref<1x10112x128xf32, #tpu.memory_space<hbm>>
      %dma_start3A_14 = tpu.memref_squeeze %dma_start3A_13 : memref<1x10112x128xf32, #tpu.memory_space<hbm>> -> memref<10112x128xf32, #tpu.memory_space<hbm>>
      %dma_start3A_15 = arith.constant 0 : i32
      %dma_start3A_16 = tpu.memref_slice %dma_start3A_14[%mul3A_11, %dma_start3A_15] : memref<10112x128xf32, #tpu.memory_space<hbm>> -> memref<632x128xf32, #tpu.memory_space<hbm>>
      %dma_start3A_17 = arith.constant 0 : i32
      %dma_start3A_18 = tpu.memref_slice %arg11[%mul3A_9, %dma_start3A_17] : memref<10112x128xf32, #tpu.memory_space<vmem_shared>> -> memref<632x128xf32, #tpu.memory_space<vmem_shared>>
      tpu.enqueue_dma source(%dma_start3A_18 : memref<632x128xf32, #tpu.memory_space<vmem_shared>>) target(%dma_start3A_16 : memref<632x128xf32, #tpu.memory_space<hbm>>) target_semaphore(%run_scoped3A : memref<!tpu.dma_semaphore, #tpu.memory_space<semaphore_mem>>)
      %dma_wait3A = arith.constant 0 : i32
      %dma_wait3A_19 = arith.constant 0 : i32
      %dma_wait3A_20 = tpu.memref_slice %arg6[%arg0, %dma_wait3A, %dma_wait3A_19] : memref<2x10112x128xf32, #tpu.memory_space<hbm>> -> memref<1x10112x128xf32, #tpu.memory_space<hbm>>
      %dma_wait3A_21 = tpu.memref_squeeze %dma_wait3A_20 : memref<1x10112x128xf32, #tpu.memory_space<hbm>> -> memref<10112x128xf32, #tpu.memory_space<hbm>>
      %dma_wait3A_22 = arith.constant 0 : i32
      %dma_wait3A_23 = tpu.memref_slice %dma_wait3A_21[%mul3A_11, %dma_wait3A_22] : memref<10112x128xf32, #tpu.memory_space<hbm>> -> memref<632x128xf32, #tpu.memory_space<hbm>>
      %dma_wait3A_24 = arith.constant 0 : i32
      %dma_wait3A_25 = tpu.memref_slice %arg11[%mul3A_9, %dma_wait3A_24] : memref<10112x128xf32, #tpu.memory_space<vmem_shared>> -> memref<632x128xf32, #tpu.memory_space<vmem_shared>>
      tpu.wait_dma2 semaphore(%run_scoped3A : memref<!tpu.dma_semaphore, #tpu.memory_space<semaphore_mem>>) src(%dma_wait3A_25 : memref<632x128xf32, #tpu.memory_space<vmem_shared>>) dst(%dma_wait3A_23 : memref<632x128xf32, #tpu.memory_space<hbm>>)
      tpu.yield
    }) : () -> ()
    return
  }
}

#map = affine_map<(d0, d1) -> (0, 0, 0)>
#map1 = affine_map<(d0, d1) -> (0, 0)>
module attributes {stable_mosaic.version = 14 : i64} {
  func.func @_sc_deg_body(%arg0: i32, %arg1: i32, %arg2: memref<32x157x128xi32, #tpu.memory_space<hbm>>, %arg3: memref<128x128xf32, #tpu.memory_space<hbm>>, %arg4: memref<10112x128xf32, #tpu.memory_space<hbm>>, %arg5: memref<2x10112x128xf32, #tpu.memory_space<hbm>>, %arg6: memref<157x128xi32, #tpu.memory_space<vmem>>, %arg7: memref<128x128xf32, #tpu.memory_space<vmem>>, %arg8: memref<10112x128xf32, #tpu.memory_space<vmem_shared>>) attributes {dimension_semantics = [#tpu.dimension_semantics<core_parallel>, #tpu.dimension_semantics<subcore_parallel>], iteration_bounds = array<i64: 2, 16>, scalar_prefetch = 0 : i64, scratch_operands = 3 : i64, tpu.core_type = #tpu.core_type<sc_vector_subcore>, window_params = [{transform_indices = #map}, {transform_indices = #map1}, {transform_indices = #map1}, {transform_indices = #map}]} {
    %mul3A = arith.constant 16 : i32
    %mul3A_0 = arith.muli %arg0, %mul3A : i32
    %add3A = arith.addi %mul3A_0, %arg1 : i32
    "tpu.region"() ({
      %run_scoped3A = tpu.sem_alloc : memref<!tpu.dma_semaphore, #tpu.memory_space<semaphore_mem>>
      %dma_start3A = arith.constant 0 : i32
      %dma_start3A_14 = arith.constant 0 : i32
      %dma_start3A_15 = tpu.memref_slice %arg2[%add3A, %dma_start3A, %dma_start3A_14] : memref<32x157x128xi32, #tpu.memory_space<hbm>> -> memref<1x157x128xi32, #tpu.memory_space<hbm>>
      %dma_start3A_16 = tpu.memref_squeeze %dma_start3A_15 : memref<1x157x128xi32, #tpu.memory_space<hbm>> -> memref<157x128xi32, #tpu.memory_space<hbm>>
      %dma_start3A_17 = arith.constant 0 : i32
      %dma_start3A_18 = arith.constant 0 : i32
      %dma_start3A_19 = tpu.memref_slice %arg2[%add3A, %dma_start3A_17, %dma_start3A_18] : memref<32x157x128xi32, #tpu.memory_space<hbm>> -> memref<1x157x128xi32, #tpu.memory_space<hbm>>
      %dma_start3A_20 = tpu.memref_squeeze %dma_start3A_19 : memref<1x157x128xi32, #tpu.memory_space<hbm>> -> memref<157x128xi32, #tpu.memory_space<hbm>>
      tpu.enqueue_dma source(%dma_start3A_20 : memref<157x128xi32, #tpu.memory_space<hbm>>) target(%arg6 : memref<157x128xi32, #tpu.memory_space<vmem>>) target_semaphore(%run_scoped3A : memref<!tpu.dma_semaphore, #tpu.memory_space<semaphore_mem>>)
      %dma_wait3A = arith.constant 0 : i32
      %dma_wait3A_21 = arith.constant 0 : i32
      %dma_wait3A_22 = tpu.memref_slice %arg2[%add3A, %dma_wait3A, %dma_wait3A_21] : memref<32x157x128xi32, #tpu.memory_space<hbm>> -> memref<1x157x128xi32, #tpu.memory_space<hbm>>
      %dma_wait3A_23 = tpu.memref_squeeze %dma_wait3A_22 : memref<1x157x128xi32, #tpu.memory_space<hbm>> -> memref<157x128xi32, #tpu.memory_space<hbm>>
      %dma_wait3A_24 = arith.constant 0 : i32
      %dma_wait3A_25 = arith.constant 0 : i32
      %dma_wait3A_26 = tpu.memref_slice %arg2[%add3A, %dma_wait3A_24, %dma_wait3A_25] : memref<32x157x128xi32, #tpu.memory_space<hbm>> -> memref<1x157x128xi32, #tpu.memory_space<hbm>>
      %dma_wait3A_27 = tpu.memref_squeeze %dma_wait3A_26 : memref<1x157x128xi32, #tpu.memory_space<hbm>> -> memref<157x128xi32, #tpu.memory_space<hbm>>
      tpu.wait_dma2 semaphore(%run_scoped3A : memref<!tpu.dma_semaphore, #tpu.memory_space<semaphore_mem>>) src(%dma_wait3A_27 : memref<157x128xi32, #tpu.memory_space<hbm>>) dst(%arg6 : memref<157x128xi32, #tpu.memory_space<vmem>>)
      tpu.yield
    }) : () -> ()
    "tpu.region"() ({
      %run_scoped3A = tpu.sem_alloc : memref<!tpu.dma_semaphore, #tpu.memory_space<semaphore_mem>>
      tpu.enqueue_dma source(%arg3 : memref<128x128xf32, #tpu.memory_space<hbm>>) target(%arg7 : memref<128x128xf32, #tpu.memory_space<vmem>>) target_semaphore(%run_scoped3A : memref<!tpu.dma_semaphore, #tpu.memory_space<semaphore_mem>>)
      tpu.wait_dma2 semaphore(%run_scoped3A : memref<!tpu.dma_semaphore, #tpu.memory_space<semaphore_mem>>) src(%arg3 : memref<128x128xf32, #tpu.memory_space<hbm>>) dst(%arg7 : memref<128x128xf32, #tpu.memory_space<vmem>>)
      tpu.yield
    }) : () -> ()
    %mul3A_1 = arith.constant 632 : i32
    %mul3A_2 = arith.muli %arg1, %mul3A_1 : i32
    %mul3A_3 = arith.constant 632 : i32
    %mul3A_4 = arith.muli %arg1, %mul3A_3 : i32
    "tpu.region"() ({
      %run_scoped3A = tpu.sem_alloc : memref<!tpu.dma_semaphore, #tpu.memory_space<semaphore_mem>>
      %dma_start3A = arith.constant 0 : i32
      %dma_start3A_14 = tpu.memref_slice %arg8[%mul3A_4, %dma_start3A] : memref<10112x128xf32, #tpu.memory_space<vmem_shared>> -> memref<632x128xf32, #tpu.memory_space<vmem_shared>>
      %dma_start3A_15 = arith.constant 0 : i32
      %dma_start3A_16 = tpu.memref_slice %arg4[%mul3A_2, %dma_start3A_15] : memref<10112x128xf32, #tpu.memory_space<hbm>> -> memref<632x128xf32, #tpu.memory_space<hbm>>
      tpu.enqueue_dma source(%dma_start3A_16 : memref<632x128xf32, #tpu.memory_space<hbm>>) target(%dma_start3A_14 : memref<632x128xf32, #tpu.memory_space<vmem_shared>>) target_semaphore(%run_scoped3A : memref<!tpu.dma_semaphore, #tpu.memory_space<semaphore_mem>>)
      %dma_wait3A = arith.constant 0 : i32
      %dma_wait3A_17 = tpu.memref_slice %arg8[%mul3A_4, %dma_wait3A] : memref<10112x128xf32, #tpu.memory_space<vmem_shared>> -> memref<632x128xf32, #tpu.memory_space<vmem_shared>>
      %dma_wait3A_18 = arith.constant 0 : i32
      %dma_wait3A_19 = tpu.memref_slice %arg4[%mul3A_2, %dma_wait3A_18] : memref<10112x128xf32, #tpu.memory_space<hbm>> -> memref<632x128xf32, #tpu.memory_space<hbm>>
      tpu.wait_dma2 semaphore(%run_scoped3A : memref<!tpu.dma_semaphore, #tpu.memory_space<semaphore_mem>>) src(%dma_wait3A_19 : memref<632x128xf32, #tpu.memory_space<hbm>>) dst(%dma_wait3A_17 : memref<632x128xf32, #tpu.memory_space<vmem_shared>>)
      tpu.yield
    }) : () -> ()
    %barrier3A = arith.constant 0 : index
    tpu.barrier barrier_id(%barrier3A)
    %scan3A = arith.constant 0 : i32
    %scan3A_5 = arith.constant 157 : i32
    %scan3A_6 = arith.addi %scan3A, %scan3A_5 : i32
    %scan3A_7 = arith.constant 1 : i32
    scf.for %scan3A_14 = %scan3A to %scan3A_6 step %scan3A_7  : i32 {
      %mul3A_15 = arith.constant 1 : i32
      %mul3A_16 = arith.muli %scan3A_14, %mul3A_15 : i32
      %add3A_17 = arith.constant 0 : i32
      %add3A_18 = arith.addi %add3A_17, %mul3A_16 : i32
      "tpu.region"() ({
        %run_scoped3A = tpu.sem_alloc : memref<!tpu.dma_semaphore, #tpu.memory_space<semaphore_mem>>
        %dma_start3A = arith.constant 0 : i32
        %dma_start3A_19 = tpu.memref_slice %arg6[%add3A_18, %dma_start3A] : memref<157x128xi32, #tpu.memory_space<vmem>> -> memref<1x128xi32, #tpu.memory_space<vmem>>
        %dma_start3A_20 = tpu.memref_squeeze %dma_start3A_19 : memref<1x128xi32, #tpu.memory_space<vmem>> -> memref<128xi32, #tpu.memory_space<vmem>>
        %dma_start3A_21 = arith.constant 0 : i32
        %dma_start3A_22 = arith.constant 0 : i32
        %dma_start3A_23 = tpu.memref_slice %arg8[%dma_start3A_21, %dma_start3A_22] : memref<10112x128xf32, #tpu.memory_space<vmem_shared>> -> memref<10112x128xf32, #tpu.memory_space<vmem_shared>>
        tpu.enqueue_indirect_dma source(%arg7 : memref<128x128xf32, #tpu.memory_space<vmem>>) target(%dma_start3A_23 : memref<10112x128xf32, #tpu.memory_space<vmem_shared>>) offsets(%dma_start3A_20 : memref<128xi32, #tpu.memory_space<vmem>>) semaphore(%run_scoped3A : memref<!tpu.dma_semaphore, #tpu.memory_space<semaphore_mem>>) {add = true}
        %dma_wait3A = arith.constant 0 : i32
        %dma_wait3A_24 = tpu.memref_slice %arg6[%add3A_18, %dma_wait3A] : memref<157x128xi32, #tpu.memory_space<vmem>> -> memref<1x128xi32, #tpu.memory_space<vmem>>
        %dma_wait3A_25 = tpu.memref_squeeze %dma_wait3A_24 : memref<1x128xi32, #tpu.memory_space<vmem>> -> memref<128xi32, #tpu.memory_space<vmem>>
        %dma_wait3A_26 = arith.constant 0 : i32
        %dma_wait3A_27 = arith.constant 0 : i32
        %dma_wait3A_28 = tpu.memref_slice %arg8[%dma_wait3A_26, %dma_wait3A_27] : memref<10112x128xf32, #tpu.memory_space<vmem_shared>> -> memref<10112x128xf32, #tpu.memory_space<vmem_shared>>
        tpu.wait_indirect_dma semaphore(%run_scoped3A : memref<!tpu.dma_semaphore, #tpu.memory_space<semaphore_mem>>) src(%arg7 : memref<128x128xf32, #tpu.memory_space<vmem>>) dst(%dma_wait3A_28 : memref<10112x128xf32, #tpu.memory_space<vmem_shared>>)
        tpu.yield
      }) : () -> ()
    }
    %scan3A_8 = arith.constant 157 : i32
    %barrier3A_9 = arith.constant 0 : index
    tpu.barrier barrier_id(%barrier3A_9)
    %mul3A_10 = arith.constant 632 : i32
    %mul3A_11 = arith.muli %arg1, %mul3A_10 : i32
    %mul3A_12 = arith.constant 632 : i32
    %mul3A_13 = arith.muli %arg1, %mul3A_12 : i32
    "tpu.region"() ({
      %run_scoped3A = tpu.sem_alloc : memref<!tpu.dma_semaphore, #tpu.memory_space<semaphore_mem>>
      %dma_start3A = arith.constant 0 : i32
      %dma_start3A_14 = arith.constant 0 : i32
      %dma_start3A_15 = tpu.memref_slice %arg5[%arg0, %dma_start3A, %dma_start3A_14] : memref<2x10112x128xf32, #tpu.memory_space<hbm>> -> memref<1x10112x128xf32, #tpu.memory_space<hbm>>
      %dma_start3A_16 = tpu.memref_squeeze %dma_start3A_15 : memref<1x10112x128xf32, #tpu.memory_space<hbm>> -> memref<10112x128xf32, #tpu.memory_space<hbm>>
      %dma_start3A_17 = arith.constant 0 : i32
      %dma_start3A_18 = tpu.memref_slice %dma_start3A_16[%mul3A_13, %dma_start3A_17] : memref<10112x128xf32, #tpu.memory_space<hbm>> -> memref<632x128xf32, #tpu.memory_space<hbm>>
      %dma_start3A_19 = arith.constant 0 : i32
      %dma_start3A_20 = tpu.memref_slice %arg8[%mul3A_11, %dma_start3A_19] : memref<10112x128xf32, #tpu.memory_space<vmem_shared>> -> memref<632x128xf32, #tpu.memory_space<vmem_shared>>
      tpu.enqueue_dma source(%dma_start3A_20 : memref<632x128xf32, #tpu.memory_space<vmem_shared>>) target(%dma_start3A_18 : memref<632x128xf32, #tpu.memory_space<hbm>>) target_semaphore(%run_scoped3A : memref<!tpu.dma_semaphore, #tpu.memory_space<semaphore_mem>>)
      %dma_wait3A = arith.constant 0 : i32
      %dma_wait3A_21 = arith.constant 0 : i32
      %dma_wait3A_22 = tpu.memref_slice %arg5[%arg0, %dma_wait3A, %dma_wait3A_21] : memref<2x10112x128xf32, #tpu.memory_space<hbm>> -> memref<1x10112x128xf32, #tpu.memory_space<hbm>>
      %dma_wait3A_23 = tpu.memref_squeeze %dma_wait3A_22 : memref<1x10112x128xf32, #tpu.memory_space<hbm>> -> memref<10112x128xf32, #tpu.memory_space<hbm>>
      %dma_wait3A_24 = arith.constant 0 : i32
      %dma_wait3A_25 = tpu.memref_slice %dma_wait3A_23[%mul3A_13, %dma_wait3A_24] : memref<10112x128xf32, #tpu.memory_space<hbm>> -> memref<632x128xf32, #tpu.memory_space<hbm>>
      %dma_wait3A_26 = arith.constant 0 : i32
      %dma_wait3A_27 = tpu.memref_slice %arg8[%mul3A_11, %dma_wait3A_26] : memref<10112x128xf32, #tpu.memory_space<vmem_shared>> -> memref<632x128xf32, #tpu.memory_space<vmem_shared>>
      tpu.wait_dma2 semaphore(%run_scoped3A : memref<!tpu.dma_semaphore, #tpu.memory_space<semaphore_mem>>) src(%dma_wait3A_27 : memref<632x128xf32, #tpu.memory_space<vmem_shared>>) dst(%dma_wait3A_25 : memref<632x128xf32, #tpu.memory_space<hbm>>)
      tpu.yield
    }) : () -> ()
    return
  }
}

#map = affine_map<(d0, d1) -> (0, 0, 0)>
#map1 = affine_map<(d0, d1) -> (0, 0)>
module attributes {stable_mosaic.version = 14 : i64} {
  func.func @_sc_layer_body(%arg0: i32, %arg1: i32, %arg2: memref<2x40000x128xf32, #tpu.memory_space<hbm>>, %arg3: memref<16x320x128xi32, #tpu.memory_space<hbm>>, %arg4: memref<16x320x128xi32, #tpu.memory_space<hbm>>, %arg5: memref<10112x128xf32, #tpu.memory_space<hbm>>, %arg6: memref<2x10112x128xf32, #tpu.memory_space<hbm>>, %arg7: memref<64x128xi32, #tpu.memory_space<vmem>>, %arg8: memref<64x128xi32, #tpu.memory_space<vmem>>, %arg9: memref<128x128xf32, #tpu.memory_space<vmem>>, %arg10: memref<128x128xf32, #tpu.memory_space<vmem>>, %arg11: memref<10112x128xf32, #tpu.memory_space<vmem_shared>>, %arg12: memref<!tpu.dma_semaphore, #tpu.memory_space<semaphore_mem>>, %arg13: memref<!tpu.dma_semaphore, #tpu.memory_space<semaphore_mem>>) attributes {dimension_semantics = [#tpu.dimension_semantics<core_parallel>, #tpu.dimension_semantics<subcore_parallel>], iteration_bounds = array<i64: 2, 16>, scalar_prefetch = 0 : i64, scratch_operands = 7 : i64, tpu.core_type = #tpu.core_type<sc_vector_subcore>, window_params = [{transform_indices = #map}, {transform_indices = #map}, {transform_indices = #map}, {transform_indices = #map1}, {transform_indices = #map}]} {
    %mul3A = arith.constant 632 : i32
    %mul3A_0 = arith.muli %arg1, %mul3A : i32
    %mul3A_1 = arith.constant 632 : i32
    %mul3A_2 = arith.muli %arg1, %mul3A_1 : i32
    "tpu.region"() ({
      %run_scoped3A = tpu.sem_alloc : memref<!tpu.dma_semaphore, #tpu.memory_space<semaphore_mem>>
      %dma_start3A = arith.constant 0 : i32
      %dma_start3A_12 = tpu.memref_slice %arg11[%mul3A_2, %dma_start3A] : memref<10112x128xf32, #tpu.memory_space<vmem_shared>> -> memref<632x128xf32, #tpu.memory_space<vmem_shared>>
      %dma_start3A_13 = arith.constant 0 : i32
      %dma_start3A_14 = tpu.memref_slice %arg5[%mul3A_0, %dma_start3A_13] : memref<10112x128xf32, #tpu.memory_space<hbm>> -> memref<632x128xf32, #tpu.memory_space<hbm>>
      tpu.enqueue_dma source(%dma_start3A_14 : memref<632x128xf32, #tpu.memory_space<hbm>>) target(%dma_start3A_12 : memref<632x128xf32, #tpu.memory_space<vmem_shared>>) target_semaphore(%run_scoped3A : memref<!tpu.dma_semaphore, #tpu.memory_space<semaphore_mem>>)
      %dma_wait3A = arith.constant 0 : i32
      %dma_wait3A_15 = tpu.memref_slice %arg11[%mul3A_2, %dma_wait3A] : memref<10112x128xf32, #tpu.memory_space<vmem_shared>> -> memref<632x128xf32, #tpu.memory_space<vmem_shared>>
      %dma_wait3A_16 = arith.constant 0 : i32
      %dma_wait3A_17 = tpu.memref_slice %arg5[%mul3A_0, %dma_wait3A_16] : memref<10112x128xf32, #tpu.memory_space<hbm>> -> memref<632x128xf32, #tpu.memory_space<hbm>>
      tpu.wait_dma2 semaphore(%run_scoped3A : memref<!tpu.dma_semaphore, #tpu.memory_space<semaphore_mem>>) src(%dma_wait3A_17 : memref<632x128xf32, #tpu.memory_space<hbm>>) dst(%dma_wait3A_15 : memref<632x128xf32, #tpu.memory_space<vmem_shared>>)
      tpu.yield
    }) : () -> ()
    %barrier3A = arith.constant 0 : index
    tpu.barrier barrier_id(%barrier3A)
    %scan3A = arith.constant 0 : i32
    %scan3A_3 = arith.constant 5 : i32
    %scan3A_4 = arith.addi %scan3A, %scan3A_3 : i32
    %scan3A_5 = arith.constant 1 : i32
    scf.for %scan3A_12 = %scan3A to %scan3A_4 step %scan3A_5  : i32 {
      %mul3A_13 = arith.constant 1 : i32
      %mul3A_14 = arith.muli %scan3A_12, %mul3A_13 : i32
      %add3A = arith.constant 0 : i32
      %add3A_15 = arith.addi %add3A, %mul3A_14 : i32
      %mul3A_16 = arith.constant 64 : i32
      %mul3A_17 = arith.muli %add3A_15, %mul3A_16 : i32
      "tpu.region"() ({
        %run_scoped3A = tpu.sem_alloc : memref<!tpu.dma_semaphore, #tpu.memory_space<semaphore_mem>>
        %dma_start3A_46 = arith.constant 0 : i32
        %dma_start3A_47 = arith.constant 0 : i32
        %dma_start3A_48 = tpu.memref_slice %arg3[%arg1, %dma_start3A_46, %dma_start3A_47] : memref<16x320x128xi32, #tpu.memory_space<hbm>> -> memref<1x320x128xi32, #tpu.memory_space<hbm>>
        %dma_start3A_49 = tpu.memref_squeeze %dma_start3A_48 : memref<1x320x128xi32, #tpu.memory_space<hbm>> -> memref<320x128xi32, #tpu.memory_space<hbm>>
        %dma_start3A_50 = arith.constant 0 : i32
        %dma_start3A_51 = tpu.memref_slice %dma_start3A_49[%mul3A_17, %dma_start3A_50] : memref<320x128xi32, #tpu.memory_space<hbm>> -> memref<64x128xi32, #tpu.memory_space<hbm>>
        %dma_start3A_52 = arith.constant 0 : i32
        %dma_start3A_53 = arith.constant 0 : i32
        %dma_start3A_54 = tpu.memref_slice %arg3[%arg1, %dma_start3A_52, %dma_start3A_53] : memref<16x320x128xi32, #tpu.memory_space<hbm>> -> memref<1x320x128xi32, #tpu.memory_space<hbm>>
        %dma_start3A_55 = tpu.memref_squeeze %dma_start3A_54 : memref<1x320x128xi32, #tpu.memory_space<hbm>> -> memref<320x128xi32, #tpu.memory_space<hbm>>
        %dma_start3A_56 = arith.constant 0 : i32
        %dma_start3A_57 = tpu.memref_slice %dma_start3A_55[%mul3A_17, %dma_start3A_56] : memref<320x128xi32, #tpu.memory_space<hbm>> -> memref<64x128xi32, #tpu.memory_space<hbm>>
        tpu.enqueue_dma source(%dma_start3A_57 : memref<64x128xi32, #tpu.memory_space<hbm>>) target(%arg7 : memref<64x128xi32, #tpu.memory_space<vmem>>) target_semaphore(%run_scoped3A : memref<!tpu.dma_semaphore, #tpu.memory_space<semaphore_mem>>)
        %dma_wait3A = arith.constant 0 : i32
        %dma_wait3A_58 = arith.constant 0 : i32
        %dma_wait3A_59 = tpu.memref_slice %arg3[%arg1, %dma_wait3A, %dma_wait3A_58] : memref<16x320x128xi32, #tpu.memory_space<hbm>> -> memref<1x320x128xi32, #tpu.memory_space<hbm>>
        %dma_wait3A_60 = tpu.memref_squeeze %dma_wait3A_59 : memref<1x320x128xi32, #tpu.memory_space<hbm>> -> memref<320x128xi32, #tpu.memory_space<hbm>>
        %dma_wait3A_61 = arith.constant 0 : i32
        %dma_wait3A_62 = tpu.memref_slice %dma_wait3A_60[%mul3A_17, %dma_wait3A_61] : memref<320x128xi32, #tpu.memory_space<hbm>> -> memref<64x128xi32, #tpu.memory_space<hbm>>
        %dma_wait3A_63 = arith.constant 0 : i32
        %dma_wait3A_64 = arith.constant 0 : i32
        %dma_wait3A_65 = tpu.memref_slice %arg3[%arg1, %dma_wait3A_63, %dma_wait3A_64] : memref<16x320x128xi32, #tpu.memory_space<hbm>> -> memref<1x320x128xi32, #tpu.memory_space<hbm>>
        %dma_wait3A_66 = tpu.memref_squeeze %dma_wait3A_65 : memref<1x320x128xi32, #tpu.memory_space<hbm>> -> memref<320x128xi32, #tpu.memory_space<hbm>>
        %dma_wait3A_67 = arith.constant 0 : i32
        %dma_wait3A_68 = tpu.memref_slice %dma_wait3A_66[%mul3A_17, %dma_wait3A_67] : memref<320x128xi32, #tpu.memory_space<hbm>> -> memref<64x128xi32, #tpu.memory_space<hbm>>
        tpu.wait_dma2 semaphore(%run_scoped3A : memref<!tpu.dma_semaphore, #tpu.memory_space<semaphore_mem>>) src(%dma_wait3A_68 : memref<64x128xi32, #tpu.memory_space<hbm>>) dst(%arg7 : memref<64x128xi32, #tpu.memory_space<vmem>>)
        tpu.yield
      }) : () -> ()
      %mul3A_18 = arith.constant 64 : i32
      %mul3A_19 = arith.muli %add3A_15, %mul3A_18 : i32
      "tpu.region"() ({
        %run_scoped3A = tpu.sem_alloc : memref<!tpu.dma_semaphore, #tpu.memory_space<semaphore_mem>>
        %dma_start3A_46 = arith.constant 0 : i32
        %dma_start3A_47 = arith.constant 0 : i32
        %dma_start3A_48 = tpu.memref_slice %arg4[%arg1, %dma_start3A_46, %dma_start3A_47] : memref<16x320x128xi32, #tpu.memory_space<hbm>> -> memref<1x320x128xi32, #tpu.memory_space<hbm>>
        %dma_start3A_49 = tpu.memref_squeeze %dma_start3A_48 : memref<1x320x128xi32, #tpu.memory_space<hbm>> -> memref<320x128xi32, #tpu.memory_space<hbm>>
        %dma_start3A_50 = arith.constant 0 : i32
        %dma_start3A_51 = tpu.memref_slice %dma_start3A_49[%mul3A_19, %dma_start3A_50] : memref<320x128xi32, #tpu.memory_space<hbm>> -> memref<64x128xi32, #tpu.memory_space<hbm>>
        %dma_start3A_52 = arith.constant 0 : i32
        %dma_start3A_53 = arith.constant 0 : i32
        %dma_start3A_54 = tpu.memref_slice %arg4[%arg1, %dma_start3A_52, %dma_start3A_53] : memref<16x320x128xi32, #tpu.memory_space<hbm>> -> memref<1x320x128xi32, #tpu.memory_space<hbm>>
        %dma_start3A_55 = tpu.memref_squeeze %dma_start3A_54 : memref<1x320x128xi32, #tpu.memory_space<hbm>> -> memref<320x128xi32, #tpu.memory_space<hbm>>
        %dma_start3A_56 = arith.constant 0 : i32
        %dma_start3A_57 = tpu.memref_slice %dma_start3A_55[%mul3A_19, %dma_start3A_56] : memref<320x128xi32, #tpu.memory_space<hbm>> -> memref<64x128xi32, #tpu.memory_space<hbm>>
        tpu.enqueue_dma source(%dma_start3A_57 : memref<64x128xi32, #tpu.memory_space<hbm>>) target(%arg8 : memref<64x128xi32, #tpu.memory_space<vmem>>) target_semaphore(%run_scoped3A : memref<!tpu.dma_semaphore, #tpu.memory_space<semaphore_mem>>)
        %dma_wait3A = arith.constant 0 : i32
        %dma_wait3A_58 = arith.constant 0 : i32
        %dma_wait3A_59 = tpu.memref_slice %arg4[%arg1, %dma_wait3A, %dma_wait3A_58] : memref<16x320x128xi32, #tpu.memory_space<hbm>> -> memref<1x320x128xi32, #tpu.memory_space<hbm>>
        %dma_wait3A_60 = tpu.memref_squeeze %dma_wait3A_59 : memref<1x320x128xi32, #tpu.memory_space<hbm>> -> memref<320x128xi32, #tpu.memory_space<hbm>>
        %dma_wait3A_61 = arith.constant 0 : i32
        %dma_wait3A_62 = tpu.memref_slice %dma_wait3A_60[%mul3A_19, %dma_wait3A_61] : memref<320x128xi32, #tpu.memory_space<hbm>> -> memref<64x128xi32, #tpu.memory_space<hbm>>
        %dma_wait3A_63 = arith.constant 0 : i32
        %dma_wait3A_64 = arith.constant 0 : i32
        %dma_wait3A_65 = tpu.memref_slice %arg4[%arg1, %dma_wait3A_63, %dma_wait3A_64] : memref<16x320x128xi32, #tpu.memory_space<hbm>> -> memref<1x320x128xi32, #tpu.memory_space<hbm>>
        %dma_wait3A_66 = tpu.memref_squeeze %dma_wait3A_65 : memref<1x320x128xi32, #tpu.memory_space<hbm>> -> memref<320x128xi32, #tpu.memory_space<hbm>>
        %dma_wait3A_67 = arith.constant 0 : i32
        %dma_wait3A_68 = tpu.memref_slice %dma_wait3A_66[%mul3A_19, %dma_wait3A_67] : memref<320x128xi32, #tpu.memory_space<hbm>> -> memref<64x128xi32, #tpu.memory_space<hbm>>
        tpu.wait_dma2 semaphore(%run_scoped3A : memref<!tpu.dma_semaphore, #tpu.memory_space<semaphore_mem>>) src(%dma_wait3A_68 : memref<64x128xi32, #tpu.memory_space<hbm>>) dst(%arg8 : memref<64x128xi32, #tpu.memory_space<vmem>>)
        tpu.yield
      }) : () -> ()
      %dma_start3A = arith.constant 0 : i32
      %dma_start3A_20 = arith.constant 0 : i32
      %dma_start3A_21 = tpu.memref_slice %arg7[%dma_start3A, %dma_start3A_20] : memref<64x128xi32, #tpu.memory_space<vmem>> -> memref<1x128xi32, #tpu.memory_space<vmem>>
      %dma_start3A_22 = tpu.memref_squeeze %dma_start3A_21 : memref<1x128xi32, #tpu.memory_space<vmem>> -> memref<128xi32, #tpu.memory_space<vmem>>
      %dma_start3A_23 = arith.constant 0 : i32
      %dma_start3A_24 = arith.constant 0 : i32
      %dma_start3A_25 = tpu.memref_slice %arg2[%arg0, %dma_start3A_23, %dma_start3A_24] : memref<2x40000x128xf32, #tpu.memory_space<hbm>> -> memref<1x40000x128xf32, #tpu.memory_space<hbm>>
      %dma_start3A_26 = tpu.memref_squeeze %dma_start3A_25 : memref<1x40000x128xf32, #tpu.memory_space<hbm>> -> memref<40000x128xf32, #tpu.memory_space<hbm>>
      %dma_start3A_27 = arith.constant 0 : i32
      %dma_start3A_28 = arith.constant 0 : i32
      %dma_start3A_29 = tpu.memref_slice %dma_start3A_26[%dma_start3A_27, %dma_start3A_28] : memref<40000x128xf32, #tpu.memory_space<hbm>> -> memref<40000x128xf32, #tpu.memory_space<hbm>>
      tpu.enqueue_indirect_dma source(%dma_start3A_29 : memref<40000x128xf32, #tpu.memory_space<hbm>>) target(%arg9 : memref<128x128xf32, #tpu.memory_space<vmem>>) offsets(%dma_start3A_22 : memref<128xi32, #tpu.memory_space<vmem>>) semaphore(%arg12 : memref<!tpu.dma_semaphore, #tpu.memory_space<semaphore_mem>>)
      %dma_start3A_30 = arith.constant 1 : i32
      %dma_start3A_31 = arith.constant 0 : i32
      %dma_start3A_32 = tpu.memref_slice %arg7[%dma_start3A_30, %dma_start3A_31] : memref<64x128xi32, #tpu.memory_space<vmem>> -> memref<1x128xi32, #tpu.memory_space<vmem>>
      %dma_start3A_33 = tpu.memref_squeeze %dma_start3A_32 : memref<1x128xi32, #tpu.memory_space<vmem>> -> memref<128xi32, #tpu.memory_space<vmem>>
      %dma_start3A_34 = arith.constant 0 : i32
      %dma_start3A_35 = arith.constant 0 : i32
      %dma_start3A_36 = tpu.memref_slice %arg2[%arg0, %dma_start3A_34, %dma_start3A_35] : memref<2x40000x128xf32, #tpu.memory_space<hbm>> -> memref<1x40000x128xf32, #tpu.memory_space<hbm>>
      %dma_start3A_37 = tpu.memref_squeeze %dma_start3A_36 : memref<1x40000x128xf32, #tpu.memory_space<hbm>> -> memref<40000x128xf32, #tpu.memory_space<hbm>>
      %dma_start3A_38 = arith.constant 0 : i32
      %dma_start3A_39 = arith.constant 0 : i32
      %dma_start3A_40 = tpu.memref_slice %dma_start3A_37[%dma_start3A_38, %dma_start3A_39] : memref<40000x128xf32, #tpu.memory_space<hbm>> -> memref<40000x128xf32, #tpu.memory_space<hbm>>
      tpu.enqueue_indirect_dma source(%dma_start3A_40 : memref<40000x128xf32, #tpu.memory_space<hbm>>) target(%arg10 : memref<128x128xf32, #tpu.memory_space<vmem>>) offsets(%dma_start3A_33 : memref<128xi32, #tpu.memory_space<vmem>>) semaphore(%arg13 : memref<!tpu.dma_semaphore, #tpu.memory_space<semaphore_mem>>)
      %scan3A_41 = arith.constant 0 : i32
      %scan3A_42 = arith.constant 32 : i32
      %scan3A_43 = arith.addi %scan3A_41, %scan3A_42 : i32
      %scan3A_44 = arith.constant 1 : i32
      scf.for %scan3A_46 = %scan3A_41 to %scan3A_43 step %scan3A_44  : i32 {
        %mul3A_47 = arith.constant 2 : i32
        %mul3A_48 = arith.muli %scan3A_46, %mul3A_47 : i32
        %add3A_49 = arith.constant 0 : i32
        %add3A_50 = arith.addi %add3A_49, %mul3A_48 : i32
        %dma_wait3A = arith.constant 0 : i32
        %dma_wait3A_51 = arith.constant 0 : i32
        %dma_wait3A_52 = tpu.memref_slice %arg7[%dma_wait3A, %dma_wait3A_51] : memref<64x128xi32, #tpu.memory_space<vmem>> -> memref<1x128xi32, #tpu.memory_space<vmem>>
        %dma_wait3A_53 = tpu.memref_squeeze %dma_wait3A_52 : memref<1x128xi32, #tpu.memory_space<vmem>> -> memref<128xi32, #tpu.memory_space<vmem>>
        %dma_wait3A_54 = arith.constant 0 : i32
        %dma_wait3A_55 = arith.constant 0 : i32
        %dma_wait3A_56 = tpu.memref_slice %arg2[%arg0, %dma_wait3A_54, %dma_wait3A_55] : memref<2x40000x128xf32, #tpu.memory_space<hbm>> -> memref<1x40000x128xf32, #tpu.memory_space<hbm>>
        %dma_wait3A_57 = tpu.memref_squeeze %dma_wait3A_56 : memref<1x40000x128xf32, #tpu.memory_space<hbm>> -> memref<40000x128xf32, #tpu.memory_space<hbm>>
        %dma_wait3A_58 = arith.constant 0 : i32
        %dma_wait3A_59 = arith.constant 0 : i32
        %dma_wait3A_60 = tpu.memref_slice %dma_wait3A_57[%dma_wait3A_58, %dma_wait3A_59] : memref<40000x128xf32, #tpu.memory_space<hbm>> -> memref<40000x128xf32, #tpu.memory_space<hbm>>
        tpu.wait_indirect_dma semaphore(%arg12 : memref<!tpu.dma_semaphore, #tpu.memory_space<semaphore_mem>>) src(%dma_wait3A_60 : memref<40000x128xf32, #tpu.memory_space<hbm>>) dst(%arg9 : memref<128x128xf32, #tpu.memory_space<vmem>>)
        "tpu.region"() ({
          %run_scoped3A = tpu.sem_alloc : memref<!tpu.dma_semaphore, #tpu.memory_space<semaphore_mem>>
          %dma_start3A_85 = arith.constant 0 : i32
          %dma_start3A_86 = tpu.memref_slice %arg8[%add3A_50, %dma_start3A_85] : memref<64x128xi32, #tpu.memory_space<vmem>> -> memref<1x128xi32, #tpu.memory_space<vmem>>
          %dma_start3A_87 = tpu.memref_squeeze %dma_start3A_86 : memref<1x128xi32, #tpu.memory_space<vmem>> -> memref<128xi32, #tpu.memory_space<vmem>>
          %dma_start3A_88 = arith.constant 0 : i32
          %dma_start3A_89 = arith.constant 0 : i32
          %dma_start3A_90 = tpu.memref_slice %arg11[%dma_start3A_88, %dma_start3A_89] : memref<10112x128xf32, #tpu.memory_space<vmem_shared>> -> memref<10112x128xf32, #tpu.memory_space<vmem_shared>>
          tpu.enqueue_indirect_dma source(%arg9 : memref<128x128xf32, #tpu.memory_space<vmem>>) target(%dma_start3A_90 : memref<10112x128xf32, #tpu.memory_space<vmem_shared>>) offsets(%dma_start3A_87 : memref<128xi32, #tpu.memory_space<vmem>>) semaphore(%run_scoped3A : memref<!tpu.dma_semaphore, #tpu.memory_space<semaphore_mem>>) {add = true}
          %dma_wait3A_91 = arith.constant 0 : i32
          %dma_wait3A_92 = tpu.memref_slice %arg8[%add3A_50, %dma_wait3A_91] : memref<64x128xi32, #tpu.memory_space<vmem>> -> memref<1x128xi32, #tpu.memory_space<vmem>>
          %dma_wait3A_93 = tpu.memref_squeeze %dma_wait3A_92 : memref<1x128xi32, #tpu.memory_space<vmem>> -> memref<128xi32, #tpu.memory_space<vmem>>
          %dma_wait3A_94 = arith.constant 0 : i32
          %dma_wait3A_95 = arith.constant 0 : i32
          %dma_wait3A_96 = tpu.memref_slice %arg11[%dma_wait3A_94, %dma_wait3A_95] : memref<10112x128xf32, #tpu.memory_space<vmem_shared>> -> memref<10112x128xf32, #tpu.memory_space<vmem_shared>>
          tpu.wait_indirect_dma semaphore(%run_scoped3A : memref<!tpu.dma_semaphore, #tpu.memory_space<semaphore_mem>>) src(%arg9 : memref<128x128xf32, #tpu.memory_space<vmem>>) dst(%dma_wait3A_96 : memref<10112x128xf32, #tpu.memory_space<vmem_shared>>)
          tpu.yield
        }) : () -> ()
        %add3A_61 = arith.constant 2 : i32
        %add3A_62 = arith.addi %add3A_50, %add3A_61 : i32
        %lt3A = arith.constant 64 : i32
        %lt3A_63 = arith.cmpi slt, %add3A_62, %lt3A : i32
        %convert_element_type3A = arith.extui %lt3A_63 : i1 to i32
        %cond3A = arith.constant 0 : i32
        %cond3A_64 = arith.cmpi ne, %convert_element_type3A, %cond3A : i32
        scf.if %cond3A_64 {
          %add3A_85 = arith.constant 2 : i32
          %add3A_86 = arith.addi %add3A_50, %add3A_85 : i32
          %dma_start3A_87 = arith.constant 0 : i32
          %dma_start3A_88 = tpu.memref_slice %arg7[%add3A_86, %dma_start3A_87] : memref<64x128xi32, #tpu.memory_space<vmem>> -> memref<1x128xi32, #tpu.memory_space<vmem>>
          %dma_start3A_89 = tpu.memref_squeeze %dma_start3A_88 : memref<1x128xi32, #tpu.memory_space<vmem>> -> memref<128xi32, #tpu.memory_space<vmem>>
          %dma_start3A_90 = arith.constant 0 : i32
          %dma_start3A_91 = arith.constant 0 : i32
          %dma_start3A_92 = tpu.memref_slice %arg2[%arg0, %dma_start3A_90, %dma_start3A_91] : memref<2x40000x128xf32, #tpu.memory_space<hbm>> -> memref<1x40000x128xf32, #tpu.memory_space<hbm>>
          %dma_start3A_93 = tpu.memref_squeeze %dma_start3A_92 : memref<1x40000x128xf32, #tpu.memory_space<hbm>> -> memref<40000x128xf32, #tpu.memory_space<hbm>>
          %dma_start3A_94 = arith.constant 0 : i32
          %dma_start3A_95 = arith.constant 0 : i32
          %dma_start3A_96 = tpu.memref_slice %dma_start3A_93[%dma_start3A_94, %dma_start3A_95] : memref<40000x128xf32, #tpu.memory_space<hbm>> -> memref<40000x128xf32, #tpu.memory_space<hbm>>
          tpu.enqueue_indirect_dma source(%dma_start3A_96 : memref<40000x128xf32, #tpu.memory_space<hbm>>) target(%arg9 : memref<128x128xf32, #tpu.memory_space<vmem>>) offsets(%dma_start3A_89 : memref<128xi32, #tpu.memory_space<vmem>>) semaphore(%arg12 : memref<!tpu.dma_semaphore, #tpu.memory_space<semaphore_mem>>)
        } else {
        }
        %dma_wait3A_65 = arith.constant 1 : i32
        %dma_wait3A_66 = arith.constant 0 : i32
        %dma_wait3A_67 = tpu.memref_slice %arg7[%dma_wait3A_65, %dma_wait3A_66] : memref<64x128xi32, #tpu.memory_space<vmem>> -> memref<1x128xi32, #tpu.memory_space<vmem>>
        %dma_wait3A_68 = tpu.memref_squeeze %dma_wait3A_67 : memref<1x128xi32, #tpu.memory_space<vmem>> -> memref<128xi32, #tpu.memory_space<vmem>>
        %dma_wait3A_69 = arith.constant 0 : i32
        %dma_wait3A_70 = arith.constant 0 : i32
        %dma_wait3A_71 = tpu.memref_slice %arg2[%arg0, %dma_wait3A_69, %dma_wait3A_70] : memref<2x40000x128xf32, #tpu.memory_space<hbm>> -> memref<1x40000x128xf32, #tpu.memory_space<hbm>>
        %dma_wait3A_72 = tpu.memref_squeeze %dma_wait3A_71 : memref<1x40000x128xf32, #tpu.memory_space<hbm>> -> memref<40000x128xf32, #tpu.memory_space<hbm>>
        %dma_wait3A_73 = arith.constant 0 : i32
        %dma_wait3A_74 = arith.constant 0 : i32
        %dma_wait3A_75 = tpu.memref_slice %dma_wait3A_72[%dma_wait3A_73, %dma_wait3A_74] : memref<40000x128xf32, #tpu.memory_space<hbm>> -> memref<40000x128xf32, #tpu.memory_space<hbm>>
        tpu.wait_indirect_dma semaphore(%arg13 : memref<!tpu.dma_semaphore, #tpu.memory_space<semaphore_mem>>) src(%dma_wait3A_75 : memref<40000x128xf32, #tpu.memory_space<hbm>>) dst(%arg10 : memref<128x128xf32, #tpu.memory_space<vmem>>)
        %add3A_76 = arith.constant 1 : i32
        %add3A_77 = arith.addi %add3A_50, %add3A_76 : i32
        "tpu.region"() ({
          %run_scoped3A = tpu.sem_alloc : memref<!tpu.dma_semaphore, #tpu.memory_space<semaphore_mem>>
          %dma_start3A_85 = arith.constant 0 : i32
          %dma_start3A_86 = tpu.memref_slice %arg8[%add3A_77, %dma_start3A_85] : memref<64x128xi32, #tpu.memory_space<vmem>> -> memref<1x128xi32, #tpu.memory_space<vmem>>
          %dma_start3A_87 = tpu.memref_squeeze %dma_start3A_86 : memref<1x128xi32, #tpu.memory_space<vmem>> -> memref<128xi32, #tpu.memory_space<vmem>>
          %dma_start3A_88 = arith.constant 0 : i32
          %dma_start3A_89 = arith.constant 0 : i32
          %dma_start3A_90 = tpu.memref_slice %arg11[%dma_start3A_88, %dma_start3A_89] : memref<10112x128xf32, #tpu.memory_space<vmem_shared>> -> memref<10112x128xf32, #tpu.memory_space<vmem_shared>>
          tpu.enqueue_indirect_dma source(%arg10 : memref<128x128xf32, #tpu.memory_space<vmem>>) target(%dma_start3A_90 : memref<10112x128xf32, #tpu.memory_space<vmem_shared>>) offsets(%dma_start3A_87 : memref<128xi32, #tpu.memory_space<vmem>>) semaphore(%run_scoped3A : memref<!tpu.dma_semaphore, #tpu.memory_space<semaphore_mem>>) {add = true}
          %dma_wait3A_91 = arith.constant 0 : i32
          %dma_wait3A_92 = tpu.memref_slice %arg8[%add3A_77, %dma_wait3A_91] : memref<64x128xi32, #tpu.memory_space<vmem>> -> memref<1x128xi32, #tpu.memory_space<vmem>>
          %dma_wait3A_93 = tpu.memref_squeeze %dma_wait3A_92 : memref<1x128xi32, #tpu.memory_space<vmem>> -> memref<128xi32, #tpu.memory_space<vmem>>
          %dma_wait3A_94 = arith.constant 0 : i32
          %dma_wait3A_95 = arith.constant 0 : i32
          %dma_wait3A_96 = tpu.memref_slice %arg11[%dma_wait3A_94, %dma_wait3A_95] : memref<10112x128xf32, #tpu.memory_space<vmem_shared>> -> memref<10112x128xf32, #tpu.memory_space<vmem_shared>>
          tpu.wait_indirect_dma semaphore(%run_scoped3A : memref<!tpu.dma_semaphore, #tpu.memory_space<semaphore_mem>>) src(%arg10 : memref<128x128xf32, #tpu.memory_space<vmem>>) dst(%dma_wait3A_96 : memref<10112x128xf32, #tpu.memory_space<vmem_shared>>)
          tpu.yield
        }) : () -> ()
        %add3A_78 = arith.constant 3 : i32
        %add3A_79 = arith.addi %add3A_50, %add3A_78 : i32
        %lt3A_80 = arith.constant 64 : i32
        %lt3A_81 = arith.cmpi slt, %add3A_79, %lt3A_80 : i32
        %convert_element_type3A_82 = arith.extui %lt3A_81 : i1 to i32
        %cond3A_83 = arith.constant 0 : i32
        %cond3A_84 = arith.cmpi ne, %convert_element_type3A_82, %cond3A_83 : i32
        scf.if %cond3A_84 {
          %add3A_85 = arith.constant 3 : i32
          %add3A_86 = arith.addi %add3A_50, %add3A_85 : i32
          %dma_start3A_87 = arith.constant 0 : i32
          %dma_start3A_88 = tpu.memref_slice %arg7[%add3A_86, %dma_start3A_87] : memref<64x128xi32, #tpu.memory_space<vmem>> -> memref<1x128xi32, #tpu.memory_space<vmem>>
          %dma_start3A_89 = tpu.memref_squeeze %dma_start3A_88 : memref<1x128xi32, #tpu.memory_space<vmem>> -> memref<128xi32, #tpu.memory_space<vmem>>
          %dma_start3A_90 = arith.constant 0 : i32
          %dma_start3A_91 = arith.constant 0 : i32
          %dma_start3A_92 = tpu.memref_slice %arg2[%arg0, %dma_start3A_90, %dma_start3A_91] : memref<2x40000x128xf32, #tpu.memory_space<hbm>> -> memref<1x40000x128xf32, #tpu.memory_space<hbm>>
          %dma_start3A_93 = tpu.memref_squeeze %dma_start3A_92 : memref<1x40000x128xf32, #tpu.memory_space<hbm>> -> memref<40000x128xf32, #tpu.memory_space<hbm>>
          %dma_start3A_94 = arith.constant 0 : i32
          %dma_start3A_95 = arith.constant 0 : i32
          %dma_start3A_96 = tpu.memref_slice %dma_start3A_93[%dma_start3A_94, %dma_start3A_95] : memref<40000x128xf32, #tpu.memory_space<hbm>> -> memref<40000x128xf32, #tpu.memory_space<hbm>>
          tpu.enqueue_indirect_dma source(%dma_start3A_96 : memref<40000x128xf32, #tpu.memory_space<hbm>>) target(%arg10 : memref<128x128xf32, #tpu.memory_space<vmem>>) offsets(%dma_start3A_89 : memref<128xi32, #tpu.memory_space<vmem>>) semaphore(%arg13 : memref<!tpu.dma_semaphore, #tpu.memory_space<semaphore_mem>>)
        } else {
        }
      }
      %scan3A_45 = arith.constant 32 : i32
    }
    %scan3A_6 = arith.constant 5 : i32
    %barrier3A_7 = arith.constant 0 : index
    tpu.barrier barrier_id(%barrier3A_7)
    %mul3A_8 = arith.constant 632 : i32
    %mul3A_9 = arith.muli %arg1, %mul3A_8 : i32
    %mul3A_10 = arith.constant 632 : i32
    %mul3A_11 = arith.muli %arg1, %mul3A_10 : i32
    "tpu.region"() ({
      %run_scoped3A = tpu.sem_alloc : memref<!tpu.dma_semaphore, #tpu.memory_space<semaphore_mem>>
      %dma_start3A = arith.constant 0 : i32
      %dma_start3A_12 = arith.constant 0 : i32
      %dma_start3A_13 = tpu.memref_slice %arg6[%arg0, %dma_start3A, %dma_start3A_12] : memref<2x10112x128xf32, #tpu.memory_space<hbm>> -> memref<1x10112x128xf32, #tpu.memory_space<hbm>>
      %dma_start3A_14 = tpu.memref_squeeze %dma_start3A_13 : memref<1x10112x128xf32, #tpu.memory_space<hbm>> -> memref<10112x128xf32, #tpu.memory_space<hbm>>
      %dma_start3A_15 = arith.constant 0 : i32
      %dma_start3A_16 = tpu.memref_slice %dma_start3A_14[%mul3A_11, %dma_start3A_15] : memref<10112x128xf32, #tpu.memory_space<hbm>> -> memref<632x128xf32, #tpu.memory_space<hbm>>
      %dma_start3A_17 = arith.constant 0 : i32
      %dma_start3A_18 = tpu.memref_slice %arg11[%mul3A_9, %dma_start3A_17] : memref<10112x128xf32, #tpu.memory_space<vmem_shared>> -> memref<632x128xf32, #tpu.memory_space<vmem_shared>>
      tpu.enqueue_dma source(%dma_start3A_18 : memref<632x128xf32, #tpu.memory_space<vmem_shared>>) target(%dma_start3A_16 : memref<632x128xf32, #tpu.memory_space<hbm>>) target_semaphore(%run_scoped3A : memref<!tpu.dma_semaphore, #tpu.memory_space<semaphore_mem>>)
      %dma_wait3A = arith.constant 0 : i32
      %dma_wait3A_19 = arith.constant 0 : i32
      %dma_wait3A_20 = tpu.memref_slice %arg6[%arg0, %dma_wait3A, %dma_wait3A_19] : memref<2x10112x128xf32, #tpu.memory_space<hbm>> -> memref<1x10112x128xf32, #tpu.memory_space<hbm>>
      %dma_wait3A_21 = tpu.memref_squeeze %dma_wait3A_20 : memref<1x10112x128xf32, #tpu.memory_space<hbm>> -> memref<10112x128xf32, #tpu.memory_space<hbm>>
      %dma_wait3A_22 = arith.constant 0 : i32
      %dma_wait3A_23 = tpu.memref_slice %dma_wait3A_21[%mul3A_11, %dma_wait3A_22] : memref<10112x128xf32, #tpu.memory_space<hbm>> -> memref<632x128xf32, #tpu.memory_space<hbm>>
      %dma_wait3A_24 = arith.constant 0 : i32
      %dma_wait3A_25 = tpu.memref_slice %arg11[%mul3A_9, %dma_wait3A_24] : memref<10112x128xf32, #tpu.memory_space<vmem_shared>> -> memref<632x128xf32, #tpu.memory_space<vmem_shared>>
      tpu.wait_dma2 semaphore(%run_scoped3A : memref<!tpu.dma_semaphore, #tpu.memory_space<semaphore_mem>>) src(%dma_wait3A_25 : memref<632x128xf32, #tpu.memory_space<vmem_shared>>) dst(%dma_wait3A_23 : memref<632x128xf32, #tpu.memory_space<hbm>>)
      tpu.yield
    }) : () -> ()
    return
  }
}

#map = affine_map<(d0, d1) -> (0, 0, 0)>
#map1 = affine_map<(d0, d1) -> (0, 0)>
module attributes {stable_mosaic.version = 14 : i64} {
  func.func @_sc_layer_body(%arg0: i32, %arg1: i32, %arg2: memref<2x40000x128xf32, #tpu.memory_space<hbm>>, %arg3: memref<16x320x128xi32, #tpu.memory_space<hbm>>, %arg4: memref<16x320x128xi32, #tpu.memory_space<hbm>>, %arg5: memref<10112x128xf32, #tpu.memory_space<hbm>>, %arg6: memref<2x10112x128xf32, #tpu.memory_space<hbm>>, %arg7: memref<64x128xi32, #tpu.memory_space<vmem>>, %arg8: memref<64x128xi32, #tpu.memory_space<vmem>>, %arg9: memref<128x128xf32, #tpu.memory_space<vmem>>, %arg10: memref<128x128xf32, #tpu.memory_space<vmem>>, %arg11: memref<10112x128xf32, #tpu.memory_space<vmem_shared>>, %arg12: memref<!tpu.dma_semaphore, #tpu.memory_space<semaphore_mem>>, %arg13: memref<!tpu.dma_semaphore, #tpu.memory_space<semaphore_mem>>) attributes {dimension_semantics = [#tpu.dimension_semantics<core_parallel>, #tpu.dimension_semantics<subcore_parallel>], iteration_bounds = array<i64: 2, 16>, scalar_prefetch = 0 : i64, scratch_operands = 7 : i64, tpu.core_type = #tpu.core_type<sc_vector_subcore>, window_params = [{transform_indices = #map}, {transform_indices = #map}, {transform_indices = #map}, {transform_indices = #map1}, {transform_indices = #map}]} {
    %mul3A = arith.constant 632 : i32
    %mul3A_0 = arith.muli %arg1, %mul3A : i32
    %mul3A_1 = arith.constant 632 : i32
    %mul3A_2 = arith.muli %arg1, %mul3A_1 : i32
    "tpu.region"() ({
      %run_scoped3A = tpu.sem_alloc : memref<!tpu.dma_semaphore, #tpu.memory_space<semaphore_mem>>
      %dma_start3A = arith.constant 0 : i32
      %dma_start3A_12 = tpu.memref_slice %arg11[%mul3A_2, %dma_start3A] : memref<10112x128xf32, #tpu.memory_space<vmem_shared>> -> memref<632x128xf32, #tpu.memory_space<vmem_shared>>
      %dma_start3A_13 = arith.constant 0 : i32
      %dma_start3A_14 = tpu.memref_slice %arg5[%mul3A_0, %dma_start3A_13] : memref<10112x128xf32, #tpu.memory_space<hbm>> -> memref<632x128xf32, #tpu.memory_space<hbm>>
      tpu.enqueue_dma source(%dma_start3A_14 : memref<632x128xf32, #tpu.memory_space<hbm>>) target(%dma_start3A_12 : memref<632x128xf32, #tpu.memory_space<vmem_shared>>) target_semaphore(%run_scoped3A : memref<!tpu.dma_semaphore, #tpu.memory_space<semaphore_mem>>)
      %dma_wait3A = arith.constant 0 : i32
      %dma_wait3A_15 = tpu.memref_slice %arg11[%mul3A_2, %dma_wait3A] : memref<10112x128xf32, #tpu.memory_space<vmem_shared>> -> memref<632x128xf32, #tpu.memory_space<vmem_shared>>
      %dma_wait3A_16 = arith.constant 0 : i32
      %dma_wait3A_17 = tpu.memref_slice %arg5[%mul3A_0, %dma_wait3A_16] : memref<10112x128xf32, #tpu.memory_space<hbm>> -> memref<632x128xf32, #tpu.memory_space<hbm>>
      tpu.wait_dma2 semaphore(%run_scoped3A : memref<!tpu.dma_semaphore, #tpu.memory_space<semaphore_mem>>) src(%dma_wait3A_17 : memref<632x128xf32, #tpu.memory_space<hbm>>) dst(%dma_wait3A_15 : memref<632x128xf32, #tpu.memory_space<vmem_shared>>)
      tpu.yield
    }) : () -> ()
    %barrier3A = arith.constant 0 : index
    tpu.barrier barrier_id(%barrier3A)
    %scan3A = arith.constant 0 : i32
    %scan3A_3 = arith.constant 5 : i32
    %scan3A_4 = arith.addi %scan3A, %scan3A_3 : i32
    %scan3A_5 = arith.constant 1 : i32
    scf.for %scan3A_12 = %scan3A to %scan3A_4 step %scan3A_5  : i32 {
      %mul3A_13 = arith.constant 1 : i32
      %mul3A_14 = arith.muli %scan3A_12, %mul3A_13 : i32
      %add3A = arith.constant 0 : i32
      %add3A_15 = arith.addi %add3A, %mul3A_14 : i32
      %mul3A_16 = arith.constant 64 : i32
      %mul3A_17 = arith.muli %add3A_15, %mul3A_16 : i32
      "tpu.region"() ({
        %run_scoped3A = tpu.sem_alloc : memref<!tpu.dma_semaphore, #tpu.memory_space<semaphore_mem>>
        %dma_start3A_46 = arith.constant 0 : i32
        %dma_start3A_47 = arith.constant 0 : i32
        %dma_start3A_48 = tpu.memref_slice %arg3[%arg1, %dma_start3A_46, %dma_start3A_47] : memref<16x320x128xi32, #tpu.memory_space<hbm>> -> memref<1x320x128xi32, #tpu.memory_space<hbm>>
        %dma_start3A_49 = tpu.memref_squeeze %dma_start3A_48 : memref<1x320x128xi32, #tpu.memory_space<hbm>> -> memref<320x128xi32, #tpu.memory_space<hbm>>
        %dma_start3A_50 = arith.constant 0 : i32
        %dma_start3A_51 = tpu.memref_slice %dma_start3A_49[%mul3A_17, %dma_start3A_50] : memref<320x128xi32, #tpu.memory_space<hbm>> -> memref<64x128xi32, #tpu.memory_space<hbm>>
        %dma_start3A_52 = arith.constant 0 : i32
        %dma_start3A_53 = arith.constant 0 : i32
        %dma_start3A_54 = tpu.memref_slice %arg3[%arg1, %dma_start3A_52, %dma_start3A_53] : memref<16x320x128xi32, #tpu.memory_space<hbm>> -> memref<1x320x128xi32, #tpu.memory_space<hbm>>
        %dma_start3A_55 = tpu.memref_squeeze %dma_start3A_54 : memref<1x320x128xi32, #tpu.memory_space<hbm>> -> memref<320x128xi32, #tpu.memory_space<hbm>>
        %dma_start3A_56 = arith.constant 0 : i32
        %dma_start3A_57 = tpu.memref_slice %dma_start3A_55[%mul3A_17, %dma_start3A_56] : memref<320x128xi32, #tpu.memory_space<hbm>> -> memref<64x128xi32, #tpu.memory_space<hbm>>
        tpu.enqueue_dma source(%dma_start3A_57 : memref<64x128xi32, #tpu.memory_space<hbm>>) target(%arg7 : memref<64x128xi32, #tpu.memory_space<vmem>>) target_semaphore(%run_scoped3A : memref<!tpu.dma_semaphore, #tpu.memory_space<semaphore_mem>>)
        %dma_wait3A = arith.constant 0 : i32
        %dma_wait3A_58 = arith.constant 0 : i32
        %dma_wait3A_59 = tpu.memref_slice %arg3[%arg1, %dma_wait3A, %dma_wait3A_58] : memref<16x320x128xi32, #tpu.memory_space<hbm>> -> memref<1x320x128xi32, #tpu.memory_space<hbm>>
        %dma_wait3A_60 = tpu.memref_squeeze %dma_wait3A_59 : memref<1x320x128xi32, #tpu.memory_space<hbm>> -> memref<320x128xi32, #tpu.memory_space<hbm>>
        %dma_wait3A_61 = arith.constant 0 : i32
        %dma_wait3A_62 = tpu.memref_slice %dma_wait3A_60[%mul3A_17, %dma_wait3A_61] : memref<320x128xi32, #tpu.memory_space<hbm>> -> memref<64x128xi32, #tpu.memory_space<hbm>>
        %dma_wait3A_63 = arith.constant 0 : i32
        %dma_wait3A_64 = arith.constant 0 : i32
        %dma_wait3A_65 = tpu.memref_slice %arg3[%arg1, %dma_wait3A_63, %dma_wait3A_64] : memref<16x320x128xi32, #tpu.memory_space<hbm>> -> memref<1x320x128xi32, #tpu.memory_space<hbm>>
        %dma_wait3A_66 = tpu.memref_squeeze %dma_wait3A_65 : memref<1x320x128xi32, #tpu.memory_space<hbm>> -> memref<320x128xi32, #tpu.memory_space<hbm>>
        %dma_wait3A_67 = arith.constant 0 : i32
        %dma_wait3A_68 = tpu.memref_slice %dma_wait3A_66[%mul3A_17, %dma_wait3A_67] : memref<320x128xi32, #tpu.memory_space<hbm>> -> memref<64x128xi32, #tpu.memory_space<hbm>>
        tpu.wait_dma2 semaphore(%run_scoped3A : memref<!tpu.dma_semaphore, #tpu.memory_space<semaphore_mem>>) src(%dma_wait3A_68 : memref<64x128xi32, #tpu.memory_space<hbm>>) dst(%arg7 : memref<64x128xi32, #tpu.memory_space<vmem>>)
        tpu.yield
      }) : () -> ()
      %mul3A_18 = arith.constant 64 : i32
      %mul3A_19 = arith.muli %add3A_15, %mul3A_18 : i32
      "tpu.region"() ({
        %run_scoped3A = tpu.sem_alloc : memref<!tpu.dma_semaphore, #tpu.memory_space<semaphore_mem>>
        %dma_start3A_46 = arith.constant 0 : i32
        %dma_start3A_47 = arith.constant 0 : i32
        %dma_start3A_48 = tpu.memref_slice %arg4[%arg1, %dma_start3A_46, %dma_start3A_47] : memref<16x320x128xi32, #tpu.memory_space<hbm>> -> memref<1x320x128xi32, #tpu.memory_space<hbm>>
        %dma_start3A_49 = tpu.memref_squeeze %dma_start3A_48 : memref<1x320x128xi32, #tpu.memory_space<hbm>> -> memref<320x128xi32, #tpu.memory_space<hbm>>
        %dma_start3A_50 = arith.constant 0 : i32
        %dma_start3A_51 = tpu.memref_slice %dma_start3A_49[%mul3A_19, %dma_start3A_50] : memref<320x128xi32, #tpu.memory_space<hbm>> -> memref<64x128xi32, #tpu.memory_space<hbm>>
        %dma_start3A_52 = arith.constant 0 : i32
        %dma_start3A_53 = arith.constant 0 : i32
        %dma_start3A_54 = tpu.memref_slice %arg4[%arg1, %dma_start3A_52, %dma_start3A_53] : memref<16x320x128xi32, #tpu.memory_space<hbm>> -> memref<1x320x128xi32, #tpu.memory_space<hbm>>
        %dma_start3A_55 = tpu.memref_squeeze %dma_start3A_54 : memref<1x320x128xi32, #tpu.memory_space<hbm>> -> memref<320x128xi32, #tpu.memory_space<hbm>>
        %dma_start3A_56 = arith.constant 0 : i32
        %dma_start3A_57 = tpu.memref_slice %dma_start3A_55[%mul3A_19, %dma_start3A_56] : memref<320x128xi32, #tpu.memory_space<hbm>> -> memref<64x128xi32, #tpu.memory_space<hbm>>
        tpu.enqueue_dma source(%dma_start3A_57 : memref<64x128xi32, #tpu.memory_space<hbm>>) target(%arg8 : memref<64x128xi32, #tpu.memory_space<vmem>>) target_semaphore(%run_scoped3A : memref<!tpu.dma_semaphore, #tpu.memory_space<semaphore_mem>>)
        %dma_wait3A = arith.constant 0 : i32
        %dma_wait3A_58 = arith.constant 0 : i32
        %dma_wait3A_59 = tpu.memref_slice %arg4[%arg1, %dma_wait3A, %dma_wait3A_58] : memref<16x320x128xi32, #tpu.memory_space<hbm>> -> memref<1x320x128xi32, #tpu.memory_space<hbm>>
        %dma_wait3A_60 = tpu.memref_squeeze %dma_wait3A_59 : memref<1x320x128xi32, #tpu.memory_space<hbm>> -> memref<320x128xi32, #tpu.memory_space<hbm>>
        %dma_wait3A_61 = arith.constant 0 : i32
        %dma_wait3A_62 = tpu.memref_slice %dma_wait3A_60[%mul3A_19, %dma_wait3A_61] : memref<320x128xi32, #tpu.memory_space<hbm>> -> memref<64x128xi32, #tpu.memory_space<hbm>>
        %dma_wait3A_63 = arith.constant 0 : i32
        %dma_wait3A_64 = arith.constant 0 : i32
        %dma_wait3A_65 = tpu.memref_slice %arg4[%arg1, %dma_wait3A_63, %dma_wait3A_64] : memref<16x320x128xi32, #tpu.memory_space<hbm>> -> memref<1x320x128xi32, #tpu.memory_space<hbm>>
        %dma_wait3A_66 = tpu.memref_squeeze %dma_wait3A_65 : memref<1x320x128xi32, #tpu.memory_space<hbm>> -> memref<320x128xi32, #tpu.memory_space<hbm>>
        %dma_wait3A_67 = arith.constant 0 : i32
        %dma_wait3A_68 = tpu.memref_slice %dma_wait3A_66[%mul3A_19, %dma_wait3A_67] : memref<320x128xi32, #tpu.memory_space<hbm>> -> memref<64x128xi32, #tpu.memory_space<hbm>>
        tpu.wait_dma2 semaphore(%run_scoped3A : memref<!tpu.dma_semaphore, #tpu.memory_space<semaphore_mem>>) src(%dma_wait3A_68 : memref<64x128xi32, #tpu.memory_space<hbm>>) dst(%arg8 : memref<64x128xi32, #tpu.memory_space<vmem>>)
        tpu.yield
      }) : () -> ()
      %dma_start3A = arith.constant 0 : i32
      %dma_start3A_20 = arith.constant 0 : i32
      %dma_start3A_21 = tpu.memref_slice %arg7[%dma_start3A, %dma_start3A_20] : memref<64x128xi32, #tpu.memory_space<vmem>> -> memref<1x128xi32, #tpu.memory_space<vmem>>
      %dma_start3A_22 = tpu.memref_squeeze %dma_start3A_21 : memref<1x128xi32, #tpu.memory_space<vmem>> -> memref<128xi32, #tpu.memory_space<vmem>>
      %dma_start3A_23 = arith.constant 0 : i32
      %dma_start3A_24 = arith.constant 0 : i32
      %dma_start3A_25 = tpu.memref_slice %arg2[%arg0, %dma_start3A_23, %dma_start3A_24] : memref<2x40000x128xf32, #tpu.memory_space<hbm>> -> memref<1x40000x128xf32, #tpu.memory_space<hbm>>
      %dma_start3A_26 = tpu.memref_squeeze %dma_start3A_25 : memref<1x40000x128xf32, #tpu.memory_space<hbm>> -> memref<40000x128xf32, #tpu.memory_space<hbm>>
      %dma_start3A_27 = arith.constant 0 : i32
      %dma_start3A_28 = arith.constant 0 : i32
      %dma_start3A_29 = tpu.memref_slice %dma_start3A_26[%dma_start3A_27, %dma_start3A_28] : memref<40000x128xf32, #tpu.memory_space<hbm>> -> memref<40000x128xf32, #tpu.memory_space<hbm>>
      tpu.enqueue_indirect_dma source(%dma_start3A_29 : memref<40000x128xf32, #tpu.memory_space<hbm>>) target(%arg9 : memref<128x128xf32, #tpu.memory_space<vmem>>) offsets(%dma_start3A_22 : memref<128xi32, #tpu.memory_space<vmem>>) semaphore(%arg12 : memref<!tpu.dma_semaphore, #tpu.memory_space<semaphore_mem>>)
      %dma_start3A_30 = arith.constant 1 : i32
      %dma_start3A_31 = arith.constant 0 : i32
      %dma_start3A_32 = tpu.memref_slice %arg7[%dma_start3A_30, %dma_start3A_31] : memref<64x128xi32, #tpu.memory_space<vmem>> -> memref<1x128xi32, #tpu.memory_space<vmem>>
      %dma_start3A_33 = tpu.memref_squeeze %dma_start3A_32 : memref<1x128xi32, #tpu.memory_space<vmem>> -> memref<128xi32, #tpu.memory_space<vmem>>
      %dma_start3A_34 = arith.constant 0 : i32
      %dma_start3A_35 = arith.constant 0 : i32
      %dma_start3A_36 = tpu.memref_slice %arg2[%arg0, %dma_start3A_34, %dma_start3A_35] : memref<2x40000x128xf32, #tpu.memory_space<hbm>> -> memref<1x40000x128xf32, #tpu.memory_space<hbm>>
      %dma_start3A_37 = tpu.memref_squeeze %dma_start3A_36 : memref<1x40000x128xf32, #tpu.memory_space<hbm>> -> memref<40000x128xf32, #tpu.memory_space<hbm>>
      %dma_start3A_38 = arith.constant 0 : i32
      %dma_start3A_39 = arith.constant 0 : i32
      %dma_start3A_40 = tpu.memref_slice %dma_start3A_37[%dma_start3A_38, %dma_start3A_39] : memref<40000x128xf32, #tpu.memory_space<hbm>> -> memref<40000x128xf32, #tpu.memory_space<hbm>>
      tpu.enqueue_indirect_dma source(%dma_start3A_40 : memref<40000x128xf32, #tpu.memory_space<hbm>>) target(%arg10 : memref<128x128xf32, #tpu.memory_space<vmem>>) offsets(%dma_start3A_33 : memref<128xi32, #tpu.memory_space<vmem>>) semaphore(%arg13 : memref<!tpu.dma_semaphore, #tpu.memory_space<semaphore_mem>>)
      %scan3A_41 = arith.constant 0 : i32
      %scan3A_42 = arith.constant 32 : i32
      %scan3A_43 = arith.addi %scan3A_41, %scan3A_42 : i32
      %scan3A_44 = arith.constant 1 : i32
      scf.for %scan3A_46 = %scan3A_41 to %scan3A_43 step %scan3A_44  : i32 {
        %mul3A_47 = arith.constant 2 : i32
        %mul3A_48 = arith.muli %scan3A_46, %mul3A_47 : i32
        %add3A_49 = arith.constant 0 : i32
        %add3A_50 = arith.addi %add3A_49, %mul3A_48 : i32
        %dma_wait3A = arith.constant 0 : i32
        %dma_wait3A_51 = arith.constant 0 : i32
        %dma_wait3A_52 = tpu.memref_slice %arg7[%dma_wait3A, %dma_wait3A_51] : memref<64x128xi32, #tpu.memory_space<vmem>> -> memref<1x128xi32, #tpu.memory_space<vmem>>
        %dma_wait3A_53 = tpu.memref_squeeze %dma_wait3A_52 : memref<1x128xi32, #tpu.memory_space<vmem>> -> memref<128xi32, #tpu.memory_space<vmem>>
        %dma_wait3A_54 = arith.constant 0 : i32
        %dma_wait3A_55 = arith.constant 0 : i32
        %dma_wait3A_56 = tpu.memref_slice %arg2[%arg0, %dma_wait3A_54, %dma_wait3A_55] : memref<2x40000x128xf32, #tpu.memory_space<hbm>> -> memref<1x40000x128xf32, #tpu.memory_space<hbm>>
        %dma_wait3A_57 = tpu.memref_squeeze %dma_wait3A_56 : memref<1x40000x128xf32, #tpu.memory_space<hbm>> -> memref<40000x128xf32, #tpu.memory_space<hbm>>
        %dma_wait3A_58 = arith.constant 0 : i32
        %dma_wait3A_59 = arith.constant 0 : i32
        %dma_wait3A_60 = tpu.memref_slice %dma_wait3A_57[%dma_wait3A_58, %dma_wait3A_59] : memref<40000x128xf32, #tpu.memory_space<hbm>> -> memref<40000x128xf32, #tpu.memory_space<hbm>>
        tpu.wait_indirect_dma semaphore(%arg12 : memref<!tpu.dma_semaphore, #tpu.memory_space<semaphore_mem>>) src(%dma_wait3A_60 : memref<40000x128xf32, #tpu.memory_space<hbm>>) dst(%arg9 : memref<128x128xf32, #tpu.memory_space<vmem>>)
        "tpu.region"() ({
          %run_scoped3A = tpu.sem_alloc : memref<!tpu.dma_semaphore, #tpu.memory_space<semaphore_mem>>
          %dma_start3A_85 = arith.constant 0 : i32
          %dma_start3A_86 = tpu.memref_slice %arg8[%add3A_50, %dma_start3A_85] : memref<64x128xi32, #tpu.memory_space<vmem>> -> memref<1x128xi32, #tpu.memory_space<vmem>>
          %dma_start3A_87 = tpu.memref_squeeze %dma_start3A_86 : memref<1x128xi32, #tpu.memory_space<vmem>> -> memref<128xi32, #tpu.memory_space<vmem>>
          %dma_start3A_88 = arith.constant 0 : i32
          %dma_start3A_89 = arith.constant 0 : i32
          %dma_start3A_90 = tpu.memref_slice %arg11[%dma_start3A_88, %dma_start3A_89] : memref<10112x128xf32, #tpu.memory_space<vmem_shared>> -> memref<10112x128xf32, #tpu.memory_space<vmem_shared>>
          tpu.enqueue_indirect_dma source(%arg9 : memref<128x128xf32, #tpu.memory_space<vmem>>) target(%dma_start3A_90 : memref<10112x128xf32, #tpu.memory_space<vmem_shared>>) offsets(%dma_start3A_87 : memref<128xi32, #tpu.memory_space<vmem>>) semaphore(%run_scoped3A : memref<!tpu.dma_semaphore, #tpu.memory_space<semaphore_mem>>) {add = true}
          %dma_wait3A_91 = arith.constant 0 : i32
          %dma_wait3A_92 = tpu.memref_slice %arg8[%add3A_50, %dma_wait3A_91] : memref<64x128xi32, #tpu.memory_space<vmem>> -> memref<1x128xi32, #tpu.memory_space<vmem>>
          %dma_wait3A_93 = tpu.memref_squeeze %dma_wait3A_92 : memref<1x128xi32, #tpu.memory_space<vmem>> -> memref<128xi32, #tpu.memory_space<vmem>>
          %dma_wait3A_94 = arith.constant 0 : i32
          %dma_wait3A_95 = arith.constant 0 : i32
          %dma_wait3A_96 = tpu.memref_slice %arg11[%dma_wait3A_94, %dma_wait3A_95] : memref<10112x128xf32, #tpu.memory_space<vmem_shared>> -> memref<10112x128xf32, #tpu.memory_space<vmem_shared>>
          tpu.wait_indirect_dma semaphore(%run_scoped3A : memref<!tpu.dma_semaphore, #tpu.memory_space<semaphore_mem>>) src(%arg9 : memref<128x128xf32, #tpu.memory_space<vmem>>) dst(%dma_wait3A_96 : memref<10112x128xf32, #tpu.memory_space<vmem_shared>>)
          tpu.yield
        }) : () -> ()
        %add3A_61 = arith.constant 2 : i32
        %add3A_62 = arith.addi %add3A_50, %add3A_61 : i32
        %lt3A = arith.constant 64 : i32
        %lt3A_63 = arith.cmpi slt, %add3A_62, %lt3A : i32
        %convert_element_type3A = arith.extui %lt3A_63 : i1 to i32
        %cond3A = arith.constant 0 : i32
        %cond3A_64 = arith.cmpi ne, %convert_element_type3A, %cond3A : i32
        scf.if %cond3A_64 {
          %add3A_85 = arith.constant 2 : i32
          %add3A_86 = arith.addi %add3A_50, %add3A_85 : i32
          %dma_start3A_87 = arith.constant 0 : i32
          %dma_start3A_88 = tpu.memref_slice %arg7[%add3A_86, %dma_start3A_87] : memref<64x128xi32, #tpu.memory_space<vmem>> -> memref<1x128xi32, #tpu.memory_space<vmem>>
          %dma_start3A_89 = tpu.memref_squeeze %dma_start3A_88 : memref<1x128xi32, #tpu.memory_space<vmem>> -> memref<128xi32, #tpu.memory_space<vmem>>
          %dma_start3A_90 = arith.constant 0 : i32
          %dma_start3A_91 = arith.constant 0 : i32
          %dma_start3A_92 = tpu.memref_slice %arg2[%arg0, %dma_start3A_90, %dma_start3A_91] : memref<2x40000x128xf32, #tpu.memory_space<hbm>> -> memref<1x40000x128xf32, #tpu.memory_space<hbm>>
          %dma_start3A_93 = tpu.memref_squeeze %dma_start3A_92 : memref<1x40000x128xf32, #tpu.memory_space<hbm>> -> memref<40000x128xf32, #tpu.memory_space<hbm>>
          %dma_start3A_94 = arith.constant 0 : i32
          %dma_start3A_95 = arith.constant 0 : i32
          %dma_start3A_96 = tpu.memref_slice %dma_start3A_93[%dma_start3A_94, %dma_start3A_95] : memref<40000x128xf32, #tpu.memory_space<hbm>> -> memref<40000x128xf32, #tpu.memory_space<hbm>>
          tpu.enqueue_indirect_dma source(%dma_start3A_96 : memref<40000x128xf32, #tpu.memory_space<hbm>>) target(%arg9 : memref<128x128xf32, #tpu.memory_space<vmem>>) offsets(%dma_start3A_89 : memref<128xi32, #tpu.memory_space<vmem>>) semaphore(%arg12 : memref<!tpu.dma_semaphore, #tpu.memory_space<semaphore_mem>>)
        } else {
        }
        %dma_wait3A_65 = arith.constant 1 : i32
        %dma_wait3A_66 = arith.constant 0 : i32
        %dma_wait3A_67 = tpu.memref_slice %arg7[%dma_wait3A_65, %dma_wait3A_66] : memref<64x128xi32, #tpu.memory_space<vmem>> -> memref<1x128xi32, #tpu.memory_space<vmem>>
        %dma_wait3A_68 = tpu.memref_squeeze %dma_wait3A_67 : memref<1x128xi32, #tpu.memory_space<vmem>> -> memref<128xi32, #tpu.memory_space<vmem>>
        %dma_wait3A_69 = arith.constant 0 : i32
        %dma_wait3A_70 = arith.constant 0 : i32
        %dma_wait3A_71 = tpu.memref_slice %arg2[%arg0, %dma_wait3A_69, %dma_wait3A_70] : memref<2x40000x128xf32, #tpu.memory_space<hbm>> -> memref<1x40000x128xf32, #tpu.memory_space<hbm>>
        %dma_wait3A_72 = tpu.memref_squeeze %dma_wait3A_71 : memref<1x40000x128xf32, #tpu.memory_space<hbm>> -> memref<40000x128xf32, #tpu.memory_space<hbm>>
        %dma_wait3A_73 = arith.constant 0 : i32
        %dma_wait3A_74 = arith.constant 0 : i32
        %dma_wait3A_75 = tpu.memref_slice %dma_wait3A_72[%dma_wait3A_73, %dma_wait3A_74] : memref<40000x128xf32, #tpu.memory_space<hbm>> -> memref<40000x128xf32, #tpu.memory_space<hbm>>
        tpu.wait_indirect_dma semaphore(%arg13 : memref<!tpu.dma_semaphore, #tpu.memory_space<semaphore_mem>>) src(%dma_wait3A_75 : memref<40000x128xf32, #tpu.memory_space<hbm>>) dst(%arg10 : memref<128x128xf32, #tpu.memory_space<vmem>>)
        %add3A_76 = arith.constant 1 : i32
        %add3A_77 = arith.addi %add3A_50, %add3A_76 : i32
        "tpu.region"() ({
          %run_scoped3A = tpu.sem_alloc : memref<!tpu.dma_semaphore, #tpu.memory_space<semaphore_mem>>
          %dma_start3A_85 = arith.constant 0 : i32
          %dma_start3A_86 = tpu.memref_slice %arg8[%add3A_77, %dma_start3A_85] : memref<64x128xi32, #tpu.memory_space<vmem>> -> memref<1x128xi32, #tpu.memory_space<vmem>>
          %dma_start3A_87 = tpu.memref_squeeze %dma_start3A_86 : memref<1x128xi32, #tpu.memory_space<vmem>> -> memref<128xi32, #tpu.memory_space<vmem>>
          %dma_start3A_88 = arith.constant 0 : i32
          %dma_start3A_89 = arith.constant 0 : i32
          %dma_start3A_90 = tpu.memref_slice %arg11[%dma_start3A_88, %dma_start3A_89] : memref<10112x128xf32, #tpu.memory_space<vmem_shared>> -> memref<10112x128xf32, #tpu.memory_space<vmem_shared>>
          tpu.enqueue_indirect_dma source(%arg10 : memref<128x128xf32, #tpu.memory_space<vmem>>) target(%dma_start3A_90 : memref<10112x128xf32, #tpu.memory_space<vmem_shared>>) offsets(%dma_start3A_87 : memref<128xi32, #tpu.memory_space<vmem>>) semaphore(%run_scoped3A : memref<!tpu.dma_semaphore, #tpu.memory_space<semaphore_mem>>) {add = true}
          %dma_wait3A_91 = arith.constant 0 : i32
          %dma_wait3A_92 = tpu.memref_slice %arg8[%add3A_77, %dma_wait3A_91] : memref<64x128xi32, #tpu.memory_space<vmem>> -> memref<1x128xi32, #tpu.memory_space<vmem>>
          %dma_wait3A_93 = tpu.memref_squeeze %dma_wait3A_92 : memref<1x128xi32, #tpu.memory_space<vmem>> -> memref<128xi32, #tpu.memory_space<vmem>>
          %dma_wait3A_94 = arith.constant 0 : i32
          %dma_wait3A_95 = arith.constant 0 : i32
          %dma_wait3A_96 = tpu.memref_slice %arg11[%dma_wait3A_94, %dma_wait3A_95] : memref<10112x128xf32, #tpu.memory_space<vmem_shared>> -> memref<10112x128xf32, #tpu.memory_space<vmem_shared>>
          tpu.wait_indirect_dma semaphore(%run_scoped3A : memref<!tpu.dma_semaphore, #tpu.memory_space<semaphore_mem>>) src(%arg10 : memref<128x128xf32, #tpu.memory_space<vmem>>) dst(%dma_wait3A_96 : memref<10112x128xf32, #tpu.memory_space<vmem_shared>>)
          tpu.yield
        }) : () -> ()
        %add3A_78 = arith.constant 3 : i32
        %add3A_79 = arith.addi %add3A_50, %add3A_78 : i32
        %lt3A_80 = arith.constant 64 : i32
        %lt3A_81 = arith.cmpi slt, %add3A_79, %lt3A_80 : i32
        %convert_element_type3A_82 = arith.extui %lt3A_81 : i1 to i32
        %cond3A_83 = arith.constant 0 : i32
        %cond3A_84 = arith.cmpi ne, %convert_element_type3A_82, %cond3A_83 : i32
        scf.if %cond3A_84 {
          %add3A_85 = arith.constant 3 : i32
          %add3A_86 = arith.addi %add3A_50, %add3A_85 : i32
          %dma_start3A_87 = arith.constant 0 : i32
          %dma_start3A_88 = tpu.memref_slice %arg7[%add3A_86, %dma_start3A_87] : memref<64x128xi32, #tpu.memory_space<vmem>> -> memref<1x128xi32, #tpu.memory_space<vmem>>
          %dma_start3A_89 = tpu.memref_squeeze %dma_start3A_88 : memref<1x128xi32, #tpu.memory_space<vmem>> -> memref<128xi32, #tpu.memory_space<vmem>>
          %dma_start3A_90 = arith.constant 0 : i32
          %dma_start3A_91 = arith.constant 0 : i32
          %dma_start3A_92 = tpu.memref_slice %arg2[%arg0, %dma_start3A_90, %dma_start3A_91] : memref<2x40000x128xf32, #tpu.memory_space<hbm>> -> memref<1x40000x128xf32, #tpu.memory_space<hbm>>
          %dma_start3A_93 = tpu.memref_squeeze %dma_start3A_92 : memref<1x40000x128xf32, #tpu.memory_space<hbm>> -> memref<40000x128xf32, #tpu.memory_space<hbm>>
          %dma_start3A_94 = arith.constant 0 : i32
          %dma_start3A_95 = arith.constant 0 : i32
          %dma_start3A_96 = tpu.memref_slice %dma_start3A_93[%dma_start3A_94, %dma_start3A_95] : memref<40000x128xf32, #tpu.memory_space<hbm>> -> memref<40000x128xf32, #tpu.memory_space<hbm>>
          tpu.enqueue_indirect_dma source(%dma_start3A_96 : memref<40000x128xf32, #tpu.memory_space<hbm>>) target(%arg10 : memref<128x128xf32, #tpu.memory_space<vmem>>) offsets(%dma_start3A_89 : memref<128xi32, #tpu.memory_space<vmem>>) semaphore(%arg13 : memref<!tpu.dma_semaphore, #tpu.memory_space<semaphore_mem>>)
        } else {
        }
      }
      %scan3A_45 = arith.constant 32 : i32
    }
    %scan3A_6 = arith.constant 5 : i32
    %barrier3A_7 = arith.constant 0 : index
    tpu.barrier barrier_id(%barrier3A_7)
    %mul3A_8 = arith.constant 632 : i32
    %mul3A_9 = arith.muli %arg1, %mul3A_8 : i32
    %mul3A_10 = arith.constant 632 : i32
    %mul3A_11 = arith.muli %arg1, %mul3A_10 : i32
    "tpu.region"() ({
      %run_scoped3A = tpu.sem_alloc : memref<!tpu.dma_semaphore, #tpu.memory_space<semaphore_mem>>
      %dma_start3A = arith.constant 0 : i32
      %dma_start3A_12 = arith.constant 0 : i32
      %dma_start3A_13 = tpu.memref_slice %arg6[%arg0, %dma_start3A, %dma_start3A_12] : memref<2x10112x128xf32, #tpu.memory_space<hbm>> -> memref<1x10112x128xf32, #tpu.memory_space<hbm>>
      %dma_start3A_14 = tpu.memref_squeeze %dma_start3A_13 : memref<1x10112x128xf32, #tpu.memory_space<hbm>> -> memref<10112x128xf32, #tpu.memory_space<hbm>>
      %dma_start3A_15 = arith.constant 0 : i32
      %dma_start3A_16 = tpu.memref_slice %dma_start3A_14[%mul3A_11, %dma_start3A_15] : memref<10112x128xf32, #tpu.memory_space<hbm>> -> memref<632x128xf32, #tpu.memory_space<hbm>>
      %dma_start3A_17 = arith.constant 0 : i32
      %dma_start3A_18 = tpu.memref_slice %arg11[%mul3A_9, %dma_start3A_17] : memref<10112x128xf32, #tpu.memory_space<vmem_shared>> -> memref<632x128xf32, #tpu.memory_space<vmem_shared>>
      tpu.enqueue_dma source(%dma_start3A_18 : memref<632x128xf32, #tpu.memory_space<vmem_shared>>) target(%dma_start3A_16 : memref<632x128xf32, #tpu.memory_space<hbm>>) target_semaphore(%run_scoped3A : memref<!tpu.dma_semaphore, #tpu.memory_space<semaphore_mem>>)
      %dma_wait3A = arith.constant 0 : i32
      %dma_wait3A_19 = arith.constant 0 : i32
      %dma_wait3A_20 = tpu.memref_slice %arg6[%arg0, %dma_wait3A, %dma_wait3A_19] : memref<2x10112x128xf32, #tpu.memory_space<hbm>> -> memref<1x10112x128xf32, #tpu.memory_space<hbm>>
      %dma_wait3A_21 = tpu.memref_squeeze %dma_wait3A_20 : memref<1x10112x128xf32, #tpu.memory_space<hbm>> -> memref<10112x128xf32, #tpu.memory_space<hbm>>
      %dma_wait3A_22 = arith.constant 0 : i32
      %dma_wait3A_23 = tpu.memref_slice %dma_wait3A_21[%mul3A_11, %dma_wait3A_22] : memref<10112x128xf32, #tpu.memory_space<hbm>> -> memref<632x128xf32, #tpu.memory_space<hbm>>
      %dma_wait3A_24 = arith.constant 0 : i32
      %dma_wait3A_25 = tpu.memref_slice %arg11[%mul3A_9, %dma_wait3A_24] : memref<10112x128xf32, #tpu.memory_space<vmem_shared>> -> memref<632x128xf32, #tpu.memory_space<vmem_shared>>
      tpu.wait_dma2 semaphore(%run_scoped3A : memref<!tpu.dma_semaphore, #tpu.memory_space<semaphore_mem>>) src(%dma_wait3A_25 : memref<632x128xf32, #tpu.memory_space<vmem_shared>>) dst(%dma_wait3A_23 : memref<632x128xf32, #tpu.memory_space<hbm>>)
      tpu.yield
    }) : () -> ()
    return
  }
}

module attributes {stable_mosaic.version = 14 : i64} {
  func.func @_embed_body(%arg0: i32, %arg1: memref<1000x128xf32, #tpu.memory_space<vmem>>, %arg2: memref<128x256xf32, #tpu.memory_space<vmem>>, %arg3: memref<2x256x512xf32, #tpu.memory_space<vmem>>, %arg4: memref<1000x256xf32, #tpu.memory_space<vmem>>, %arg5: memref<2x1000x512xf32, #tpu.memory_space<vmem>>) attributes {dimension_semantics = [#tpu.dimension_semantics<arbitrary>], iteration_bounds = array<i64: 10>, scalar_prefetch = 0 : i64, scratch_operands = 0 : i64, tpu.core_type = #tpu.core_type<tc>, window_params = [{transform_indices = @transform_0, window_bounds = array<i64: 1000, 128>}, {pipeline_mode = #tpu.pipeline_mode<synchronous>, transform_indices = @transform_1, window_bounds = array<i64: 128, 256>}, {pipeline_mode = #tpu.pipeline_mode<synchronous>, transform_indices = @transform_2, window_bounds = array<i64: 2, 256, 512>}, {transform_indices = @transform_3, window_bounds = array<i64: 1000, 256>}, {transform_indices = @transform_4, window_bounds = array<i64: 2, 1000, 512>}]} {
    %get3A = arith.constant 0 : index
    %get3A_0 = arith.constant 0 : index
    %get3A_1 = vector.load %arg1[%get3A, %get3A_0] : memref<1000x128xf32, #tpu.memory_space<vmem>>, vector<1000x128xf32>
    %get3A_2 = arith.constant 0 : index
    %get3A_3 = arith.constant 0 : index
    %get3A_4 = vector.load %arg2[%get3A_2, %get3A_3] : memref<128x256xf32, #tpu.memory_space<vmem>>, vector<128x256xf32>
    %convert_element_type3A = arith.truncf %get3A_1 : vector<1000x128xf32> to vector<1000x128xbf16>
    %convert_element_type3A_5 = arith.truncf %get3A_4 : vector<128x256xf32> to vector<128x256xbf16>
    %dot_general3A = arith.constant dense<0.000000e+00> : vector<1000x256xf32>
    %dot_general3A_6 = tpu.matmul %convert_element_type3A, %convert_element_type3A_5, %dot_general3A {dimension_numbers = #tpu.dot_dimension_numbers<[1], [0], [0], [1], [0, 0, 1, 1], [], []>, transpose_lhs_hint = false} : vector<1000x128xbf16>, vector<128x256xbf16>, vector<1000x256xf32> -> vector<1000x256xf32>
    %swap3A = arith.constant 0 : index
    %swap3A_7 = arith.constant 0 : index
    %swap3A_8 = vector.load %arg4[%swap3A, %swap3A_7] : memref<1000x256xf32, #tpu.memory_space<vmem>>, vector<1000x256xf32>
    tpu.vector_store %arg4[%swap3A, %swap3A_7], %dot_general3A_6 {strides = array<i32>} : memref<1000x256xf32, #tpu.memory_space<vmem>>, vector<1000x256xf32>,
    %get3A_9 = arith.constant 0 : index
    %get3A_10 = arith.constant 0 : index
    %get3A_11 = arith.constant 0 : index
    %get3A_12 = vector.load %arg3[%get3A_9, %get3A_10, %get3A_11] : memref<2x256x512xf32, #tpu.memory_space<vmem>>, vector<1x256x512xf32>
    %get3A_13 = vector.shape_cast %get3A_12 : vector<1x256x512xf32> to vector<256x512xf32>
    %convert_element_type3A_14 = arith.truncf %dot_general3A_6 : vector<1000x256xf32> to vector<1000x256xbf16>
    %convert_element_type3A_15 = arith.truncf %get3A_13 : vector<256x512xf32> to vector<256x512xbf16>
    %dot_general3A_16 = arith.constant dense<0.000000e+00> : vector<1000x512xf32>
    %dot_general3A_17 = tpu.matmul %convert_element_type3A_14, %convert_element_type3A_15, %dot_general3A_16 {dimension_numbers = #tpu.dot_dimension_numbers<[1], [0], [0], [1], [0, 0, 1, 1], [], []>, transpose_lhs_hint = false} : vector<1000x256xbf16>, vector<256x512xbf16>, vector<1000x512xf32> -> vector<1000x512xf32>
    %max3A = arith.constant 0.000000e+00 : f32
    %max3A_18 = vector.broadcast %max3A : f32 to vector<1000x512xf32>
    %max3A_19 = arith.maximumf %dot_general3A_17, %max3A_18 : vector<1000x512xf32>
    %swap3A_20 = arith.constant 0 : index
    %swap3A_21 = arith.constant 0 : index
    %swap3A_22 = arith.constant 0 : index
    %swap3A_23 = vector.load %arg5[%swap3A_20, %swap3A_21, %swap3A_22] : memref<2x1000x512xf32, #tpu.memory_space<vmem>>, vector<1x1000x512xf32>
    %swap3A_24 = vector.shape_cast %swap3A_23 : vector<1x1000x512xf32> to vector<1000x512xf32>
    %swap3A_25 = vector.shape_cast %max3A_19 : vector<1000x512xf32> to vector<1x1000x512xf32>
    tpu.vector_store %arg5[%swap3A_20, %swap3A_21, %swap3A_22], %swap3A_25 {strides = array<i32>} : memref<2x1000x512xf32, #tpu.memory_space<vmem>>, vector<1x1000x512xf32>,
    %get3A_26 = arith.constant 1 : index
    %get3A_27 = arith.constant 0 : index
    %get3A_28 = arith.constant 0 : index
    %get3A_29 = vector.load %arg3[%get3A_26, %get3A_27, %get3A_28] : memref<2x256x512xf32, #tpu.memory_space<vmem>>, vector<1x256x512xf32>
    %get3A_30 = vector.shape_cast %get3A_29 : vector<1x256x512xf32> to vector<256x512xf32>
    %convert_element_type3A_31 = arith.truncf %dot_general3A_6 : vector<1000x256xf32> to vector<1000x256xbf16>
    %convert_element_type3A_32 = arith.truncf %get3A_30 : vector<256x512xf32> to vector<256x512xbf16>
    %dot_general3A_33 = arith.constant dense<0.000000e+00> : vector<1000x512xf32>
    %dot_general3A_34 = tpu.matmul %convert_element_type3A_31, %convert_element_type3A_32, %dot_general3A_33 {dimension_numbers = #tpu.dot_dimension_numbers<[1], [0], [0], [1], [0, 0, 1, 1], [], []>, transpose_lhs_hint = false} : vector<1000x256xbf16>, vector<256x512xbf16>, vector<1000x512xf32> -> vector<1000x512xf32>
    %max3A_35 = arith.constant 0.000000e+00 : f32
    %max3A_36 = vector.broadcast %max3A_35 : f32 to vector<1000x512xf32>
    %max3A_37 = arith.maximumf %dot_general3A_34, %max3A_36 : vector<1000x512xf32>
    %swap3A_38 = arith.constant 1 : index
    %swap3A_39 = arith.constant 0 : index
    %swap3A_40 = arith.constant 0 : index
    %swap3A_41 = vector.load %arg5[%swap3A_38, %swap3A_39, %swap3A_40] : memref<2x1000x512xf32, #tpu.memory_space<vmem>>, vector<1x1000x512xf32>
    %swap3A_42 = vector.shape_cast %swap3A_41 : vector<1x1000x512xf32> to vector<1000x512xf32>
    %swap3A_43 = vector.shape_cast %max3A_37 : vector<1000x512xf32> to vector<1x1000x512xf32>
    tpu.vector_store %arg5[%swap3A_38, %swap3A_39, %swap3A_40], %swap3A_43 {strides = array<i32>} : memref<2x1000x512xf32, #tpu.memory_space<vmem>>, vector<1x1000x512xf32>,
    return
  }
  func.func @transform_0(%arg0: i32) -> (i32, i32) {
    %c0_i32 = arith.constant 0 : i32
    %c0_i32_0 = arith.constant 0 : i32
    return %arg0, %c0_i32 : i32, i32
  }
  func.func @transform_1(%arg0: i32) -> (i32, i32) {
    %c0_i32 = arith.constant 0 : i32
    %c0_i32_0 = arith.constant 0 : i32
    %c0_i32_1 = arith.constant 0 : i32
    return %c0_i32, %c0_i32_0 : i32, i32
  }
  func.func @transform_2(%arg0: i32) -> (i32, i32, i32) {
    %c0_i32 = arith.constant 0 : i32
    %c0_i32_0 = arith.constant 0 : i32
    %c0_i32_1 = arith.constant 0 : i32
    %c0_i32_2 = arith.constant 0 : i32
    return %c0_i32, %c0_i32_0, %c0_i32_1 : i32, i32, i32
  }
  func.func @transform_3(%arg0: i32) -> (i32, i32) {
    %c0_i32 = arith.constant 0 : i32
    %c0_i32_0 = arith.constant 0 : i32
    return %arg0, %c0_i32 : i32, i32
  }
  func.func @transform_4(%arg0: i32) -> (i32, i32, i32) {
    %c0_i32 = arith.constant 0 : i32
    %c0_i32_0 = arith.constant 0 : i32
    %c0_i32_1 = arith.constant 0 : i32
    return %c0_i32, %arg0, %c0_i32_0 : i32, i32, i32
  }
}

module attributes {stable_mosaic.version = 14 : i64} {
  func.func @_stats_body(%arg0: i32, %arg1: memref<2x10112x128xf32, #tpu.memory_space<vmem>>, %arg2: memref<10112x1xf32, #tpu.memory_space<vmem>>, %arg3: memref<10112x1xf32, #tpu.memory_space<vmem>>, %arg4: memref<10112x1xf32, #tpu.memory_space<vmem>>) attributes {dimension_semantics = [#tpu.dimension_semantics<arbitrary>], iteration_bounds = array<i64: 1>, scalar_prefetch = 0 : i64, scratch_operands = 0 : i64, tpu.core_type = #tpu.core_type<tc>, window_params = [{pipeline_mode = #tpu.pipeline_mode<synchronous>, transform_indices = @transform_0, window_bounds = array<i64: 2, 10112, 128>}, {pipeline_mode = #tpu.pipeline_mode<synchronous>, transform_indices = @transform_1, window_bounds = array<i64: 10112, 1>}, {pipeline_mode = #tpu.pipeline_mode<synchronous>, transform_indices = @transform_2, window_bounds = array<i64: 10112, 1>}, {pipeline_mode = #tpu.pipeline_mode<synchronous>, transform_indices = @transform_3, window_bounds = array<i64: 10112, 1>}]} {
    %get3A = arith.constant 0 : index
    %get3A_0 = arith.constant 0 : index
    %get3A_1 = arith.constant 0 : index
    %get3A_2 = vector.load %arg1[%get3A, %get3A_0, %get3A_1] : memref<2x10112x128xf32, #tpu.memory_space<vmem>>, vector<1x10112x128xf32>
    %get3A_3 = vector.shape_cast %get3A_2 : vector<1x10112x128xf32> to vector<10112x128xf32>
    %slice3A = vector.extract_strided_slice %get3A_3 {offsets = [0, 0], sizes = [10112, 1], strides = [1, 1]} : vector<10112x128xf32> to vector<10112x1xf32>
    %get3A_4 = arith.constant 1 : index
    %get3A_5 = arith.constant 0 : index
    %get3A_6 = arith.constant 0 : index
    %get3A_7 = vector.load %arg1[%get3A_4, %get3A_5, %get3A_6] : memref<2x10112x128xf32, #tpu.memory_space<vmem>>, vector<1x10112x128xf32>
    %get3A_8 = vector.shape_cast %get3A_7 : vector<1x10112x128xf32> to vector<10112x128xf32>
    %slice3A_9 = vector.extract_strided_slice %get3A_8 {offsets = [0, 0], sizes = [10112, 1], strides = [1, 1]} : vector<10112x128xf32> to vector<10112x1xf32>
    %add3A = arith.addf %slice3A, %slice3A_9 : vector<10112x1xf32>
    %add3A_10 = arith.constant 1.000000e+00 : f32
    %add3A_11 = vector.broadcast %add3A_10 : f32 to vector<10112x1xf32>
    %add3A_12 = arith.addf %add3A, %add3A_11 : vector<10112x1xf32>
    %log3A = math.log %add3A_12 : vector<10112x1xf32>
    %iota3A = tpu.iota {dimensions = array<i32: 0>} : vector<10112x1xi32>
    %lt3A = arith.constant 10000 : i32
    %lt3A_13 = vector.broadcast %lt3A : i32 to vector<10112x1xi32>
    %lt3A_14 = arith.cmpi slt, %iota3A, %lt3A_13 : vector<10112x1xi32>
    %jit3A = arith.constant 0.000000e+00 : f32
    %broadcast_in_dim3A = vector.broadcast %jit3A : f32 to vector<10112x1xf32>
    %select_n3A = arith.select %lt3A_14, %log3A, %broadcast_in_dim3A : vector<10112x1xi1>, vector<10112x1xf32>
    %reduce_sum3A = vector.shape_cast %select_n3A : vector<10112x1xf32> to vector<1x10112x1xf32>
    %reduce_sum3A_15 = arith.constant dense<0.000000e+00> : vector<1xf32>
    %reduce_sum3A_16 = vector.multi_reduction <add>, %reduce_sum3A, %reduce_sum3A_15 [1, 2] : vector<1x10112x1xf32> to vector<1xf32>
    %reduce_sum3A_17 = vector.shape_cast %reduce_sum3A_16 : vector<1xf32> to vector<1x1x1xf32>
    %reduce_sum3A_18 = vector.extract %reduce_sum3A_17[0, 0, 0] : f32 from vector<1x1x1xf32>
    %div3A = arith.constant 1.000000e+04 : f32
    %div3A_19 = arith.divf %reduce_sum3A_18, %div3A : f32
    %max3A = arith.constant 1.000000e+00 : f32
    %max3A_20 = vector.broadcast %max3A : f32 to vector<10112x1xf32>
    %max3A_21 = arith.maximumf %add3A, %max3A_20 : vector<10112x1xf32>
    %div3A_22 = arith.constant 1.000000e+00 : f32
    %div3A_23 = vector.broadcast %div3A_22 : f32 to vector<10112x1xf32>
    %div3A_24 = arith.divf %div3A_23, %max3A_21 : vector<10112x1xf32>
    %swap3A = arith.constant 0 : index
    %swap3A_25 = arith.constant 0 : index
    %swap3A_26 = vector.load %arg2[%swap3A, %swap3A_25] : memref<10112x1xf32, #tpu.memory_space<vmem>>, vector<10112x1xf32>
    tpu.vector_store %arg2[%swap3A, %swap3A_25], %div3A_24 {strides = array<i32>} : memref<10112x1xf32, #tpu.memory_space<vmem>>, vector<10112x1xf32>,
    %add3A_27 = arith.constant 1.000000e-07 : f32
    %add3A_28 = arith.addf %div3A_19, %add3A_27 : f32
    %div3A_29 = vector.broadcast %add3A_28 : f32 to vector<10112x1xf32>
    %div3A_30 = arith.divf %log3A, %div3A_29 : vector<10112x1xf32>
    %swap3A_31 = arith.constant 0 : index
    %swap3A_32 = arith.constant 0 : index
    %swap3A_33 = vector.load %arg3[%swap3A_31, %swap3A_32] : memref<10112x1xf32, #tpu.memory_space<vmem>>, vector<10112x1xf32>
    tpu.vector_store %arg3[%swap3A_31, %swap3A_32], %div3A_30 {strides = array<i32>} : memref<10112x1xf32, #tpu.memory_space<vmem>>, vector<10112x1xf32>,
    %add3A_34 = arith.constant 1.000000e-07 : f32
    %add3A_35 = vector.broadcast %add3A_34 : f32 to vector<10112x1xf32>
    %add3A_36 = arith.addf %log3A, %add3A_35 : vector<10112x1xf32>
    %div3A_37 = vector.broadcast %div3A_19 : f32 to vector<10112x1xf32>
    %div3A_38 = arith.divf %div3A_37, %add3A_36 : vector<10112x1xf32>
    %swap3A_39 = arith.constant 0 : index
    %swap3A_40 = arith.constant 0 : index
    %swap3A_41 = vector.load %arg4[%swap3A_39, %swap3A_40] : memref<10112x1xf32, #tpu.memory_space<vmem>>, vector<10112x1xf32>
    tpu.vector_store %arg4[%swap3A_39, %swap3A_40], %div3A_38 {strides = array<i32>} : memref<10112x1xf32, #tpu.memory_space<vmem>>, vector<10112x1xf32>,
    return
  }
  func.func @transform_0(%arg0: i32) -> (i32, i32, i32) {
    %c0_i32 = arith.constant 0 : i32
    %c0_i32_0 = arith.constant 0 : i32
    %c0_i32_1 = arith.constant 0 : i32
    %c0_i32_2 = arith.constant 0 : i32
    return %c0_i32, %c0_i32_0, %c0_i32_1 : i32, i32, i32
  }
  func.func @transform_1(%arg0: i32) -> (i32, i32) {
    %c0_i32 = arith.constant 0 : i32
    %c0_i32_0 = arith.constant 0 : i32
    %c0_i32_1 = arith.constant 0 : i32
    return %c0_i32, %c0_i32_0 : i32, i32
  }
  func.func @transform_2(%arg0: i32) -> (i32, i32) {
    %c0_i32 = arith.constant 0 : i32
    %c0_i32_0 = arith.constant 0 : i32
    %c0_i32_1 = arith.constant 0 : i32
    return %c0_i32, %c0_i32_0 : i32, i32
  }
  func.func @transform_3(%arg0: i32) -> (i32, i32) {
    %c0_i32 = arith.constant 0 : i32
    %c0_i32_0 = arith.constant 0 : i32
    %c0_i32_1 = arith.constant 0 : i32
    return %c0_i32, %c0_i32_0 : i32, i32
  }
}

module attributes {stable_mosaic.version = 14 : i64} {
  func.func @_post_body(%arg0: i32, %arg1: memref<1000x128xf32, #tpu.memory_space<vmem>>, %arg2: memref<1000x128xf32, #tpu.memory_space<vmem>>, %arg3: memref<1000x256xf32, #tpu.memory_space<vmem>>, %arg4: memref<1000x1xf32, #tpu.memory_space<vmem>>, %arg5: memref<1000x1xf32, #tpu.memory_space<vmem>>, %arg6: memref<1000x1xf32, #tpu.memory_space<vmem>>, %arg7: memref<256x256xf32, #tpu.memory_space<vmem>>, %arg8: memref<256x256xf32, #tpu.memory_space<vmem>>, %arg9: memref<256x256xf32, #tpu.memory_space<vmem>>, %arg10: memref<1x256xf32, #tpu.memory_space<vmem>>, %arg11: memref<1x256xf32, #tpu.memory_space<vmem>>, %arg12: memref<1x256xf32, #tpu.memory_space<vmem>>, %arg13: memref<256x512xf32, #tpu.memory_space<vmem>>, %arg14: memref<1x512xf32, #tpu.memory_space<vmem>>, %arg15: memref<512x256xf32, #tpu.memory_space<vmem>>, %arg16: memref<1x256xf32, #tpu.memory_space<vmem>>, %arg17: memref<1x1xf32, #tpu.memory_space<vmem>>, %arg18: memref<2x256x512xf32, #tpu.memory_space<vmem>>, %arg19: memref<1000x256xf32, #tpu.memory_space<vmem>>, %arg20: memref<2x1000x512xf32, #tpu.memory_space<vmem>>) attributes {dimension_semantics = [#tpu.dimension_semantics<arbitrary>], iteration_bounds = array<i64: 10>, scalar_prefetch = 0 : i64, scratch_operands = 0 : i64, tpu.core_type = #tpu.core_type<tc>, window_params = [{transform_indices = @transform_0, window_bounds = array<i64: 1000, 128>}, {transform_indices = @transform_1, window_bounds = array<i64: 1000, 128>}, {transform_indices = @transform_2, window_bounds = array<i64: 1000, 256>}, {transform_indices = @transform_3, window_bounds = array<i64: 1000, 1>}, {transform_indices = @transform_4, window_bounds = array<i64: 1000, 1>}, {transform_indices = @transform_5, window_bounds = array<i64: 1000, 1>}, {pipeline_mode = #tpu.pipeline_mode<synchronous>, transform_indices = @transform_6, window_bounds = array<i64: 256, 256>}, {pipeline_mode = #tpu.pipeline_mode<synchronous>, transform_indices = @transform_7, window_bounds = array<i64: 256, 256>}, {pipeline_mode = #tpu.pipeline_mode<synchronous>, transform_indices = @transform_8, window_bounds = array<i64: 256, 256>}, {pipeline_mode = #tpu.pipeline_mode<synchronous>, transform_indices = @transform_9, window_bounds = array<i64: 1, 256>}, {pipeline_mode = #tpu.pipeline_mode<synchronous>, transform_indices = @transform_10, window_bounds = array<i64: 1, 256>}, {pipeline_mode = #tpu.pipeline_mode<synchronous>, transform_indices = @transform_11, window_bounds = array<i64: 1, 256>}, {pipeline_mode = #tpu.pipeline_mode<synchronous>, transform_indices = @transform_12, window_bounds = array<i64: 256, 512>}, {pipeline_mode = #tpu.pipeline_mode<synchronous>, transform_indices = @transform_13, window_bounds = array<i64: 1, 512>}, {pipeline_mode = #tpu.pipeline_mode<synchronous>, transform_indices = @transform_14, window_bounds = array<i64: 512, 256>}, {pipeline_mode = #tpu.pipeline_mode<synchronous>, transform_indices = @transform_15, window_bounds = array<i64: 1, 256>}, {pipeline_mode = #tpu.pipeline_mode<synchronous>, transform_indices = @transform_16, window_bounds = array<i64: 1, 1>}, {pipeline_mode = #tpu.pipeline_mode<synchronous>, transform_indices = @transform_17, window_bounds = array<i64: 2, 256, 512>}, {transform_indices = @transform_18, window_bounds = array<i64: 1000, 256>}, {transform_indices = @transform_19, window_bounds = array<i64: 2, 1000, 512>}]} {
    %get3A = arith.constant 0 : index
    %get3A_0 = arith.constant 0 : index
    %get3A_1 = vector.load %arg1[%get3A, %get3A_0] : memref<1000x128xf32, #tpu.memory_space<vmem>>, vector<1000x128xf32>
    %get3A_2 = arith.constant 0 : index
    %get3A_3 = arith.constant 0 : index
    %get3A_4 = vector.load %arg2[%get3A_2, %get3A_3] : memref<1000x128xf32, #tpu.memory_space<vmem>>, vector<1000x128xf32>
    %concatenate3A = tpu.concatenate %get3A_1, %get3A_4 in 1 : vector<1000x128xf32>, vector<1000x128xf32> -> vector<1000x256xf32>
    %get3A_5 = arith.constant 0 : index
    %get3A_6 = arith.constant 0 : index
    %get3A_7 = vector.load %arg4[%get3A_5, %get3A_6] : memref<1000x1xf32, #tpu.memory_space<vmem>>, vector<1000x1xf32>
    %mul3A = vector.broadcast %get3A_7 : vector<1000x1xf32> to vector<1000x256xf32>
    %mul3A_8 = arith.mulf %concatenate3A, %mul3A : vector<1000x256xf32>
    %get3A_9 = arith.constant 0 : index
    %get3A_10 = arith.constant 0 : index
    %get3A_11 = vector.load %arg7[%get3A_9, %get3A_10] : memref<256x256xf32, #tpu.memory_space<vmem>>, vector<256x256xf32>
    %convert_element_type3A = arith.truncf %mul3A_8 : vector<1000x256xf32> to vector<1000x256xbf16>
    %convert_element_type3A_12 = arith.truncf %get3A_11 : vector<256x256xf32> to vector<256x256xbf16>
    %dot_general3A = arith.constant dense<0.000000e+00> : vector<1000x256xf32>
    %dot_general3A_13 = tpu.matmul %convert_element_type3A, %convert_element_type3A_12, %dot_general3A {dimension_numbers = #tpu.dot_dimension_numbers<[1], [0], [0], [1], [0, 0, 1, 1], [], []>, transpose_lhs_hint = false} : vector<1000x256xbf16>, vector<256x256xbf16>, vector<1000x256xf32> -> vector<1000x256xf32>
    %get3A_14 = arith.constant 0 : index
    %get3A_15 = arith.constant 0 : index
    %get3A_16 = vector.load %arg5[%get3A_14, %get3A_15] : memref<1000x1xf32, #tpu.memory_space<vmem>>, vector<1000x1xf32>
    %mul3A_17 = vector.broadcast %get3A_16 : vector<1000x1xf32> to vector<1000x256xf32>
    %mul3A_18 = arith.mulf %mul3A_17, %mul3A_8 : vector<1000x256xf32>
    %get3A_19 = arith.constant 0 : index
    %get3A_20 = arith.constant 0 : index
    %get3A_21 = vector.load %arg8[%get3A_19, %get3A_20] : memref<256x256xf32, #tpu.memory_space<vmem>>, vector<256x256xf32>
    %convert_element_type3A_22 = arith.truncf %mul3A_18 : vector<1000x256xf32> to vector<1000x256xbf16>
    %convert_element_type3A_23 = arith.truncf %get3A_21 : vector<256x256xf32> to vector<256x256xbf16>
    %dot_general3A_24 = arith.constant dense<0.000000e+00> : vector<1000x256xf32>
    %dot_general3A_25 = tpu.matmul %convert_element_type3A_22, %convert_element_type3A_23, %dot_general3A_24 {dimension_numbers = #tpu.dot_dimension_numbers<[1], [0], [0], [1], [0, 0, 1, 1], [], []>, transpose_lhs_hint = false} : vector<1000x256xbf16>, vector<256x256xbf16>, vector<1000x256xf32> -> vector<1000x256xf32>
    %add3A = arith.addf %dot_general3A_13, %dot_general3A_25 : vector<1000x256xf32>
    %get3A_26 = arith.constant 0 : index
    %get3A_27 = arith.constant 0 : index
    %get3A_28 = vector.load %arg6[%get3A_26, %get3A_27] : memref<1000x1xf32, #tpu.memory_space<vmem>>, vector<1000x1xf32>
    %mul3A_29 = vector.broadcast %get3A_28 : vector<1000x1xf32> to vector<1000x256xf32>
    %mul3A_30 = arith.mulf %mul3A_29, %mul3A_8 : vector<1000x256xf32>
    %get3A_31 = arith.constant 0 : index
    %get3A_32 = arith.constant 0 : index
    %get3A_33 = vector.load %arg9[%get3A_31, %get3A_32] : memref<256x256xf32, #tpu.memory_space<vmem>>, vector<256x256xf32>
    %convert_element_type3A_34 = arith.truncf %mul3A_30 : vector<1000x256xf32> to vector<1000x256xbf16>
    %convert_element_type3A_35 = arith.truncf %get3A_33 : vector<256x256xf32> to vector<256x256xbf16>
    %dot_general3A_36 = arith.constant dense<0.000000e+00> : vector<1000x256xf32>
    %dot_general3A_37 = tpu.matmul %convert_element_type3A_34, %convert_element_type3A_35, %dot_general3A_36 {dimension_numbers = #tpu.dot_dimension_numbers<[1], [0], [0], [1], [0, 0, 1, 1], [], []>, transpose_lhs_hint = false} : vector<1000x256xbf16>, vector<256x256xbf16>, vector<1000x256xf32> -> vector<1000x256xf32>
    %add3A_38 = arith.addf %add3A, %dot_general3A_37 : vector<1000x256xf32>
    %get3A_39 = arith.constant 0 : index
    %get3A_40 = arith.constant 0 : index
    %get3A_41 = vector.load %arg10[%get3A_39, %get3A_40] : memref<1x256xf32, #tpu.memory_space<vmem>>, vector<1x256xf32>
    %add3A_42 = vector.broadcast %get3A_41 : vector<1x256xf32> to vector<1000x256xf32>
    %add3A_43 = arith.addf %add3A_38, %add3A_42 : vector<1000x256xf32>
    %get3A_44 = arith.constant 0 : index
    %get3A_45 = arith.constant 0 : index
    %get3A_46 = vector.load %arg17[%get3A_44, %get3A_45] : memref<1x1xf32, #tpu.memory_space<vmem>>, vector<1x1xf32>
    %get3A_47 = vector.extract %get3A_46[0, 0] : f32 from vector<1x1xf32>
    %get3A_48 = arith.constant 0 : index
    %get3A_49 = arith.constant 0 : index
    %get3A_50 = vector.load %arg3[%get3A_48, %get3A_49] : memref<1000x256xf32, #tpu.memory_space<vmem>>, vector<1000x256xf32>
    %mul3A_51 = vector.broadcast %get3A_47 : f32 to vector<1000x256xf32>
    %mul3A_52 = arith.mulf %mul3A_51, %add3A_43 : vector<1000x256xf32>
    %add3A_53 = arith.addf %get3A_50, %mul3A_52 : vector<1000x256xf32>
    %get3A_54 = arith.constant 0 : index
    %get3A_55 = arith.constant 0 : index
    %get3A_56 = vector.load %arg11[%get3A_54, %get3A_55] : memref<1x256xf32, #tpu.memory_space<vmem>>, vector<1x256xf32>
    %get3A_57 = arith.constant 0 : index
    %get3A_58 = arith.constant 0 : index
    %get3A_59 = vector.load %arg12[%get3A_57, %get3A_58] : memref<1x256xf32, #tpu.memory_space<vmem>>, vector<1x256xf32>
    %reduce_sum3A = arith.constant dense<0.000000e+00> : vector<1000xf32>
    %reduce_sum3A_60 = vector.multi_reduction <add>, %add3A_53, %reduce_sum3A [1] : vector<1000x256xf32> to vector<1000xf32>
    %broadcast_in_dim3A = vector.shape_cast %reduce_sum3A_60 : vector<1000xf32> to vector<1000x1xf32>
    %div3A = arith.constant 2.560000e+02 : f32
    %div3A_61 = vector.broadcast %div3A : f32 to vector<1000x1xf32>
    %div3A_62 = arith.divf %broadcast_in_dim3A, %div3A_61 : vector<1000x1xf32>
    %sub3A = vector.broadcast %div3A_62 : vector<1000x1xf32> to vector<1000x256xf32>
    %sub3A_63 = arith.subf %add3A_53, %sub3A : vector<1000x256xf32>
    %sub3A_64 = vector.broadcast %div3A_62 : vector<1000x1xf32> to vector<1000x256xf32>
    %sub3A_65 = arith.subf %add3A_53, %sub3A_64 : vector<1000x256xf32>
    %mul3A_66 = arith.mulf %sub3A_63, %sub3A_65 : vector<1000x256xf32>
    %reduce_sum3A_67 = arith.constant dense<0.000000e+00> : vector<1000xf32>
    %reduce_sum3A_68 = vector.multi_reduction <add>, %mul3A_66, %reduce_sum3A_67 [1] : vector<1000x256xf32> to vector<1000xf32>
    %broadcast_in_dim3A_69 = vector.shape_cast %reduce_sum3A_68 : vector<1000xf32> to vector<1000x1xf32>
    %div3A_70 = arith.constant 2.560000e+02 : f32
    %div3A_71 = vector.broadcast %div3A_70 : f32 to vector<1000x1xf32>
    %div3A_72 = arith.divf %broadcast_in_dim3A_69, %div3A_71 : vector<1000x1xf32>
    %sub3A_73 = vector.broadcast %div3A_62 : vector<1000x1xf32> to vector<1000x256xf32>
    %sub3A_74 = arith.subf %add3A_53, %sub3A_73 : vector<1000x256xf32>
    %add3A_75 = arith.constant 9.99999974E-6 : f32
    %add3A_76 = vector.broadcast %add3A_75 : f32 to vector<1000x1xf32>
    %add3A_77 = arith.addf %div3A_72, %add3A_76 : vector<1000x1xf32>
    %sqrt3A = math.sqrt %add3A_77 : vector<1000x1xf32>
    %div3A_78 = vector.broadcast %sqrt3A : vector<1000x1xf32> to vector<1000x256xf32>
    %div3A_79 = arith.divf %sub3A_74, %div3A_78 : vector<1000x256xf32>
    %mul3A_80 = vector.broadcast %get3A_56 : vector<1x256xf32> to vector<1000x256xf32>
    %mul3A_81 = arith.mulf %div3A_79, %mul3A_80 : vector<1000x256xf32>
    %add3A_82 = vector.broadcast %get3A_59 : vector<1x256xf32> to vector<1000x256xf32>
    %add3A_83 = arith.addf %mul3A_81, %add3A_82 : vector<1000x256xf32>
    %get3A_84 = arith.constant 0 : index
    %get3A_85 = arith.constant 0 : index
    %get3A_86 = vector.load %arg13[%get3A_84, %get3A_85] : memref<256x512xf32, #tpu.memory_space<vmem>>, vector<256x512xf32>
    %convert_element_type3A_87 = arith.truncf %add3A_83 : vector<1000x256xf32> to vector<1000x256xbf16>
    %convert_element_type3A_88 = arith.truncf %get3A_86 : vector<256x512xf32> to vector<256x512xbf16>
    %dot_general3A_89 = arith.constant dense<0.000000e+00> : vector<1000x512xf32>
    %dot_general3A_90 = tpu.matmul %convert_element_type3A_87, %convert_element_type3A_88, %dot_general3A_89 {dimension_numbers = #tpu.dot_dimension_numbers<[1], [0], [0], [1], [0, 0, 1, 1], [], []>, transpose_lhs_hint = false} : vector<1000x256xbf16>, vector<256x512xbf16>, vector<1000x512xf32> -> vector<1000x512xf32>
    %get3A_91 = arith.constant 0 : index
    %get3A_92 = arith.constant 0 : index
    %get3A_93 = vector.load %arg14[%get3A_91, %get3A_92] : memref<1x512xf32, #tpu.memory_space<vmem>>, vector<1x512xf32>
    %add3A_94 = vector.broadcast %get3A_93 : vector<1x512xf32> to vector<1000x512xf32>
    %add3A_95 = arith.addf %dot_general3A_90, %add3A_94 : vector<1000x512xf32>
    %integer_pow3A = arith.mulf %add3A_95, %add3A_95 : vector<1000x512xf32>
    %integer_pow3A_96 = arith.mulf %add3A_95, %integer_pow3A : vector<1000x512xf32>
    %mul3A_97 = arith.constant 4.471500e-02 : f32
    %mul3A_98 = vector.broadcast %mul3A_97 : f32 to vector<1000x512xf32>
    %mul3A_99 = arith.mulf %mul3A_98, %integer_pow3A_96 : vector<1000x512xf32>
    %add3A_100 = arith.addf %add3A_95, %mul3A_99 : vector<1000x512xf32>
    %mul3A_101 = arith.constant 0.797884583 : f32
    %mul3A_102 = vector.broadcast %mul3A_101 : f32 to vector<1000x512xf32>
    %mul3A_103 = arith.mulf %mul3A_102, %add3A_100 : vector<1000x512xf32>
    %tanh3A = math.tanh %mul3A_103 : vector<1000x512xf32>
    %add3A_104 = arith.constant 1.000000e+00 : f32
    %add3A_105 = vector.broadcast %add3A_104 : f32 to vector<1000x512xf32>
    %add3A_106 = arith.addf %add3A_105, %tanh3A : vector<1000x512xf32>
    %mul3A_107 = arith.constant 5.000000e-01 : f32
    %mul3A_108 = vector.broadcast %mul3A_107 : f32 to vector<1000x512xf32>
    %mul3A_109 = arith.mulf %mul3A_108, %add3A_106 : vector<1000x512xf32>
    %mul3A_110 = arith.mulf %add3A_95, %mul3A_109 : vector<1000x512xf32>
    %get3A_111 = arith.constant 0 : index
    %get3A_112 = arith.constant 0 : index
    %get3A_113 = vector.load %arg15[%get3A_111, %get3A_112] : memref<512x256xf32, #tpu.memory_space<vmem>>, vector<512x256xf32>
    %convert_element_type3A_114 = arith.truncf %mul3A_110 : vector<1000x512xf32> to vector<1000x512xbf16>
    %convert_element_type3A_115 = arith.truncf %get3A_113 : vector<512x256xf32> to vector<512x256xbf16>
    %dot_general3A_116 = arith.constant dense<0.000000e+00> : vector<1000x256xf32>
    %dot_general3A_117 = tpu.matmul %convert_element_type3A_114, %convert_element_type3A_115, %dot_general3A_116 {dimension_numbers = #tpu.dot_dimension_numbers<[1], [0], [0], [1], [0, 0, 1, 1], [], []>, transpose_lhs_hint = false} : vector<1000x512xbf16>, vector<512x256xbf16>, vector<1000x256xf32> -> vector<1000x256xf32>
    %get3A_118 = arith.constant 0 : index
    %get3A_119 = arith.constant 0 : index
    %get3A_120 = vector.load %arg16[%get3A_118, %get3A_119] : memref<1x256xf32, #tpu.memory_space<vmem>>, vector<1x256xf32>
    %add3A_121 = vector.broadcast %get3A_120 : vector<1x256xf32> to vector<1000x256xf32>
    %add3A_122 = arith.addf %dot_general3A_117, %add3A_121 : vector<1000x256xf32>
    %mul3A_123 = vector.broadcast %get3A_47 : f32 to vector<1000x256xf32>
    %mul3A_124 = arith.mulf %mul3A_123, %add3A_122 : vector<1000x256xf32>
    %add3A_125 = arith.addf %add3A_53, %mul3A_124 : vector<1000x256xf32>
    %swap3A = arith.constant 0 : index
    %swap3A_126 = arith.constant 0 : index
    %swap3A_127 = vector.load %arg19[%swap3A, %swap3A_126] : memref<1000x256xf32, #tpu.memory_space<vmem>>, vector<1000x256xf32>
    tpu.vector_store %arg19[%swap3A, %swap3A_126], %add3A_125 {strides = array<i32>} : memref<1000x256xf32, #tpu.memory_space<vmem>>, vector<1000x256xf32>,
    %get3A_128 = arith.constant 0 : index
    %get3A_129 = arith.constant 0 : index
    %get3A_130 = arith.constant 0 : index
    %get3A_131 = vector.load %arg18[%get3A_128, %get3A_129, %get3A_130] : memref<2x256x512xf32, #tpu.memory_space<vmem>>, vector<1x256x512xf32>
    %get3A_132 = vector.shape_cast %get3A_131 : vector<1x256x512xf32> to vector<256x512xf32>
    %convert_element_type3A_133 = arith.truncf %add3A_125 : vector<1000x256xf32> to vector<1000x256xbf16>
    %convert_element_type3A_134 = arith.truncf %get3A_132 : vector<256x512xf32> to vector<256x512xbf16>
    %dot_general3A_135 = arith.constant dense<0.000000e+00> : vector<1000x512xf32>
    %dot_general3A_136 = tpu.matmul %convert_element_type3A_133, %convert_element_type3A_134, %dot_general3A_135 {dimension_numbers = #tpu.dot_dimension_numbers<[1], [0], [0], [1], [0, 0, 1, 1], [], []>, transpose_lhs_hint = false} : vector<1000x256xbf16>, vector<256x512xbf16>, vector<1000x512xf32> -> vector<1000x512xf32>
    %max3A = arith.constant 0.000000e+00 : f32
    %max3A_137 = vector.broadcast %max3A : f32 to vector<1000x512xf32>
    %max3A_138 = arith.maximumf %dot_general3A_136, %max3A_137 : vector<1000x512xf32>
    %swap3A_139 = arith.constant 0 : index
    %swap3A_140 = arith.constant 0 : index
    %swap3A_141 = arith.constant 0 : index
    %swap3A_142 = vector.load %arg20[%swap3A_139, %swap3A_140, %swap3A_141] : memref<2x1000x512xf32, #tpu.memory_space<vmem>>, vector<1x1000x512xf32>
    %swap3A_143 = vector.shape_cast %swap3A_142 : vector<1x1000x512xf32> to vector<1000x512xf32>
    %swap3A_144 = vector.shape_cast %max3A_138 : vector<1000x512xf32> to vector<1x1000x512xf32>
    tpu.vector_store %arg20[%swap3A_139, %swap3A_140, %swap3A_141], %swap3A_144 {strides = array<i32>} : memref<2x1000x512xf32, #tpu.memory_space<vmem>>, vector<1x1000x512xf32>,
    %get3A_145 = arith.constant 1 : index
    %get3A_146 = arith.constant 0 : index
    %get3A_147 = arith.constant 0 : index
    %get3A_148 = vector.load %arg18[%get3A_145, %get3A_146, %get3A_147] : memref<2x256x512xf32, #tpu.memory_space<vmem>>, vector<1x256x512xf32>
    %get3A_149 = vector.shape_cast %get3A_148 : vector<1x256x512xf32> to vector<256x512xf32>
    %convert_element_type3A_150 = arith.truncf %add3A_125 : vector<1000x256xf32> to vector<1000x256xbf16>
    %convert_element_type3A_151 = arith.truncf %get3A_149 : vector<256x512xf32> to vector<256x512xbf16>
    %dot_general3A_152 = arith.constant dense<0.000000e+00> : vector<1000x512xf32>
    %dot_general3A_153 = tpu.matmul %convert_element_type3A_150, %convert_element_type3A_151, %dot_general3A_152 {dimension_numbers = #tpu.dot_dimension_numbers<[1], [0], [0], [1], [0, 0, 1, 1], [], []>, transpose_lhs_hint = false} : vector<1000x256xbf16>, vector<256x512xbf16>, vector<1000x512xf32> -> vector<1000x512xf32>
    %max3A_154 = arith.constant 0.000000e+00 : f32
    %max3A_155 = vector.broadcast %max3A_154 : f32 to vector<1000x512xf32>
    %max3A_156 = arith.maximumf %dot_general3A_153, %max3A_155 : vector<1000x512xf32>
    %swap3A_157 = arith.constant 1 : index
    %swap3A_158 = arith.constant 0 : index
    %swap3A_159 = arith.constant 0 : index
    %swap3A_160 = vector.load %arg20[%swap3A_157, %swap3A_158, %swap3A_159] : memref<2x1000x512xf32, #tpu.memory_space<vmem>>, vector<1x1000x512xf32>
    %swap3A_161 = vector.shape_cast %swap3A_160 : vector<1x1000x512xf32> to vector<1000x512xf32>
    %swap3A_162 = vector.shape_cast %max3A_156 : vector<1000x512xf32> to vector<1x1000x512xf32>
    tpu.vector_store %arg20[%swap3A_157, %swap3A_158, %swap3A_159], %swap3A_162 {strides = array<i32>} : memref<2x1000x512xf32, #tpu.memory_space<vmem>>, vector<1x1000x512xf32>,
    return
  }
  func.func @transform_0(%arg0: i32) -> (i32, i32) {
    %c0_i32 = arith.constant 0 : i32
    %c0_i32_0 = arith.constant 0 : i32
    return %arg0, %c0_i32 : i32, i32
  }
  func.func @transform_1(%arg0: i32) -> (i32, i32) {
    %c0_i32 = arith.constant 0 : i32
    %c0_i32_0 = arith.constant 0 : i32
    return %arg0, %c0_i32 : i32, i32
  }
  func.func @transform_2(%arg0: i32) -> (i32, i32) {
    %c0_i32 = arith.constant 0 : i32
    %c0_i32_0 = arith.constant 0 : i32
    return %arg0, %c0_i32 : i32, i32
  }
  func.func @transform_3(%arg0: i32) -> (i32, i32) {
    %c0_i32 = arith.constant 0 : i32
    %c0_i32_0 = arith.constant 0 : i32
    return %arg0, %c0_i32 : i32, i32
  }
  func.func @transform_4(%arg0: i32) -> (i32, i32) {
    %c0_i32 = arith.constant 0 : i32
    %c0_i32_0 = arith.constant 0 : i32
    return %arg0, %c0_i32 : i32, i32
  }
  func.func @transform_5(%arg0: i32) -> (i32, i32) {
    %c0_i32 = arith.constant 0 : i32
    %c0_i32_0 = arith.constant 0 : i32
    return %arg0, %c0_i32 : i32, i32
  }
  func.func @transform_6(%arg0: i32) -> (i32, i32) {
    %c0_i32 = arith.constant 0 : i32
    %c0_i32_0 = arith.constant 0 : i32
    %c0_i32_1 = arith.constant 0 : i32
    return %c0_i32, %c0_i32_0 : i32, i32
  }
  func.func @transform_7(%arg0: i32) -> (i32, i32) {
    %c0_i32 = arith.constant 0 : i32
    %c0_i32_0 = arith.constant 0 : i32
    %c0_i32_1 = arith.constant 0 : i32
    return %c0_i32, %c0_i32_0 : i32, i32
  }
  func.func @transform_8(%arg0: i32) -> (i32, i32) {
    %c0_i32 = arith.constant 0 : i32
    %c0_i32_0 = arith.constant 0 : i32
    %c0_i32_1 = arith.constant 0 : i32
    return %c0_i32, %c0_i32_0 : i32, i32
  }
  func.func @transform_9(%arg0: i32) -> (i32, i32) {
    %c0_i32 = arith.constant 0 : i32
    %c0_i32_0 = arith.constant 0 : i32
    %c0_i32_1 = arith.constant 0 : i32
    return %c0_i32, %c0_i32_0 : i32, i32
  }
  func.func @transform_10(%arg0: i32) -> (i32, i32) {
    %c0_i32 = arith.constant 0 : i32
    %c0_i32_0 = arith.constant 0 : i32
    %c0_i32_1 = arith.constant 0 : i32
    return %c0_i32, %c0_i32_0 : i32, i32
  }
  func.func @transform_11(%arg0: i32) -> (i32, i32) {
    %c0_i32 = arith.constant 0 : i32
    %c0_i32_0 = arith.constant 0 : i32
    %c0_i32_1 = arith.constant 0 : i32
    return %c0_i32, %c0_i32_0 : i32, i32
  }
  func.func @transform_12(%arg0: i32) -> (i32, i32) {
    %c0_i32 = arith.constant 0 : i32
    %c0_i32_0 = arith.constant 0 : i32
    %c0_i32_1 = arith.constant 0 : i32
    return %c0_i32, %c0_i32_0 : i32, i32
  }
  func.func @transform_13(%arg0: i32) -> (i32, i32) {
    %c0_i32 = arith.constant 0 : i32
    %c0_i32_0 = arith.constant 0 : i32
    %c0_i32_1 = arith.constant 0 : i32
    return %c0_i32, %c0_i32_0 : i32, i32
  }
  func.func @transform_14(%arg0: i32) -> (i32, i32) {
    %c0_i32 = arith.constant 0 : i32
    %c0_i32_0 = arith.constant 0 : i32
    %c0_i32_1 = arith.constant 0 : i32
    return %c0_i32, %c0_i32_0 : i32, i32
  }
  func.func @transform_15(%arg0: i32) -> (i32, i32) {
    %c0_i32 = arith.constant 0 : i32
    %c0_i32_0 = arith.constant 0 : i32
    %c0_i32_1 = arith.constant 0 : i32
    return %c0_i32, %c0_i32_0 : i32, i32
  }
  func.func @transform_16(%arg0: i32) -> (i32, i32) {
    %c0_i32 = arith.constant 0 : i32
    %c0_i32_0 = arith.constant 0 : i32
    %c0_i32_1 = arith.constant 0 : i32
    return %c0_i32, %c0_i32_0 : i32, i32
  }
  func.func @transform_17(%arg0: i32) -> (i32, i32, i32) {
    %c0_i32 = arith.constant 0 : i32
    %c0_i32_0 = arith.constant 0 : i32
    %c0_i32_1 = arith.constant 0 : i32
    %c0_i32_2 = arith.constant 0 : i32
    return %c0_i32, %c0_i32_0, %c0_i32_1 : i32, i32, i32
  }
  func.func @transform_18(%arg0: i32) -> (i32, i32) {
    %c0_i32 = arith.constant 0 : i32
    %c0_i32_0 = arith.constant 0 : i32
    return %arg0, %c0_i32 : i32, i32
  }
  func.func @transform_19(%arg0: i32) -> (i32, i32, i32) {
    %c0_i32 = arith.constant 0 : i32
    %c0_i32_0 = arith.constant 0 : i32
    %c0_i32_1 = arith.constant 0 : i32
    return %c0_i32, %arg0, %c0_i32_0 : i32, i32, i32
  }
}

module attributes {stable_mosaic.version = 14 : i64} {
  func.func @_post_body(%arg0: i32, %arg1: memref<1000x128xf32, #tpu.memory_space<vmem>>, %arg2: memref<1000x128xf32, #tpu.memory_space<vmem>>, %arg3: memref<1000x256xf32, #tpu.memory_space<vmem>>, %arg4: memref<1000x1xf32, #tpu.memory_space<vmem>>, %arg5: memref<1000x1xf32, #tpu.memory_space<vmem>>, %arg6: memref<1000x1xf32, #tpu.memory_space<vmem>>, %arg7: memref<256x256xf32, #tpu.memory_space<vmem>>, %arg8: memref<256x256xf32, #tpu.memory_space<vmem>>, %arg9: memref<256x256xf32, #tpu.memory_space<vmem>>, %arg10: memref<1x256xf32, #tpu.memory_space<vmem>>, %arg11: memref<1x256xf32, #tpu.memory_space<vmem>>, %arg12: memref<1x256xf32, #tpu.memory_space<vmem>>, %arg13: memref<256x512xf32, #tpu.memory_space<vmem>>, %arg14: memref<1x512xf32, #tpu.memory_space<vmem>>, %arg15: memref<512x256xf32, #tpu.memory_space<vmem>>, %arg16: memref<1x256xf32, #tpu.memory_space<vmem>>, %arg17: memref<1x1xf32, #tpu.memory_space<vmem>>, %arg18: memref<1000x256xf32, #tpu.memory_space<vmem>>) attributes {dimension_semantics = [#tpu.dimension_semantics<arbitrary>], iteration_bounds = array<i64: 10>, scalar_prefetch = 0 : i64, scratch_operands = 0 : i64, tpu.core_type = #tpu.core_type<tc>, window_params = [{transform_indices = @transform_0, window_bounds = array<i64: 1000, 128>}, {transform_indices = @transform_1, window_bounds = array<i64: 1000, 128>}, {transform_indices = @transform_2, window_bounds = array<i64: 1000, 256>}, {transform_indices = @transform_3, window_bounds = array<i64: 1000, 1>}, {transform_indices = @transform_4, window_bounds = array<i64: 1000, 1>}, {transform_indices = @transform_5, window_bounds = array<i64: 1000, 1>}, {pipeline_mode = #tpu.pipeline_mode<synchronous>, transform_indices = @transform_6, window_bounds = array<i64: 256, 256>}, {pipeline_mode = #tpu.pipeline_mode<synchronous>, transform_indices = @transform_7, window_bounds = array<i64: 256, 256>}, {pipeline_mode = #tpu.pipeline_mode<synchronous>, transform_indices = @transform_8, window_bounds = array<i64: 256, 256>}, {pipeline_mode = #tpu.pipeline_mode<synchronous>, transform_indices = @transform_9, window_bounds = array<i64: 1, 256>}, {pipeline_mode = #tpu.pipeline_mode<synchronous>, transform_indices = @transform_10, window_bounds = array<i64: 1, 256>}, {pipeline_mode = #tpu.pipeline_mode<synchronous>, transform_indices = @transform_11, window_bounds = array<i64: 1, 256>}, {pipeline_mode = #tpu.pipeline_mode<synchronous>, transform_indices = @transform_12, window_bounds = array<i64: 256, 512>}, {pipeline_mode = #tpu.pipeline_mode<synchronous>, transform_indices = @transform_13, window_bounds = array<i64: 1, 512>}, {pipeline_mode = #tpu.pipeline_mode<synchronous>, transform_indices = @transform_14, window_bounds = array<i64: 512, 256>}, {pipeline_mode = #tpu.pipeline_mode<synchronous>, transform_indices = @transform_15, window_bounds = array<i64: 1, 256>}, {pipeline_mode = #tpu.pipeline_mode<synchronous>, transform_indices = @transform_16, window_bounds = array<i64: 1, 1>}, {transform_indices = @transform_17, window_bounds = array<i64: 1000, 256>}]} {
    %get3A = arith.constant 0 : index
    %get3A_0 = arith.constant 0 : index
    %get3A_1 = vector.load %arg1[%get3A, %get3A_0] : memref<1000x128xf32, #tpu.memory_space<vmem>>, vector<1000x128xf32>
    %get3A_2 = arith.constant 0 : index
    %get3A_3 = arith.constant 0 : index
    %get3A_4 = vector.load %arg2[%get3A_2, %get3A_3] : memref<1000x128xf32, #tpu.memory_space<vmem>>, vector<1000x128xf32>
    %concatenate3A = tpu.concatenate %get3A_1, %get3A_4 in 1 : vector<1000x128xf32>, vector<1000x128xf32> -> vector<1000x256xf32>
    %get3A_5 = arith.constant 0 : index
    %get3A_6 = arith.constant 0 : index
    %get3A_7 = vector.load %arg4[%get3A_5, %get3A_6] : memref<1000x1xf32, #tpu.memory_space<vmem>>, vector<1000x1xf32>
    %mul3A = vector.broadcast %get3A_7 : vector<1000x1xf32> to vector<1000x256xf32>
    %mul3A_8 = arith.mulf %concatenate3A, %mul3A : vector<1000x256xf32>
    %get3A_9 = arith.constant 0 : index
    %get3A_10 = arith.constant 0 : index
    %get3A_11 = vector.load %arg7[%get3A_9, %get3A_10] : memref<256x256xf32, #tpu.memory_space<vmem>>, vector<256x256xf32>
    %convert_element_type3A = arith.truncf %mul3A_8 : vector<1000x256xf32> to vector<1000x256xbf16>
    %convert_element_type3A_12 = arith.truncf %get3A_11 : vector<256x256xf32> to vector<256x256xbf16>
    %dot_general3A = arith.constant dense<0.000000e+00> : vector<1000x256xf32>
    %dot_general3A_13 = tpu.matmul %convert_element_type3A, %convert_element_type3A_12, %dot_general3A {dimension_numbers = #tpu.dot_dimension_numbers<[1], [0], [0], [1], [0, 0, 1, 1], [], []>, transpose_lhs_hint = false} : vector<1000x256xbf16>, vector<256x256xbf16>, vector<1000x256xf32> -> vector<1000x256xf32>
    %get3A_14 = arith.constant 0 : index
    %get3A_15 = arith.constant 0 : index
    %get3A_16 = vector.load %arg5[%get3A_14, %get3A_15] : memref<1000x1xf32, #tpu.memory_space<vmem>>, vector<1000x1xf32>
    %mul3A_17 = vector.broadcast %get3A_16 : vector<1000x1xf32> to vector<1000x256xf32>
    %mul3A_18 = arith.mulf %mul3A_17, %mul3A_8 : vector<1000x256xf32>
    %get3A_19 = arith.constant 0 : index
    %get3A_20 = arith.constant 0 : index
    %get3A_21 = vector.load %arg8[%get3A_19, %get3A_20] : memref<256x256xf32, #tpu.memory_space<vmem>>, vector<256x256xf32>
    %convert_element_type3A_22 = arith.truncf %mul3A_18 : vector<1000x256xf32> to vector<1000x256xbf16>
    %convert_element_type3A_23 = arith.truncf %get3A_21 : vector<256x256xf32> to vector<256x256xbf16>
    %dot_general3A_24 = arith.constant dense<0.000000e+00> : vector<1000x256xf32>
    %dot_general3A_25 = tpu.matmul %convert_element_type3A_22, %convert_element_type3A_23, %dot_general3A_24 {dimension_numbers = #tpu.dot_dimension_numbers<[1], [0], [0], [1], [0, 0, 1, 1], [], []>, transpose_lhs_hint = false} : vector<1000x256xbf16>, vector<256x256xbf16>, vector<1000x256xf32> -> vector<1000x256xf32>
    %add3A = arith.addf %dot_general3A_13, %dot_general3A_25 : vector<1000x256xf32>
    %get3A_26 = arith.constant 0 : index
    %get3A_27 = arith.constant 0 : index
    %get3A_28 = vector.load %arg6[%get3A_26, %get3A_27] : memref<1000x1xf32, #tpu.memory_space<vmem>>, vector<1000x1xf32>
    %mul3A_29 = vector.broadcast %get3A_28 : vector<1000x1xf32> to vector<1000x256xf32>
    %mul3A_30 = arith.mulf %mul3A_29, %mul3A_8 : vector<1000x256xf32>
    %get3A_31 = arith.constant 0 : index
    %get3A_32 = arith.constant 0 : index
    %get3A_33 = vector.load %arg9[%get3A_31, %get3A_32] : memref<256x256xf32, #tpu.memory_space<vmem>>, vector<256x256xf32>
    %convert_element_type3A_34 = arith.truncf %mul3A_30 : vector<1000x256xf32> to vector<1000x256xbf16>
    %convert_element_type3A_35 = arith.truncf %get3A_33 : vector<256x256xf32> to vector<256x256xbf16>
    %dot_general3A_36 = arith.constant dense<0.000000e+00> : vector<1000x256xf32>
    %dot_general3A_37 = tpu.matmul %convert_element_type3A_34, %convert_element_type3A_35, %dot_general3A_36 {dimension_numbers = #tpu.dot_dimension_numbers<[1], [0], [0], [1], [0, 0, 1, 1], [], []>, transpose_lhs_hint = false} : vector<1000x256xbf16>, vector<256x256xbf16>, vector<1000x256xf32> -> vector<1000x256xf32>
    %add3A_38 = arith.addf %add3A, %dot_general3A_37 : vector<1000x256xf32>
    %get3A_39 = arith.constant 0 : index
    %get3A_40 = arith.constant 0 : index
    %get3A_41 = vector.load %arg10[%get3A_39, %get3A_40] : memref<1x256xf32, #tpu.memory_space<vmem>>, vector<1x256xf32>
    %add3A_42 = vector.broadcast %get3A_41 : vector<1x256xf32> to vector<1000x256xf32>
    %add3A_43 = arith.addf %add3A_38, %add3A_42 : vector<1000x256xf32>
    %get3A_44 = arith.constant 0 : index
    %get3A_45 = arith.constant 0 : index
    %get3A_46 = vector.load %arg17[%get3A_44, %get3A_45] : memref<1x1xf32, #tpu.memory_space<vmem>>, vector<1x1xf32>
    %get3A_47 = vector.extract %get3A_46[0, 0] : f32 from vector<1x1xf32>
    %get3A_48 = arith.constant 0 : index
    %get3A_49 = arith.constant 0 : index
    %get3A_50 = vector.load %arg3[%get3A_48, %get3A_49] : memref<1000x256xf32, #tpu.memory_space<vmem>>, vector<1000x256xf32>
    %mul3A_51 = vector.broadcast %get3A_47 : f32 to vector<1000x256xf32>
    %mul3A_52 = arith.mulf %mul3A_51, %add3A_43 : vector<1000x256xf32>
    %add3A_53 = arith.addf %get3A_50, %mul3A_52 : vector<1000x256xf32>
    %get3A_54 = arith.constant 0 : index
    %get3A_55 = arith.constant 0 : index
    %get3A_56 = vector.load %arg11[%get3A_54, %get3A_55] : memref<1x256xf32, #tpu.memory_space<vmem>>, vector<1x256xf32>
    %get3A_57 = arith.constant 0 : index
    %get3A_58 = arith.constant 0 : index
    %get3A_59 = vector.load %arg12[%get3A_57, %get3A_58] : memref<1x256xf32, #tpu.memory_space<vmem>>, vector<1x256xf32>
    %reduce_sum3A = arith.constant dense<0.000000e+00> : vector<1000xf32>
    %reduce_sum3A_60 = vector.multi_reduction <add>, %add3A_53, %reduce_sum3A [1] : vector<1000x256xf32> to vector<1000xf32>
    %broadcast_in_dim3A = vector.shape_cast %reduce_sum3A_60 : vector<1000xf32> to vector<1000x1xf32>
    %div3A = arith.constant 2.560000e+02 : f32
    %div3A_61 = vector.broadcast %div3A : f32 to vector<1000x1xf32>
    %div3A_62 = arith.divf %broadcast_in_dim3A, %div3A_61 : vector<1000x1xf32>
    %sub3A = vector.broadcast %div3A_62 : vector<1000x1xf32> to vector<1000x256xf32>
    %sub3A_63 = arith.subf %add3A_53, %sub3A : vector<1000x256xf32>
    %sub3A_64 = vector.broadcast %div3A_62 : vector<1000x1xf32> to vector<1000x256xf32>
    %sub3A_65 = arith.subf %add3A_53, %sub3A_64 : vector<1000x256xf32>
    %mul3A_66 = arith.mulf %sub3A_63, %sub3A_65 : vector<1000x256xf32>
    %reduce_sum3A_67 = arith.constant dense<0.000000e+00> : vector<1000xf32>
    %reduce_sum3A_68 = vector.multi_reduction <add>, %mul3A_66, %reduce_sum3A_67 [1] : vector<1000x256xf32> to vector<1000xf32>
    %broadcast_in_dim3A_69 = vector.shape_cast %reduce_sum3A_68 : vector<1000xf32> to vector<1000x1xf32>
    %div3A_70 = arith.constant 2.560000e+02 : f32
    %div3A_71 = vector.broadcast %div3A_70 : f32 to vector<1000x1xf32>
    %div3A_72 = arith.divf %broadcast_in_dim3A_69, %div3A_71 : vector<1000x1xf32>
    %sub3A_73 = vector.broadcast %div3A_62 : vector<1000x1xf32> to vector<1000x256xf32>
    %sub3A_74 = arith.subf %add3A_53, %sub3A_73 : vector<1000x256xf32>
    %add3A_75 = arith.constant 9.99999974E-6 : f32
    %add3A_76 = vector.broadcast %add3A_75 : f32 to vector<1000x1xf32>
    %add3A_77 = arith.addf %div3A_72, %add3A_76 : vector<1000x1xf32>
    %sqrt3A = math.sqrt %add3A_77 : vector<1000x1xf32>
    %div3A_78 = vector.broadcast %sqrt3A : vector<1000x1xf32> to vector<1000x256xf32>
    %div3A_79 = arith.divf %sub3A_74, %div3A_78 : vector<1000x256xf32>
    %mul3A_80 = vector.broadcast %get3A_56 : vector<1x256xf32> to vector<1000x256xf32>
    %mul3A_81 = arith.mulf %div3A_79, %mul3A_80 : vector<1000x256xf32>
    %add3A_82 = vector.broadcast %get3A_59 : vector<1x256xf32> to vector<1000x256xf32>
    %add3A_83 = arith.addf %mul3A_81, %add3A_82 : vector<1000x256xf32>
    %get3A_84 = arith.constant 0 : index
    %get3A_85 = arith.constant 0 : index
    %get3A_86 = vector.load %arg13[%get3A_84, %get3A_85] : memref<256x512xf32, #tpu.memory_space<vmem>>, vector<256x512xf32>
    %convert_element_type3A_87 = arith.truncf %add3A_83 : vector<1000x256xf32> to vector<1000x256xbf16>
    %convert_element_type3A_88 = arith.truncf %get3A_86 : vector<256x512xf32> to vector<256x512xbf16>
    %dot_general3A_89 = arith.constant dense<0.000000e+00> : vector<1000x512xf32>
    %dot_general3A_90 = tpu.matmul %convert_element_type3A_87, %convert_element_type3A_88, %dot_general3A_89 {dimension_numbers = #tpu.dot_dimension_numbers<[1], [0], [0], [1], [0, 0, 1, 1], [], []>, transpose_lhs_hint = false} : vector<1000x256xbf16>, vector<256x512xbf16>, vector<1000x512xf32> -> vector<1000x512xf32>
    %get3A_91 = arith.constant 0 : index
    %get3A_92 = arith.constant 0 : index
    %get3A_93 = vector.load %arg14[%get3A_91, %get3A_92] : memref<1x512xf32, #tpu.memory_space<vmem>>, vector<1x512xf32>
    %add3A_94 = vector.broadcast %get3A_93 : vector<1x512xf32> to vector<1000x512xf32>
    %add3A_95 = arith.addf %dot_general3A_90, %add3A_94 : vector<1000x512xf32>
    %integer_pow3A = arith.mulf %add3A_95, %add3A_95 : vector<1000x512xf32>
    %integer_pow3A_96 = arith.mulf %add3A_95, %integer_pow3A : vector<1000x512xf32>
    %mul3A_97 = arith.constant 4.471500e-02 : f32
    %mul3A_98 = vector.broadcast %mul3A_97 : f32 to vector<1000x512xf32>
    %mul3A_99 = arith.mulf %mul3A_98, %integer_pow3A_96 : vector<1000x512xf32>
    %add3A_100 = arith.addf %add3A_95, %mul3A_99 : vector<1000x512xf32>
    %mul3A_101 = arith.constant 0.797884583 : f32
    %mul3A_102 = vector.broadcast %mul3A_101 : f32 to vector<1000x512xf32>
    %mul3A_103 = arith.mulf %mul3A_102, %add3A_100 : vector<1000x512xf32>
    %tanh3A = math.tanh %mul3A_103 : vector<1000x512xf32>
    %add3A_104 = arith.constant 1.000000e+00 : f32
    %add3A_105 = vector.broadcast %add3A_104 : f32 to vector<1000x512xf32>
    %add3A_106 = arith.addf %add3A_105, %tanh3A : vector<1000x512xf32>
    %mul3A_107 = arith.constant 5.000000e-01 : f32
    %mul3A_108 = vector.broadcast %mul3A_107 : f32 to vector<1000x512xf32>
    %mul3A_109 = arith.mulf %mul3A_108, %add3A_106 : vector<1000x512xf32>
    %mul3A_110 = arith.mulf %add3A_95, %mul3A_109 : vector<1000x512xf32>
    %get3A_111 = arith.constant 0 : index
    %get3A_112 = arith.constant 0 : index
    %get3A_113 = vector.load %arg15[%get3A_111, %get3A_112] : memref<512x256xf32, #tpu.memory_space<vmem>>, vector<512x256xf32>
    %convert_element_type3A_114 = arith.truncf %mul3A_110 : vector<1000x512xf32> to vector<1000x512xbf16>
    %convert_element_type3A_115 = arith.truncf %get3A_113 : vector<512x256xf32> to vector<512x256xbf16>
    %dot_general3A_116 = arith.constant dense<0.000000e+00> : vector<1000x256xf32>
    %dot_general3A_117 = tpu.matmul %convert_element_type3A_114, %convert_element_type3A_115, %dot_general3A_116 {dimension_numbers = #tpu.dot_dimension_numbers<[1], [0], [0], [1], [0, 0, 1, 1], [], []>, transpose_lhs_hint = false} : vector<1000x512xbf16>, vector<512x256xbf16>, vector<1000x256xf32> -> vector<1000x256xf32>
    %get3A_118 = arith.constant 0 : index
    %get3A_119 = arith.constant 0 : index
    %get3A_120 = vector.load %arg16[%get3A_118, %get3A_119] : memref<1x256xf32, #tpu.memory_space<vmem>>, vector<1x256xf32>
    %add3A_121 = vector.broadcast %get3A_120 : vector<1x256xf32> to vector<1000x256xf32>
    %add3A_122 = arith.addf %dot_general3A_117, %add3A_121 : vector<1000x256xf32>
    %mul3A_123 = vector.broadcast %get3A_47 : f32 to vector<1000x256xf32>
    %mul3A_124 = arith.mulf %mul3A_123, %add3A_122 : vector<1000x256xf32>
    %add3A_125 = arith.addf %add3A_53, %mul3A_124 : vector<1000x256xf32>
    %swap3A = arith.constant 0 : index
    %swap3A_126 = arith.constant 0 : index
    %swap3A_127 = vector.load %arg18[%swap3A, %swap3A_126] : memref<1000x256xf32, #tpu.memory_space<vmem>>, vector<1000x256xf32>
    tpu.vector_store %arg18[%swap3A, %swap3A_126], %add3A_125 {strides = array<i32>} : memref<1000x256xf32, #tpu.memory_space<vmem>>, vector<1000x256xf32>,
    return
  }
  func.func @transform_0(%arg0: i32) -> (i32, i32) {
    %c0_i32 = arith.constant 0 : i32
    %c0_i32_0 = arith.constant 0 : i32
    return %arg0, %c0_i32 : i32, i32
  }
  func.func @transform_1(%arg0: i32) -> (i32, i32) {
    %c0_i32 = arith.constant 0 : i32
    %c0_i32_0 = arith.constant 0 : i32
    return %arg0, %c0_i32 : i32, i32
  }
  func.func @transform_2(%arg0: i32) -> (i32, i32) {
    %c0_i32 = arith.constant 0 : i32
    %c0_i32_0 = arith.constant 0 : i32
    return %arg0, %c0_i32 : i32, i32
  }
  func.func @transform_3(%arg0: i32) -> (i32, i32) {
    %c0_i32 = arith.constant 0 : i32
    %c0_i32_0 = arith.constant 0 : i32
    return %arg0, %c0_i32 : i32, i32
  }
  func.func @transform_4(%arg0: i32) -> (i32, i32) {
    %c0_i32 = arith.constant 0 : i32
    %c0_i32_0 = arith.constant 0 : i32
    return %arg0, %c0_i32 : i32, i32
  }
  func.func @transform_5(%arg0: i32) -> (i32, i32) {
    %c0_i32 = arith.constant 0 : i32
    %c0_i32_0 = arith.constant 0 : i32
    return %arg0, %c0_i32 : i32, i32
  }
  func.func @transform_6(%arg0: i32) -> (i32, i32) {
    %c0_i32 = arith.constant 0 : i32
    %c0_i32_0 = arith.constant 0 : i32
    %c0_i32_1 = arith.constant 0 : i32
    return %c0_i32, %c0_i32_0 : i32, i32
  }
  func.func @transform_7(%arg0: i32) -> (i32, i32) {
    %c0_i32 = arith.constant 0 : i32
    %c0_i32_0 = arith.constant 0 : i32
    %c0_i32_1 = arith.constant 0 : i32
    return %c0_i32, %c0_i32_0 : i32, i32
  }
  func.func @transform_8(%arg0: i32) -> (i32, i32) {
    %c0_i32 = arith.constant 0 : i32
    %c0_i32_0 = arith.constant 0 : i32
    %c0_i32_1 = arith.constant 0 : i32
    return %c0_i32, %c0_i32_0 : i32, i32
  }
  func.func @transform_9(%arg0: i32) -> (i32, i32) {
    %c0_i32 = arith.constant 0 : i32
    %c0_i32_0 = arith.constant 0 : i32
    %c0_i32_1 = arith.constant 0 : i32
    return %c0_i32, %c0_i32_0 : i32, i32
  }
  func.func @transform_10(%arg0: i32) -> (i32, i32) {
    %c0_i32 = arith.constant 0 : i32
    %c0_i32_0 = arith.constant 0 : i32
    %c0_i32_1 = arith.constant 0 : i32
    return %c0_i32, %c0_i32_0 : i32, i32
  }
  func.func @transform_11(%arg0: i32) -> (i32, i32) {
    %c0_i32 = arith.constant 0 : i32
    %c0_i32_0 = arith.constant 0 : i32
    %c0_i32_1 = arith.constant 0 : i32
    return %c0_i32, %c0_i32_0 : i32, i32
  }
  func.func @transform_12(%arg0: i32) -> (i32, i32) {
    %c0_i32 = arith.constant 0 : i32
    %c0_i32_0 = arith.constant 0 : i32
    %c0_i32_1 = arith.constant 0 : i32
    return %c0_i32, %c0_i32_0 : i32, i32
  }
  func.func @transform_13(%arg0: i32) -> (i32, i32) {
    %c0_i32 = arith.constant 0 : i32
    %c0_i32_0 = arith.constant 0 : i32
    %c0_i32_1 = arith.constant 0 : i32
    return %c0_i32, %c0_i32_0 : i32, i32
  }
  func.func @transform_14(%arg0: i32) -> (i32, i32) {
    %c0_i32 = arith.constant 0 : i32
    %c0_i32_0 = arith.constant 0 : i32
    %c0_i32_1 = arith.constant 0 : i32
    return %c0_i32, %c0_i32_0 : i32, i32
  }
  func.func @transform_15(%arg0: i32) -> (i32, i32) {
    %c0_i32 = arith.constant 0 : i32
    %c0_i32_0 = arith.constant 0 : i32
    %c0_i32_1 = arith.constant 0 : i32
    return %c0_i32, %c0_i32_0 : i32, i32
  }
  func.func @transform_16(%arg0: i32) -> (i32, i32) {
    %c0_i32 = arith.constant 0 : i32
    %c0_i32_0 = arith.constant 0 : i32
    %c0_i32_1 = arith.constant 0 : i32
    return %c0_i32, %c0_i32_0 : i32, i32
  }
  func.func @transform_17(%arg0: i32) -> (i32, i32) {
    %c0_i32 = arith.constant 0 : i32
    %c0_i32_0 = arith.constant 0 : i32
    return %arg0, %c0_i32 : i32, i32
  }
}

module attributes {stable_mosaic.version = 14 : i64} {
  func.func @_read_body(%arg0: i32, %arg1: memref<1000x256xf32, #tpu.memory_space<vmem>>, %arg2: memref<1000x256xf32, #tpu.memory_space<vmem>>, %arg3: memref<1000x256xf32, #tpu.memory_space<vmem>>, %arg4: memref<1000x256xf32, #tpu.memory_space<vmem>>, %arg5: memref<1000x256xf32, #tpu.memory_space<vmem>>, %arg6: memref<1000x1xi32, #tpu.memory_space<vmem>>, %arg7: memref<1280x256xf32, #tpu.memory_space<vmem>>, %arg8: memref<1x256xf32, #tpu.memory_space<vmem>>, %arg9: memref<1x256xf32, #tpu.memory_space<vmem>>, %arg10: memref<1x256xf32, #tpu.memory_space<vmem>>, %arg11: memref<64x256xf32, #tpu.memory_space<vmem>>, %arg12: memref<64x1280xf32, #tpu.memory_space<vmem>>, %arg13: memref<64x1xf32, #tpu.memory_space<vmem>>) attributes {dimension_semantics = [#tpu.dimension_semantics<arbitrary>], iteration_bounds = array<i64: 10>, scalar_prefetch = 0 : i64, scratch_operands = 2 : i64, tpu.core_type = #tpu.core_type<tc>, window_params = [{transform_indices = @transform_0, window_bounds = array<i64: 1000, 256>}, {transform_indices = @transform_1, window_bounds = array<i64: 1000, 256>}, {transform_indices = @transform_2, window_bounds = array<i64: 1000, 256>}, {transform_indices = @transform_3, window_bounds = array<i64: 1000, 256>}, {transform_indices = @transform_4, window_bounds = array<i64: 1000, 256>}, {transform_indices = @transform_5, window_bounds = array<i64: 1000, 1>}, {pipeline_mode = #tpu.pipeline_mode<synchronous>, transform_indices = @transform_6, window_bounds = array<i64: 1280, 256>}, {pipeline_mode = #tpu.pipeline_mode<synchronous>, transform_indices = @transform_7, window_bounds = array<i64: 1, 256>}, {pipeline_mode = #tpu.pipeline_mode<synchronous>, transform_indices = @transform_8, window_bounds = array<i64: 1, 256>}, {pipeline_mode = #tpu.pipeline_mode<synchronous>, transform_indices = @transform_9, window_bounds = array<i64: 1, 256>}, {pipeline_mode = #tpu.pipeline_mode<synchronous>, transform_indices = @transform_10, window_bounds = array<i64: 64, 256>}]} {
    %eq3A = arith.constant 0 : i32
    %eq3A_0 = arith.cmpi eq, %arg0, %eq3A : i32
    %convert_element_type3A = arith.extui %eq3A_0 : i1 to i32
    %cond3A = arith.constant 0 : i32
    %cond3A_1 = arith.cmpi ne, %convert_element_type3A, %cond3A : i32
    scf.if %cond3A_1 {
      %broadcast_in_dim3A_46 = arith.constant 0.000000e+00 : f32
      %broadcast_in_dim3A_47 = vector.broadcast %broadcast_in_dim3A_46 : f32 to vector<64x1280xf32>
      %swap3A_48 = arith.constant 0 : index
      %swap3A_49 = arith.constant 0 : index
      %swap3A_50 = vector.load %arg12[%swap3A_48, %swap3A_49] : memref<64x1280xf32, #tpu.memory_space<vmem>>, vector<64x1280xf32>
      tpu.vector_store %arg12[%swap3A_48, %swap3A_49], %broadcast_in_dim3A_47 {strides = array<i32>} : memref<64x1280xf32, #tpu.memory_space<vmem>>, vector<64x1280xf32>,
      %broadcast_in_dim3A_51 = arith.constant 0.000000e+00 : f32
      %broadcast_in_dim3A_52 = vector.broadcast %broadcast_in_dim3A_51 : f32 to vector<64x1xf32>
      %swap3A_53 = arith.constant 0 : index
      %swap3A_54 = arith.constant 0 : index
      %swap3A_55 = vector.load %arg13[%swap3A_53, %swap3A_54] : memref<64x1xf32, #tpu.memory_space<vmem>>, vector<64x1xf32>
      tpu.vector_store %arg13[%swap3A_53, %swap3A_54], %broadcast_in_dim3A_52 {strides = array<i32>} : memref<64x1xf32, #tpu.memory_space<vmem>>, vector<64x1xf32>,
    } else {
    }
    %get3A = arith.constant 0 : index
    %get3A_2 = arith.constant 0 : index
    %get3A_3 = vector.load %arg6[%get3A, %get3A_2] : memref<1000x1xi32, #tpu.memory_space<vmem>>, vector<1000x1xi32>
    %iota3A = tpu.iota {dimensions = array<i32: 1>} : vector<1000x64xi32>
    %eq3A_4 = vector.broadcast %get3A_3 : vector<1000x1xi32> to vector<1000x64xi32>
    %eq3A_5 = arith.cmpi eq, %eq3A_4, %iota3A : vector<1000x64xi32>
    %convert_element_type3A_6 = arith.extui %eq3A_5 : vector<1000x64xi1> to vector<1000x64xi32>
    %convert_element_type3A_7 = arith.sitofp %convert_element_type3A_6 : vector<1000x64xi32> to vector<1000x64xf32>
    %get3A_8 = arith.constant 0 : index
    %get3A_9 = arith.constant 0 : index
    %get3A_10 = vector.load %arg1[%get3A_8, %get3A_9] : memref<1000x256xf32, #tpu.memory_space<vmem>>, vector<1000x256xf32>
    %get3A_11 = arith.constant 0 : index
    %get3A_12 = arith.constant 0 : index
    %get3A_13 = vector.load %arg2[%get3A_11, %get3A_12] : memref<1000x256xf32, #tpu.memory_space<vmem>>, vector<1000x256xf32>
    %get3A_14 = arith.constant 0 : index
    %get3A_15 = arith.constant 0 : index
    %get3A_16 = vector.load %arg3[%get3A_14, %get3A_15] : memref<1000x256xf32, #tpu.memory_space<vmem>>, vector<1000x256xf32>
    %get3A_17 = arith.constant 0 : index
    %get3A_18 = arith.constant 0 : index
    %get3A_19 = vector.load %arg4[%get3A_17, %get3A_18] : memref<1000x256xf32, #tpu.memory_space<vmem>>, vector<1000x256xf32>
    %get3A_20 = arith.constant 0 : index
    %get3A_21 = arith.constant 0 : index
    %get3A_22 = vector.load %arg5[%get3A_20, %get3A_21] : memref<1000x256xf32, #tpu.memory_space<vmem>>, vector<1000x256xf32>
    %concatenate3A = tpu.concatenate %get3A_10, %get3A_13, %get3A_16, %get3A_19, %get3A_22 in 1 : vector<1000x256xf32>, vector<1000x256xf32>, vector<1000x256xf32>, vector<1000x256xf32>, vector<1000x256xf32> -> vector<1000x1280xf32>
    %convert_element_type3A_23 = arith.truncf %convert_element_type3A_7 : vector<1000x64xf32> to vector<1000x64xbf16>
    %get3A_24 = arith.constant 0 : index
    %get3A_25 = arith.constant 0 : index
    %get3A_26 = vector.load %arg12[%get3A_24, %get3A_25] : memref<64x1280xf32, #tpu.memory_space<vmem>>, vector<64x1280xf32>
    %convert_element_type3A_27 = arith.truncf %concatenate3A : vector<1000x1280xf32> to vector<1000x1280xbf16>
    %dot_general3A = arith.constant dense<0.000000e+00> : vector<64x1280xf32>
    %dot_general3A_28 = tpu.matmul %convert_element_type3A_23, %convert_element_type3A_27, %dot_general3A {dimension_numbers = #tpu.dot_dimension_numbers<[0], [0], [1], [1], [0, 1, 1, 1], [], []>, transpose_lhs_hint = false} : vector<1000x64xbf16>, vector<1000x1280xbf16>, vector<64x1280xf32> -> vector<64x1280xf32>
    %add3A = arith.addf %get3A_26, %dot_general3A_28 : vector<64x1280xf32>
    %swap3A = arith.constant 0 : index
    %swap3A_29 = arith.constant 0 : index
    %swap3A_30 = vector.load %arg12[%swap3A, %swap3A_29] : memref<64x1280xf32, #tpu.memory_space<vmem>>, vector<64x1280xf32>
    tpu.vector_store %arg12[%swap3A, %swap3A_29], %add3A {strides = array<i32>} : memref<64x1280xf32, #tpu.memory_space<vmem>>, vector<64x1280xf32>,
    %get3A_31 = arith.constant 0 : index
    %get3A_32 = arith.constant 0 : index
    %get3A_33 = vector.load %arg13[%get3A_31, %get3A_32] : memref<64x1xf32, #tpu.memory_space<vmem>>, vector<64x1xf32>
    %broadcast_in_dim3A = arith.constant 1.000000e+00 : bf16
    %broadcast_in_dim3A_34 = vector.broadcast %broadcast_in_dim3A : bf16 to vector<1000x1xbf16>
    %dot_general3A_35 = arith.constant dense<0.000000e+00> : vector<64x1xf32>
    %dot_general3A_36 = tpu.matmul %convert_element_type3A_23, %broadcast_in_dim3A_34, %dot_general3A_35 {dimension_numbers = #tpu.dot_dimension_numbers<[0], [0], [1], [1], [0, 1, 1, 1], [], []>, transpose_lhs_hint = false} : vector<1000x64xbf16>, vector<1000x1xbf16>, vector<64x1xf32> -> vector<64x1xf32>
    %add3A_37 = arith.addf %get3A_33, %dot_general3A_36 : vector<64x1xf32>
    %swap3A_38 = arith.constant 0 : index
    %swap3A_39 = arith.constant 0 : index
    %swap3A_40 = vector.load %arg13[%swap3A_38, %swap3A_39] : memref<64x1xf32, #tpu.memory_space<vmem>>, vector<64x1xf32>
    tpu.vector_store %arg13[%swap3A_38, %swap3A_39], %add3A_37 {strides = array<i32>} : memref<64x1xf32, #tpu.memory_space<vmem>>, vector<64x1xf32>,
    %eq3A_41 = arith.constant 9 : i32
    %eq3A_42 = arith.cmpi eq, %arg0, %eq3A_41 : i32
    %convert_element_type3A_43 = arith.extui %eq3A_42 : i1 to i32
    %cond3A_44 = arith.constant 0 : i32
    %cond3A_45 = arith.cmpi ne, %convert_element_type3A_43, %cond3A_44 : i32
    scf.if %cond3A_45 {
      %get3A_46 = arith.constant 0 : index
      %get3A_47 = arith.constant 0 : index
      %get3A_48 = vector.load %arg12[%get3A_46, %get3A_47] : memref<64x1280xf32, #tpu.memory_space<vmem>>, vector<64x1280xf32>
      %get3A_49 = arith.constant 0 : index
      %get3A_50 = arith.constant 0 : index
      %get3A_51 = vector.load %arg13[%get3A_49, %get3A_50] : memref<64x1xf32, #tpu.memory_space<vmem>>, vector<64x1xf32>
      %max3A = arith.constant 1.000000e+00 : f32
      %max3A_52 = vector.broadcast %max3A : f32 to vector<64x1xf32>
      %max3A_53 = arith.maximumf %get3A_51, %max3A_52 : vector<64x1xf32>
      %div3A = vector.broadcast %max3A_53 : vector<64x1xf32> to vector<64x1280xf32>
      %div3A_54 = arith.divf %get3A_48, %div3A : vector<64x1280xf32>
      %get3A_55 = arith.constant 0 : index
      %get3A_56 = arith.constant 0 : index
      %get3A_57 = vector.load %arg7[%get3A_55, %get3A_56] : memref<1280x256xf32, #tpu.memory_space<vmem>>, vector<1280x256xf32>
      %convert_element_type3A_58 = arith.truncf %div3A_54 : vector<64x1280xf32> to vector<64x1280xbf16>
      %convert_element_type3A_59 = arith.truncf %get3A_57 : vector<1280x256xf32> to vector<1280x256xbf16>
      %dot_general3A_60 = arith.constant dense<0.000000e+00> : vector<64x256xf32>
      %dot_general3A_61 = tpu.matmul %convert_element_type3A_58, %convert_element_type3A_59, %dot_general3A_60 {dimension_numbers = #tpu.dot_dimension_numbers<[1], [0], [0], [1], [0, 0, 1, 1], [], []>, transpose_lhs_hint = false} : vector<64x1280xbf16>, vector<1280x256xbf16>, vector<64x256xf32> -> vector<64x256xf32>
      %get3A_62 = arith.constant 0 : index
      %get3A_63 = arith.constant 0 : index
      %get3A_64 = vector.load %arg8[%get3A_62, %get3A_63] : memref<1x256xf32, #tpu.memory_space<vmem>>, vector<1x256xf32>
      %add3A_65 = vector.broadcast %get3A_64 : vector<1x256xf32> to vector<64x256xf32>
      %add3A_66 = arith.addf %dot_general3A_61, %add3A_65 : vector<64x256xf32>
      %get3A_67 = arith.constant 0 : index
      %get3A_68 = arith.constant 0 : index
      %get3A_69 = vector.load %arg9[%get3A_67, %get3A_68] : memref<1x256xf32, #tpu.memory_space<vmem>>, vector<1x256xf32>
      %get3A_70 = arith.constant 0 : index
      %get3A_71 = arith.constant 0 : index
      %get3A_72 = vector.load %arg10[%get3A_70, %get3A_71] : memref<1x256xf32, #tpu.memory_space<vmem>>, vector<1x256xf32>
      %reduce_sum3A = arith.constant dense<0.000000e+00> : vector<64xf32>
      %reduce_sum3A_73 = vector.multi_reduction <add>, %add3A_66, %reduce_sum3A [1] : vector<64x256xf32> to vector<64xf32>
      %broadcast_in_dim3A_74 = vector.shape_cast %reduce_sum3A_73 : vector<64xf32> to vector<64x1xf32>
      %div3A_75 = arith.constant 2.560000e+02 : f32
      %div3A_76 = vector.broadcast %div3A_75 : f32 to vector<64x1xf32>
      %div3A_77 = arith.divf %broadcast_in_dim3A_74, %div3A_76 : vector<64x1xf32>
      %sub3A = vector.broadcast %div3A_77 : vector<64x1xf32> to vector<64x256xf32>
      %sub3A_78 = arith.subf %add3A_66, %sub3A : vector<64x256xf32>
      %sub3A_79 = vector.broadcast %div3A_77 : vector<64x1xf32> to vector<64x256xf32>
      %sub3A_80 = arith.subf %add3A_66, %sub3A_79 : vector<64x256xf32>
      %mul3A = arith.mulf %sub3A_78, %sub3A_80 : vector<64x256xf32>
      %reduce_sum3A_81 = arith.constant dense<0.000000e+00> : vector<64xf32>
      %reduce_sum3A_82 = vector.multi_reduction <add>, %mul3A, %reduce_sum3A_81 [1] : vector<64x256xf32> to vector<64xf32>
      %broadcast_in_dim3A_83 = vector.shape_cast %reduce_sum3A_82 : vector<64xf32> to vector<64x1xf32>
      %div3A_84 = arith.constant 2.560000e+02 : f32
      %div3A_85 = vector.broadcast %div3A_84 : f32 to vector<64x1xf32>
      %div3A_86 = arith.divf %broadcast_in_dim3A_83, %div3A_85 : vector<64x1xf32>
      %sub3A_87 = vector.broadcast %div3A_77 : vector<64x1xf32> to vector<64x256xf32>
      %sub3A_88 = arith.subf %add3A_66, %sub3A_87 : vector<64x256xf32>
      %add3A_89 = arith.constant 9.99999974E-6 : f32
      %add3A_90 = vector.broadcast %add3A_89 : f32 to vector<64x1xf32>
      %add3A_91 = arith.addf %div3A_86, %add3A_90 : vector<64x1xf32>
      %sqrt3A = math.sqrt %add3A_91 : vector<64x1xf32>
      %div3A_92 = vector.broadcast %sqrt3A : vector<64x1xf32> to vector<64x256xf32>
      %div3A_93 = arith.divf %sub3A_88, %div3A_92 : vector<64x256xf32>
      %mul3A_94 = vector.broadcast %get3A_69 : vector<1x256xf32> to vector<64x256xf32>
      %mul3A_95 = arith.mulf %div3A_93, %mul3A_94 : vector<64x256xf32>
      %add3A_96 = vector.broadcast %get3A_72 : vector<1x256xf32> to vector<64x256xf32>
      %add3A_97 = arith.addf %mul3A_95, %add3A_96 : vector<64x256xf32>
      %swap3A_98 = arith.constant 0 : index
      %swap3A_99 = arith.constant 0 : index
      %swap3A_100 = vector.load %arg11[%swap3A_98, %swap3A_99] : memref<64x256xf32, #tpu.memory_space<vmem>>, vector<64x256xf32>
      tpu.vector_store %arg11[%swap3A_98, %swap3A_99], %add3A_97 {strides = array<i32>} : memref<64x256xf32, #tpu.memory_space<vmem>>, vector<64x256xf32>,
    } else {
    }
    return
  }
  func.func @transform_0(%arg0: i32) -> (i32, i32) {
    %c0_i32 = arith.constant 0 : i32
    %c0_i32_0 = arith.constant 0 : i32
    return %arg0, %c0_i32 : i32, i32
  }
  func.func @transform_1(%arg0: i32) -> (i32, i32) {
    %c0_i32 = arith.constant 0 : i32
    %c0_i32_0 = arith.constant 0 : i32
    return %arg0, %c0_i32 : i32, i32
  }
  func.func @transform_2(%arg0: i32) -> (i32, i32) {
    %c0_i32 = arith.constant 0 : i32
    %c0_i32_0 = arith.constant 0 : i32
    return %arg0, %c0_i32 : i32, i32
  }
  func.func @transform_3(%arg0: i32) -> (i32, i32) {
    %c0_i32 = arith.constant 0 : i32
    %c0_i32_0 = arith.constant 0 : i32
    return %arg0, %c0_i32 : i32, i32
  }
  func.func @transform_4(%arg0: i32) -> (i32, i32) {
    %c0_i32 = arith.constant 0 : i32
    %c0_i32_0 = arith.constant 0 : i32
    return %arg0, %c0_i32 : i32, i32
  }
  func.func @transform_5(%arg0: i32) -> (i32, i32) {
    %c0_i32 = arith.constant 0 : i32
    %c0_i32_0 = arith.constant 0 : i32
    return %arg0, %c0_i32 : i32, i32
  }
  func.func @transform_6(%arg0: i32) -> (i32, i32) {
    %c0_i32 = arith.constant 0 : i32
    %c0_i32_0 = arith.constant 0 : i32
    %c0_i32_1 = arith.constant 0 : i32
    return %c0_i32, %c0_i32_0 : i32, i32
  }
  func.func @transform_7(%arg0: i32) -> (i32, i32) {
    %c0_i32 = arith.constant 0 : i32
    %c0_i32_0 = arith.constant 0 : i32
    %c0_i32_1 = arith.constant 0 : i32
    return %c0_i32, %c0_i32_0 : i32, i32
  }
  func.func @transform_8(%arg0: i32) -> (i32, i32) {
    %c0_i32 = arith.constant 0 : i32
    %c0_i32_0 = arith.constant 0 : i32
    %c0_i32_1 = arith.constant 0 : i32
    return %c0_i32, %c0_i32_0 : i32, i32
  }
  func.func @transform_9(%arg0: i32) -> (i32, i32) {
    %c0_i32 = arith.constant 0 : i32
    %c0_i32_0 = arith.constant 0 : i32
    %c0_i32_1 = arith.constant 0 : i32
    return %c0_i32, %c0_i32_0 : i32, i32
  }
  func.func @transform_10(%arg0: i32) -> (i32, i32) {
    %c0_i32 = arith.constant 0 : i32
    %c0_i32_0 = arith.constant 0 : i32
    %c0_i32_1 = arith.constant 0 : i32
    return %c0_i32, %c0_i32_0 : i32, i32
  }
}

</mosaic_0001>

<sc_bundles>
// kernel: kernel.14.cloned.1.call-start
scs
__scs_entry_jumppad:
0x0: {  	(pc) =	sbr.rel $0x88, $3  }
0x1: {  	(tag) =	ssettag $0x0;
	lr =	simm.s32 $0x1  }
0x2: {  	[smem:$0x3F8E] =	sst lr;
	_ =	strace $0xD0000000  }
0x3: {  	_ = 	snop  }
0x4: {  	_ = 	snop  }
0x5: {  	_ = 	snop  }
0x6: {  	_ = 	snop  }
0x7: {  	_ = 	snop  }
__scs_overlays_trampoline_lowered:
0x8: {  	[smem:$0x3F9D] =	sst s0  }
0x9: {  	[smem:$0x3F9E] =	sst s1  }
0xa: {  	[smem:$0x3F9F] =	sst s2  }
0xb: {  	[smem:$0x3FA0] =	sst s3  }
0xc: {  	[smem:$0x3FA1] =	sst s4  }
0xd: {  	[smem:$0x3FA2] =	sst s5  }
0xe: {  	[smem:$0x3FA3] =	sst s6  }
0xf: {  	[smem:$0x3FA4] =	sst s7  }
0x10: {  	[smem:$0x3FA5] =	sst s8  }
0x11: {  	[smem:$0x3FA6] =	sst s9;
	s0 =	simm.s32 @!p0 $0x0  }
0x12: {  	s1 =	sld [smem:$0x3F8C];
	s0 =	simm.s32 @p0 $0x1  }
0x13: {  	[smem:$0x3FA7] =	sst s0;
	s0 =	simm.s32 @!p1 $0x0  }
0x14: {  	s2 =	sld [smem:$0x3F8B];
	s0 =	simm.s32 @p1 $0x1  }
0x15: {  	[smem:$0x3FA8] =	sst s0;
	s0 =	simm.s32 @!p2 $0x0  }
0x16: {  	s3 =	sld [smem:$0x3FDB];
	s0 =	simm.s32 @p2 $0x1  }
0x17: {  	s4 =	simm.s32 $0x1BF5;
	[smem:$0x3FAA] =	sst s0  }
0x18: {  	s0 =	sld [smem:$0x3F8D];
	_ =	swait.ge [sflag:s4], $0x0  }
0x19: {  	s7 =	sld [smem:$0x3F8E]  }
0x1a: {  	s8 =	sadd.s32 $0xFFFFE003, lr  }
0x1b: {  	s9 =	sadd.s32 $0xFFFFFEF7, lr;
	s5 =	simm.s32 $0xFFFFFFFF;
	p2 =	slt.u32 s8, $0xFFFFF086  }
0x1c: {  	p1 =	slt.u32 s9, $0xF7A;
	s5 =	simm.s32 @!p2 $0x0  }
0x1d: {  	s5 =	simm.s32 @p1 $0x1;
	p0 =	seq.s32 s7, s2  }
0x1e: {  	s7 =	smul.u32 @!p0 $0xF7A, s2;
	p2 =	seq.s32 @!p0 s5, $0x0  }
0x1f: {  	s9 =	smul.u32 $0xF7A, s1;
	s8 =	simm.s32 @!p0 $0x1BF5;
	p2 =	por !p2, p0  }
0x20: {  	[sflag:s8] =	ssyncset.s32 @!p0 $0xFFFFF086;
	s6 =	sadd.s32 @!p0 s3, s7;
	s7 =	simm.s32 @!p0 $0x108  }
0x21: {  	s3 =	sadd.s32 s3, s9;
	s6 =	sadd.s32 @!p0 $0x88, s6;
	s7 =	simm.s32 @p2 $0x1082  }
0x22: {  	[simem:s7], [sflag:s8] =	dma.local @!p0 [hbm:s6], $0xF7A  }
0x23: {  	s9 =	sor.u32 $0xD0000000, s2;
	s6 =	simm.s32 $0x108;
	_ =	swait.ge @!p0 [sflag:s8], $0x0  }
0x24: {  	s3 =	sadd.s32 $0x88, s3;
	s6 =	simm.s32 @!p1 $0x1082;
	[sflag:s4] =	ssyncset.s32 $0xFFFFF086  }
0x25: {  	[simem:s6], [sflag:s4] =	dma.local [hbm:s3], $0xF7A  }
0x26: {  	[smem:$0x3F8E] =	sst s1;
	(tag) =	ssettag s2;
	_ =	strace s9  }
0x27: {  	s1 =	sld [smem:$0x3F9E]  }
0x28: {  	s2 =	sld [smem:$0x3F9F]  }
0x29: {  	s4 =	sld [smem:$0x3FA1]  }
0x2a: {  	p0 =	seq.s32 s5, $0x0;
	s5 =	sld [smem:$0x3FA2]  }
0x2b: {  	s6 =	sld [smem:$0x3FA3]  }
0x2c: {  	s7 =	sld [smem:$0x3FA4]  }
0x2d: {  	s3 =	simm.s32 $0x108;
	s8 =	sld [smem:$0x3FA5]  }
0x2e: {  	s3 =	simm.s32 @!p0 $0x1082;
	s9 =	sld [smem:$0x3FA6]  }
0x2f: {  	lr =	sadd.s32 s0, s3;
	s0 =	sld [smem:$0x3F9D]  }
0x30: {  	s3 =	sld [smem:$0x3FA0]  }
0x31: {  	[smem:$0x3FA9] =	sst s10  }
0x32: {  	s10 =	sld [smem:$0x3FA7];
	_ =	sdelay $0x3  }
0x33: {  	p0 =	seq.s32 s10, $0x1;
	s10 =	sld [smem:$0x3FA9];
	_ =	sdelay $0x3  }
0x34: {  	[smem:$0x3FA9] =	sst s10  }
0x35: {  	s10 =	sld [smem:$0x3FA8];
	_ =	sdelay $0x3  }
0x36: {  	p1 =	seq.s32 s10, $0x1;
	s10 =	sld [smem:$0x3FA9];
	_ =	sdelay $0x3  }
0x37: {  	[smem:$0x3FA9] =	sst s10  }
0x38: {  	s10 =	sld [smem:$0x3FAA]  }
0x39: {  	_ = 	snop;
	(pc) =	sbr.ind lr, $3  }
0x3a: {  	_ = 	snop  }
0x3b: {  	_ = 	snop  }
0x3c: {  	p2 =	seq.s32 s10, $0x1;
	s10 =	sld [smem:$0x3FA9]  }
0x3d: {  	_ =	shalt  }
0x3e: {  	_ =	shalt  }
0x3f: {  	_ =	shalt  }
0x40: {  	_ =	shalt  }
0x41: {  	_ =	shalt  }
0x42: {  	_ =	shalt  }
0x43: {  	_ =	shalt  }
0x44: {  	_ =	shalt  }
0x45: {  	_ =	shalt  }
0x46: {  	_ =	shalt  }
0x47: {  	_ =	shalt  }
0x48: {  	_ =	shalt  }
0x49: {  	_ =	shalt  }
0x4a: {  	_ =	shalt  }
0x4b: {  	_ =	shalt  }
0x4c: {  	_ =	shalt  }
0x4d: {  	_ =	shalt  }
0x4e: {  	_ =	shalt  }
0x4f: {  	_ =	shalt  }
0x50: {  	_ =	shalt  }
0x51: {  	_ =	shalt  }
0x52: {  	_ =	shalt  }
0x53: {  	_ =	shalt  }
0x54: {  	_ =	shalt  }
0x55: {  	_ =	shalt  }
0x56: {  	_ =	shalt  }
0x57: {  	_ =	shalt  }
0x58: {  	_ =	shalt  }
0x59: {  	_ =	shalt  }
0x5a: {  	_ =	shalt  }
0x5b: {  	_ =	shalt  }
0x5c: {  	_ =	shalt  }
0x5d: {  	_ =	shalt  }
0x5e: {  	_ =	shalt  }
0x5f: {  	_ =	shalt  }
0x60: {  	_ =	shalt  }
0x61: {  	_ =	shalt  }
0x62: {  	_ =	shalt  }
0x63: {  	_ =	shalt  }
0x64: {  	_ =	shalt  }
0x65: {  	_ =	shalt  }
0x66: {  	_ =	shalt  }
0x67: {  	_ =	shalt  }
0x68: {  	_ =	shalt  }
0x69: {  	_ =	shalt  }
0x6a: {  	_ =	shalt  }
0x6b: {  	_ =	shalt  }
0x6c: {  	_ =	shalt  }
0x6d: {  	_ =	shalt  }
0x6e: {  	_ =	shalt  }
0x6f: {  	_ =	shalt  }
0x70: {  	_ =	shalt  }
0x71: {  	_ =	shalt  }
0x72: {  	_ =	shalt  }
0x73: {  	_ =	shalt  }
0x74: {  	_ =	shalt  }
0x75: {  	_ =	shalt  }
0x76: {  	_ =	shalt  }
0x77: {  	_ =	shalt  }
0x78: {  	_ =	shalt  }
0x79: {  	_ =	shalt  }
0x7a: {  	_ =	shalt  }
0x7b: {  	_ =	shalt  }
0x7c: {  	_ =	shalt  }
0x7d: {  	_ =	shalt  }
0x7e: {  	_ =	shalt  }
0x7f: {  	_ =	shalt  }
0x80: {  	_ =	shalt  }
0x81: {  	_ =	shalt  }
0x82: {  	_ =	shalt  }
0x83: {  	_ =	shalt  }
0x84: {  	_ =	shalt  }
0x85: {  	_ =	shalt  }
0x86: {  	_ =	shalt  }
0x87: {  	_ =	shalt  }
.Lfunc_end0:
.L_simem_size_0:
called_computation_lowered:
.L_overlay_start_0:
0x88: {  	s2 =	sld [smem:$0x3FD9]  }
0x89: {  	s3 =	sld [smem:$0x3FFE];
	_ =	sdelay $0x1  }
0x8a: {  	s1 =	srdreg.scid  }
0x8b: {  	s0 =	sand.u32 $0x1, s1  }
0x8c: {  	s17 =	sshll.u32 s0, $0xA;
	s2 =	sadd.s32 s3, s2  }
0x8d: {  	s2 =	sadd.s32 s2, s17  }
0x8e: {  	[smem:$0x3FB5] =	sst s2  }
0x8f: {  	_ = 	snop  }
0x90: {  	s18 =	sld [smem:$0x3FD0];
	(tm) =	ssettm $0x1  }
0x91: {  	s19 =	sld [smem:$0x3FFB];
	_ =	sdelay $0x3  }
0x92: {  	_ =	strace s19  }
0x93: {  	s2 =	sld [smem:$0x3FFC];
	_ =	sdelay $0x3  }
0x94: {  	_ =	strace s2  }
0x95: {  	s2 =	sld [smem:$0x3FFD];
	_ =	sdelay $0x3  }
0x96: {  	_ =	strace s2  }
0x97: {  	_ =	strace $0x8FFFFFFF  }
0x98: {  	s20 =	sld [smem:$0x3FDB];
	_ =	sdelay $0x1  }
0x99: {  	s4 =	simm.s32 $_scs_section_size  }
0x9a: {  	s5 =	simm.s32 $_size__tile_overlayer_lowered;
	s6 =	simm.s32 $_tile_overlayer_lowered  }
0x9b: {  	s7 =	simm.s32 $0x1BFF;
	s21 =	sshll.u32 s6, $0x1;
	s4 =	sadd.s32 s4, s20  }
0x9c: {  	s22 =	simm.s32 $0x0;
	s5 =	sshll.u32 s5, $0x1;
	s6 =	sadd.s32 s21, s4  }
0x9d: {  	[timem:s22], [sflag:s7] =	dma.local [hbm:s6], s5  }
0x9e: {  	_ =	swait.ge [sflag:s7], s5  }
0x9f: {  	s5 =	ssub.s32 $0x0, s5;
	[sflag:s7] =	ssyncset.done $0x0  }
0xa0: {  	[sflag:s7] =	ssyncadd.s32 s5;
	_ =	sdelay $0x1  }
0xa1: {  	s23 =	simm.s32 $0x1B8B  }
0xa2: {  	_ =	swait.ge [sflag:s23], $0x1  }
0xa3: {  	[sflag:s23] =	ssyncset.done $0x0  }
0xa4: {  	[sflag:s23] =	ssyncadd.s32 $0xFFFFFFFF  }
0xa5: {  	s5 =	sld [smem:$0x0]  }
0xa6: {  	s6 =	sand.u32 $0xFFFFFFFE, s1  }
0xa7: {  	p0 =	sne.s32 s1, s6  }
0xa8: {  	s6 =	sshll.u32 @p0 s6, $0xE  }
0xa9: {  	s6 =	sadd.s32 @p0 $0x11B8D, s6;
	s7 =	sshll.u32 @p0 s5, $0x11  }
0xaa: {  	s6 =	sor.u32 @p0 s7, s6  }
0xab: {  	[sflag:s6] =	ssyncadd.remote.s32 @p0 $0x1;
	_ =	sdelay $0x1  }
0xac: {  	s6 =	simm.s32 @p0 $0x1B8D  }
0xad: {  	_ =	swait.eq @p0 [sflag:s6], $0x1  }
0xae: {  	[sflag:s6] =	ssyncadd.s32 @p0 $0xFFFFFFFF  }
0xaf: {  	s7 =	sshll.u32 @!p0 s1, $0xE  }
0xb0: {  	s7 =	sor.u32 @!p0 $0x4000, s7;
	s6 =	simm.s32 @!p0 $0x1B8D  }
0xb1: {  	s5 =	sshll.u32 @!p0 s5, $0x11;
	s7 =	sadd.s32 @!p0 $0x11B8D, s7;
	_ =	swait.eq @!p0 [sflag:s6], $0x1  }
0xb2: {  	s5 =	sor.u32 @!p0 s5, s7;
	[sflag:s6] =	ssyncadd.s32 @!p0 $0xFFFFFFFF  }
0xb3: {  	s25 =	simm.s32 $0x1B8E;
	s24 =	sld [smem:$0x3FFE];
	[sflag:s5] =	ssyncadd.remote.s32 @!p0 $0x1  }
0xb4: {  	s26 =	simm.s32 $execute0_lowered;
	[smem:$0x3FD2] =	sst s25  }
0xb5: {  	s6 =	sshll.u32 s26, $0x1;
	_ =	strace $0x80000049;
	[dreg:$0x1] =	wrdreg $0xFFFFFFFF  }
0xb6: {  	s28 =	simm.s32 $_size_execute0_lowered;
	s4 =	sadd.s32 s4, s6;
	[dreg:$0x0] =	wrdreg $0x0  }
0xb7: {  	s6 =	sshll.u32 s28, $0x1;
	[dreg:$0x2] =	wrdreg s4  }
0xb8: {  	[dreg:$0x3] =	wrdreg s6  }
0xb9: {  	[dreg:$0x4] =	wrdreg $0xC0  }
0xba: {  	_ =	task [dreg:s22], $0x5FFFF  }
0xbb: {  	[dreg:$0x1] =	wrdreg $0xFFFFFFFF  }
0xbc: {  	[dreg:$0x0] =	wrdreg $0x60  }
0xbd: {  	[dreg:$0x2] =	wrdreg s24  }
0xbe: {  	[dreg:$0x3] =	wrdreg s18  }
0xbf: {  	[dreg:$0x4] =	wrdreg $0x90000  }
0xc0: {  	[dreg:$0x5] =	wrdreg $0x9  }
0xc1: {  	_ =	task.clear_ibuf [dreg:s22], $0x6FFFF;
	_ =	strace $0x90000049  }
0xc2: {  	s29 =	simm.s32 $0x9;
	_ =	strace $0x8000004B  }
0xc3: {  	_ =	swait.ge [sflag:s29], $0x1  }
0xc4: {  	[sflag:s29] =	ssyncadd.s32 $0xFFFFFFFF  }
0xc5: {  	_ =	strace $0x9000004B  }
0xc6: {  	_ =	sfence  }
0xc7: {  	s30 =	sld [smem:$0x0];
	_ =	sdelay $0x2  }
0xc8: {  	s31 =	sshll.u32 s1, $0xD;
	s1 =	sshrl.u32 s1, $0x2  }
0xc9: {  	s4 =	sand.u32 $0x4000, s31;
	s1 =	sadd.s32 s1, s30  }
0xca: {  	s0 =	sor.u32 s4, s0;
	s1 =	sshll.u32 s1, $0x11  }
0xcb: {  	s0 =	sor.u32 s1, s0  }
0xcc: {  	s0 =	sadd.s32 $0x8F2B, s0  }
0xcd: {  	[sflag:s0] =	ssyncadd.remote.s32 $0x1  }
0xce: {  	_ =	sfence.sel $0xFFFF  }
0xcf: {  	[dreg:$0x0] =	wrdreg $0xFFFFFFFF;
	(pc) =	sbr.abs _section_cstart, $3  }
0xd0: {  	[dreg:$0x1] =	wrdreg $0xFFFFFFFF  }
0xd1: {  	_ =	task.clear_ibuf [dreg:s22], $0x2FFFF;
	_ =	strace $0x9FFFFFFF  }
0xd2: {  	(tm) =	ssettm $0x7FFFFFFF  }
0xd3: {  	_ =	shalt  }
tec
execute0_lowered:
.L_overlay_start_1:
0x0: {  	(tag) =	ssettag $0x1  }
0x1: {  	s5 =	rddreg [dreg:$0x0]  }
0x2: {  	s2 =	rddreg [dreg:$0x1]  }
0x3: {  	s0 =	srdreg.scid;
	s3 =	rddreg [dreg:$0x2]  }
0x4: {  	s4 =	simm.s32 $0x0;
	s6 =	sand.u32 $0x1, s0;
	s0 =	stileid.u32  }
0x5: {  	[smem:$0x7FF] =	sst s4;
	s13 =	smul.u32 $0x2780, s0  }
0x6: {  	s1 =	sshll.u32 s6, $0x4;
	s8 =	smul.u32 $0x27800, s6;
	s6 =	ssub.s32 $0x2, s6  }
0x7: {  	s9 =	smul.u32 $0x4F000, s0;
	s31 =	sshll.u32 s0, $0x6;
	s7 =	sor.u32 s0, s1  }
0x8: {  	s1 =	rddreg [dreg:$0x3];
	_ =	strace $0x8000004A;
	s29 =	sshrl.u32 s6, $0x1  }
0x9: {  	s7 =	smul.u32 $0xA00, s7;
	s10 =	sadd.s32 s13, s5;
	s8 =	sadd.s32 s8, s5  }
0xa: {  	s11 =	ssub.s32 s6, s29;
	s30 =	sshrl.u32 s9, $0x2;
	s9 =	simm.s32 $0x5000  }
0xb: {  	s12 =	sadd.s32 s30, s3;
	s6 =	sadd.s32 $0x41800, s10;
	s14 =	sadd.s32 $0xCC000, s8  }
0xc: {  	s8 =	simm.s32 $0x1;
	s10 =	sor.u32 $0x1C01, s31;
	s7 =	sadd.s32 s7, s5  }
0xd: {  	s13 =	sadd.s32 s13, s14;
	s14 =	simm.s32 $0x0;
	s5 =	sadd.s32 $0xB8000, s7  }
0xe: {  	s7 =	smax.u32 s11, $0x1;
	s11 =	sshrl.u32 s12, $0x3;
	s12 =	simm.s32 $0x80  }
.LBB2_1:
0xf: {  	[tilespmem:s4], [sflag:$0x1] =	stream.linear.gather [hbm4b:s5+s4], $0x4E80, $0x38;
	[tilespmem:$0x1CC00] =	vst v63  }
0x10: {  	_ =	swait.ge [sflag:s8], $0x4E80  }
0x11: {  	[sflag:s8] =	ssyncset.done $0x0  }
0x12: {  	[sflag:s8] =	ssyncadd.s32 $0xFFFFB180  }
0x13: {  	[tilespmem:s9], [sflag:$0x1] =	stream.linear.gather [hbm4b:s2+s4], $0x4000, $0x38;
	[tilespmem:$0x1CC00] =	vst v63  }
0x14: {  	_ =	swait.ge [sflag:s8], $0x4000  }
0x15: {  	[sflag:s8] =	ssyncset.done $0x0  }
0x16: {  	[sflag:s8] =	ssyncadd.s32 $0xFFFFC000  }
0x17: {  	[spmem:s11], [sflag:s10] =	dma.local [hbm:s6], $0x2780  }
0x18: {  	_ =	swait.ge [sflag:s8], $0x2780  }
0x19: {  	[sflag:s8] =	ssyncset.done $0x0  }
0x1a: {  	[sflag:s8] =	ssyncadd.s32 $0xFFFFD880  }
0x1b: {  	s15 =	simm.s32 $0x0;
	[bflag:$0x0] =	sbarrier.arrive $0xFFFF  }
0x1c: {  	[spmem:s3] =	stream.indirect.scatter.add.f32 [tilespmem:s9], [sflag:$0x1], $0x80, s15, s12, $0xb8;
	[tilespmem:$0x1CC00] =	vst v63  }
0x1d: {  	_ =	swait.ge [sflag:s8], $0x4000  }
0x1e: {  	s15 =	simm.s32 $0x200;
	[sflag:s8] =	ssyncset.done $0x0  }
.LBB2_2:
0x1f: {  	s16 =	sshra.s32 s15, $0x2;
	[sflag:s8] =	ssyncadd.s32 $0xFFFFC000;
	p0 =	sne.s32 s15, $0x13800  }
0x20: {  	[spmem:s3] =	stream.indirect.scatter.add.f32 [tilespmem:s9], [sflag:$0x1], $0x80, s16, s12, $0xb8;
	[tilespmem:$0x1CC00] =	vst v63  }
.Ltmp0:
0x21: {  	_ = 	snop;
	(pc) =	sbr.rel @p0 .LBB2_2-.Ltmp0, $4  }
0x22: {  	_ = 	snop  }
0x23: {  	s15 =	sadd.s32 $0x200, s15  }
0x24: {  	_ =	swait.ge [sflag:s8], $0x4000  }
0x25: {  	[sflag:s8] =	ssyncset.done $0x0  }
0x26: {  	s14 =	sadd.s32 $0x1, s14  }
0x27: {  	[sflag:s8] =	ssyncadd.s32 $0xFFFFC000;
	p0 =	sne.s32 s14, s7  }
.Ltmp1:
0x28: {  	[bflag:$0x0] =	sbarrier.arrive $0xFFFF;
	(pc) =	sbr.rel @p0 .LBB2_1-.Ltmp1, $4  }
0x29: {  	[hbm:s13], [sflag:s10] =	dma.local [spmem:s11], $0x2780  }
0x2a: {  	_ =	swait.ge [sflag:s8], $0x2780  }
0x2b: {  	[sflag:s8] =	ssyncset.done $0x0  }
0x2c: {  	[sflag:s8] =	ssyncadd.s32 $0xFFFFD880  }
0x2d: {  	_ =	sfence.sel $0x180000  }
0x2e: {  	[bflag:$0x0] =	sbarrier.arrive $0xFFFF  }
0x2f: {  	p0 =	sne.s32 s0, $0x0;
	_ =	strace $0x9000004A  }
0x30: {  	s0 =	sadd.s32 @!p0 $0x100000, s1;
	[bflag:$0x2] =	sbarrier.arrive $0xFFFF  }
0x31: {  	[sflag:s0] =	ssyncadd.tile.s32 @!p0 $0x1;
	_ =	shalt  }
.Lfunc_end2:
_tile_overlayer_lowered:
.L_overlay_start_2:
0x32: {  	(tag) =	ssettag $0x2  }
0x33: {  	s0 =	rddreg [dreg:$0x0];
	s2 =	stileid.u32  }
0x34: {  	s1 =	rddreg [dreg:$0x1];
	p0 =	sne.s32 s2, $0x0  }
0x35: {  	s3 =	rddreg [dreg:$0x2];
	[bflag:$0x3] =	sbarrier.arrive $0xFFFF;
	s2 =	simm.s32 @!p0 $0x1C01  }
0x36: {  	[timem:s3], [sflag:s2] =	dma.local @!p0 [hbm:s0], s1  }
0x37: {  	s0 =	simm.s32 @!p0 $0x1  }
0x38: {  	_ =	swait.ge @!p0 [sflag:s0], s1  }
0x39: {  	s1 =	ssub.s32 @!p0 $0x0, s1;
	[sflag:s0] =	ssyncset.done @!p0 $0x0  }
0x3a: {  	[sflag:s0] =	ssyncadd.s32 @!p0 s1  }
0x3b: {  	[bflag:$0x3] =	sbarrier.arrive $0xFFFF  }
0x3c: {  	_ =	shalt  }

// kernel: kernel.17.cloned.1.call-start
scs
__scs_entry_jumppad:
0x0: {  	(pc) =	sbr.rel $0x88, $3  }
0x1: {  	(tag) =	ssettag $0x0;
	lr =	simm.s32 $0x1  }
0x2: {  	[smem:$0x3F8E] =	sst lr;
	_ =	strace $0xD0000000  }
0x3: {  	_ = 	snop  }
0x4: {  	_ = 	snop  }
0x5: {  	_ = 	snop  }
0x6: {  	_ = 	snop  }
0x7: {  	_ = 	snop  }
__scs_overlays_trampoline_lowered:
0x8: {  	[smem:$0x3F9D] =	sst s0  }
0x9: {  	[smem:$0x3F9E] =	sst s1  }
0xa: {  	[smem:$0x3F9F] =	sst s2  }
0xb: {  	[smem:$0x3FA0] =	sst s3  }
0xc: {  	[smem:$0x3FA1] =	sst s4  }
0xd: {  	[smem:$0x3FA2] =	sst s5  }
0xe: {  	[smem:$0x3FA3] =	sst s6  }
0xf: {  	[smem:$0x3FA4] =	sst s7  }
0x10: {  	[smem:$0x3FA5] =	sst s8  }
0x11: {  	[smem:$0x3FA6] =	sst s9;
	s0 =	simm.s32 @!p0 $0x0  }
0x12: {  	s1 =	sld [smem:$0x3F8C];
	s0 =	simm.s32 @p0 $0x1  }
0x13: {  	[smem:$0x3FA7] =	sst s0;
	s0 =	simm.s32 @!p1 $0x0  }
0x14: {  	s2 =	sld [smem:$0x3F8B];
	s0 =	simm.s32 @p1 $0x1  }
0x15: {  	[smem:$0x3FA8] =	sst s0;
	s0 =	simm.s32 @!p2 $0x0  }
0x16: {  	s3 =	sld [smem:$0x3FDB];
	s0 =	simm.s32 @p2 $0x1  }
0x17: {  	s4 =	simm.s32 $0x1BF5;
	[smem:$0x3FAA] =	sst s0  }
0x18: {  	s0 =	sld [smem:$0x3F8D];
	_ =	swait.ge [sflag:s4], $0x0  }
0x19: {  	s7 =	sld [smem:$0x3F8E]  }
0x1a: {  	s8 =	sadd.s32 $0xFFFFE003, lr  }
0x1b: {  	s9 =	sadd.s32 $0xFFFFFEF7, lr;
	s5 =	simm.s32 $0xFFFFFFFF;
	p2 =	slt.u32 s8, $0xFFFFF086  }
0x1c: {  	p1 =	slt.u32 s9, $0xF7A;
	s5 =	simm.s32 @!p2 $0x0  }
0x1d: {  	s5 =	simm.s32 @p1 $0x1;
	p0 =	seq.s32 s7, s2  }
0x1e: {  	s7 =	smul.u32 @!p0 $0xF7A, s2;
	p2 =	seq.s32 @!p0 s5, $0x0  }
0x1f: {  	s9 =	smul.u32 $0xF7A, s1;
	s8 =	simm.s32 @!p0 $0x1BF5;
	p2 =	por !p2, p0  }
0x20: {  	[sflag:s8] =	ssyncset.s32 @!p0 $0xFFFFF086;
	s6 =	sadd.s32 @!p0 s3, s7;
	s7 =	simm.s32 @!p0 $0x108  }
0x21: {  	s3 =	sadd.s32 s3, s9;
	s6 =	sadd.s32 @!p0 $0x88, s6;
	s7 =	simm.s32 @p2 $0x1082  }
0x22: {  	[simem:s7], [sflag:s8] =	dma.local @!p0 [hbm:s6], $0xF7A  }
0x23: {  	s9 =	sor.u32 $0xD0000000, s2;
	s6 =	simm.s32 $0x108;
	_ =	swait.ge @!p0 [sflag:s8], $0x0  }
0x24: {  	s3 =	sadd.s32 $0x88, s3;
	s6 =	simm.s32 @!p1 $0x1082;
	[sflag:s4] =	ssyncset.s32 $0xFFFFF086  }
0x25: {  	[simem:s6], [sflag:s4] =	dma.local [hbm:s3], $0xF7A  }
0x26: {  	[smem:$0x3F8E] =	sst s1;
	(tag) =	ssettag s2;
	_ =	strace s9  }
0x27: {  	s1 =	sld [smem:$0x3F9E]  }
0x28: {  	s2 =	sld [smem:$0x3F9F]  }
0x29: {  	s4 =	sld [smem:$0x3FA1]  }
0x2a: {  	p0 =	seq.s32 s5, $0x0;
	s5 =	sld [smem:$0x3FA2]  }
0x2b: {  	s6 =	sld [smem:$0x3FA3]  }
0x2c: {  	s7 =	sld [smem:$0x3FA4]  }
0x2d: {  	s3 =	simm.s32 $0x108;
	s8 =	sld [smem:$0x3FA5]  }
0x2e: {  	s3 =	simm.s32 @!p0 $0x1082;
	s9 =	sld [smem:$0x3FA6]  }
0x2f: {  	lr =	sadd.s32 s0, s3;
	s0 =	sld [smem:$0x3F9D]  }
0x30: {  	s3 =	sld [smem:$0x3FA0]  }
0x31: {  	[smem:$0x3FA9] =	sst s10  }
0x32: {  	s10 =	sld [smem:$0x3FA7];
	_ =	sdelay $0x3  }
0x33: {  	p0 =	seq.s32 s10, $0x1;
	s10 =	sld [smem:$0x3FA9];
	_ =	sdelay $0x3  }
0x34: {  	[smem:$0x3FA9] =	sst s10  }
0x35: {  	s10 =	sld [smem:$0x3FA8];
	_ =	sdelay $0x3  }
0x36: {  	p1 =	seq.s32 s10, $0x1;
	s10 =	sld [smem:$0x3FA9];
	_ =	sdelay $0x3  }
0x37: {  	[smem:$0x3FA9] =	sst s10  }
0x38: {  	s10 =	sld [smem:$0x3FAA]  }
0x39: {  	_ = 	snop;
	(pc) =	sbr.ind lr, $3  }
0x3a: {  	_ = 	snop  }
0x3b: {  	_ = 	snop  }
0x3c: {  	p2 =	seq.s32 s10, $0x1;
	s10 =	sld [smem:$0x3FA9]  }
0x3d: {  	_ =	shalt  }
0x3e: {  	_ =	shalt  }
0x3f: {  	_ =	shalt  }
0x40: {  	_ =	shalt  }
0x41: {  	_ =	shalt  }
0x42: {  	_ =	shalt  }
0x43: {  	_ =	shalt  }
0x44: {  	_ =	shalt  }
0x45: {  	_ =	shalt  }
0x46: {  	_ =	shalt  }
0x47: {  	_ =	shalt  }
0x48: {  	_ =	shalt  }
0x49: {  	_ =	shalt  }
0x4a: {  	_ =	shalt  }
0x4b: {  	_ =	shalt  }
0x4c: {  	_ =	shalt  }
0x4d: {  	_ =	shalt  }
0x4e: {  	_ =	shalt  }
0x4f: {  	_ =	shalt  }
0x50: {  	_ =	shalt  }
0x51: {  	_ =	shalt  }
0x52: {  	_ =	shalt  }
0x53: {  	_ =	shalt  }
0x54: {  	_ =	shalt  }
0x55: {  	_ =	shalt  }
0x56: {  	_ =	shalt  }
0x57: {  	_ =	shalt  }
0x58: {  	_ =	shalt  }
0x59: {  	_ =	shalt  }
0x5a: {  	_ =	shalt  }
0x5b: {  	_ =	shalt  }
0x5c: {  	_ =	shalt  }
0x5d: {  	_ =	shalt  }
0x5e: {  	_ =	shalt  }
0x5f: {  	_ =	shalt  }
0x60: {  	_ =	shalt  }
0x61: {  	_ =	shalt  }
0x62: {  	_ =	shalt  }
0x63: {  	_ =	shalt  }
0x64: {  	_ =	shalt  }
0x65: {  	_ =	shalt  }
0x66: {  	_ =	shalt  }
0x67: {  	_ =	shalt  }
0x68: {  	_ =	shalt  }
0x69: {  	_ =	shalt  }
0x6a: {  	_ =	shalt  }
0x6b: {  	_ =	shalt  }
0x6c: {  	_ =	shalt  }
0x6d: {  	_ =	shalt  }
0x6e: {  	_ =	shalt  }
0x6f: {  	_ =	shalt  }
0x70: {  	_ =	shalt  }
0x71: {  	_ =	shalt  }
0x72: {  	_ =	shalt  }
0x73: {  	_ =	shalt  }
0x74: {  	_ =	shalt  }
0x75: {  	_ =	shalt  }
0x76: {  	_ =	shalt  }
0x77: {  	_ =	shalt  }
0x78: {  	_ =	shalt  }
0x79: {  	_ =	shalt  }
0x7a: {  	_ =	shalt  }
0x7b: {  	_ =	shalt  }
0x7c: {  	_ =	shalt  }
0x7d: {  	_ =	shalt  }
0x7e: {  	_ =	shalt  }
0x7f: {  	_ =	shalt  }
0x80: {  	_ =	shalt  }
0x81: {  	_ =	shalt  }
0x82: {  	_ =	shalt  }
0x83: {  	_ =	shalt  }
0x84: {  	_ =	shalt  }
0x85: {  	_ =	shalt  }
0x86: {  	_ =	shalt  }
0x87: {  	_ =	shalt  }
.Lfunc_end0:
.L_simem_size_0:
called_computation.1_lowered:
.L_overlay_start_0:
0x88: {  	s2 =	sld [smem:$0x3FD9]  }
0x89: {  	s3 =	sld [smem:$0x3FFE];
	_ =	sdelay $0x1  }
0x8a: {  	s1 =	srdreg.scid  }
0x8b: {  	s0 =	sand.u32 $0x1, s1  }
0x8c: {  	s16 =	sshll.u32 s0, $0xA;
	s2 =	sadd.s32 s3, s2  }
0x8d: {  	s2 =	sadd.s32 s2, s16  }
0x8e: {  	[smem:$0x3FB5] =	sst s2  }
0x8f: {  	_ = 	snop  }
0x90: {  	(tm) =	ssettm $0x1  }
0x91: {  	s17 =	sld [smem:$0x3FFB];
	_ =	sdelay $0x3  }
0x92: {  	_ =	strace s17  }
0x93: {  	s2 =	sld [smem:$0x3FFC];
	_ =	sdelay $0x3  }
0x94: {  	_ =	strace s2  }
0x95: {  	s2 =	sld [smem:$0x3FFD];
	_ =	sdelay $0x3  }
0x96: {  	_ =	strace s2  }
0x97: {  	_ =	strace $0x8FFFFFFF  }
0x98: {  	s18 =	sld [smem:$0x3FDB];
	_ =	sdelay $0x1  }
0x99: {  	s19 =	simm.s32 $_scs_section_size  }
0x9a: {  	s4 =	simm.s32 $_size__tile_overlayer_lowered;
	s5 =	simm.s32 $_tile_overlayer_lowered  }
0x9b: {  	s22 =	simm.s32 $0x1BFF;
	s21 =	sshll.u32 s5, $0x1;
	s2 =	sadd.s32 s19, s18  }
0x9c: {  	s6 =	simm.s32 $0x0;
	s20 =	sshll.u32 s4, $0x1;
	s4 =	sadd.s32 s21, s2  }
0x9d: {  	[timem:s6], [sflag:s22] =	dma.local [hbm:s4], s20  }
0x9e: {  	_ =	swait.ge [sflag:s22], s20  }
0x9f: {  	s3 =	ssub.s32 $0x0, s20;
	[sflag:s22] =	ssyncset.done $0x0  }
0xa0: {  	[sflag:s22] =	ssyncadd.s32 s3;
	_ =	sdelay $0x1  }
0xa1: {  	s23 =	simm.s32 $0x1B8B  }
0xa2: {  	_ =	swait.ge [sflag:s23], $0x1  }
0xa3: {  	[sflag:s23] =	ssyncset.done $0x0  }
0xa4: {  	s25 =	simm.s32 $0x1B8E;
	s24 =	sld [smem:$0x3FFE];
	[sflag:s23] =	ssyncadd.s32 $0xFFFFFFFF  }
0xa5: {  	s26 =	simm.s32 $execute0_lowered;
	[smem:$0x3FD2] =	sst s25  }
0xa6: {  	s4 =	sshll.u32 s26, $0x1;
	_ =	strace $0x80000046;
	[dreg:$0x1] =	wrdreg $0xFFFFFFFF  }
0xa7: {  	s28 =	simm.s32 $_size_execute0_lowered;
	s2 =	sadd.s32 s2, s4;
	[dreg:$0x0] =	wrdreg $0x0  }
0xa8: {  	s4 =	sshll.u32 s28, $0x1;
	[dreg:$0x2] =	wrdreg s2  }
0xa9: {  	[dreg:$0x3] =	wrdreg s4  }
0xaa: {  	[dreg:$0x4] =	wrdreg $0xC0  }
0xab: {  	_ =	task [dreg:s6], $0x5FFFF  }
0xac: {  	[dreg:$0x1] =	wrdreg $0xFFFFFFFF  }
0xad: {  	[dreg:$0x0] =	wrdreg $0x60  }
0xae: {  	[dreg:$0x2] =	wrdreg s24  }
0xaf: {  	[dreg:$0x3] =	wrdreg $0xC0000  }
0xb0: {  	[dreg:$0x4] =	wrdreg $0xA  }
0xb1: {  	_ =	task.clear_ibuf [dreg:s6], $0x5FFFF;
	_ =	strace $0x90000046  }
0xb2: {  	s29 =	simm.s32 $0xA;
	_ =	strace $0x80000048  }
0xb3: {  	_ =	swait.ge [sflag:s29], $0x1  }
0xb4: {  	[sflag:s29] =	ssyncadd.s32 $0xFFFFFFFF  }
0xb5: {  	_ =	strace $0x90000048  }
0xb6: {  	_ =	sfence  }
0xb7: {  	s30 =	sld [smem:$0x0];
	_ =	sdelay $0x2  }
0xb8: {  	s31 =	sshll.u32 s1, $0xD;
	s1 =	sshrl.u32 s1, $0x2  }
0xb9: {  	s3 =	sand.u32 $0x4000, s31;
	s1 =	sadd.s32 s1, s30  }
0xba: {  	s0 =	sor.u32 s3, s0;
	s1 =	sshll.u32 s1, $0x11  }
0xbb: {  	s0 =	sor.u32 s1, s0  }
0xbc: {  	s0 =	sadd.s32 $0x8F2B, s0  }
0xbd: {  	[sflag:s0] =	ssyncadd.remote.s32 $0x1  }
0xbe: {  	_ =	sfence.sel $0xFFFF  }
0xbf: {  	[dreg:$0x0] =	wrdreg $0xFFFFFFFF;
	(pc) =	sbr.abs _section_cstart, $3  }
0xc0: {  	[dreg:$0x1] =	wrdreg $0xFFFFFFFF  }
0xc1: {  	_ =	task.clear_ibuf [dreg:s6], $0x2FFFF;
	_ =	strace $0x9FFFFFFF  }
0xc2: {  	(tm) =	ssettm $0x7FFFFFFF  }
0xc3: {  	_ =	shalt  }
tec
execute0_lowered:
.L_overlay_start_1:
0x0: {  	(tag) =	ssettag $0x1  }
0x1: {  	s4 =	rddreg [dreg:$0x0]  }
0x2: {  	s0 =	srdreg.scid;
	s2 =	rddreg [dreg:$0x1]  }
0x3: {  	s1 =	rddreg [dreg:$0x2];
	s3 =	simm.s32 $0x0;
	s5 =	sand.u32 $0x1, s0  }
0x4: {  	s14 =	simm.s32 $0x4000;
	s0 =	stileid.u32;
	s6 =	smul.u32 $0x9C400, s5  }
0x5: {  	s15 =	simm.s32 $0x8000;
	s16 =	simm.s32 $0x1;
	s7 =	smul.u32 $0x1400, s0  }
0x6: {  	s17 =	simm.s32 $0x2;
	s18 =	simm.s32 $0x3F00;
	s20 =	smul.u32 $0x2780, s0  }
0x7: {  	s19 =	simm.s32 $0x3F80;
	[smem:$0x7FF] =	sst s3;
	s8 =	smul.u32 $0x27800, s5  }
0x8: {  	_ =	strace $0x80000047;
	s29 =	smul.u32 $0x4F000, s0;
	s5 =	ssub.s32 $0x2, s5  }
0x9: {  	s31 =	sshll.u32 s0, $0x6;
	s30 =	sshrl.u32 s5, $0x1;
	s9 =	sadd.s32 s6, s4  }
0xa: {  	s7 =	sadd.s32 s7, s4;
	s10 =	sadd.s32 s20, s4;
	s11 =	sadd.s32 s8, s4  }
0xb: {  	s6 =	sshrl.u32 s29, $0x2;
	s12 =	ssub.s32 s5, s30;
	s5 =	sor.u32 $0x1C03, s31  }
0xc: {  	s13 =	sadd.s32 s6, s2;
	s4 =	sadd.s32 $0x41800, s10;
	s6 =	sadd.s32 $0x19800, s7  }
0xd: {  	s7 =	sadd.s32 $0x2D800, s7;
	s8 =	sadd.s32 $0x1A0200, s9;
	s21 =	sadd.s32 $0x69000, s11  }
0xe: {  	s9 =	smax.u32 s12, $0x1;
	s11 =	simm.s32 $0x3;
	s12 =	simm.s32 $0x2000  }
0xf: {  	s10 =	sshrl.u32 s13, $0x3;
	s13 =	simm.s32 $0x80;
	s20 =	sadd.s32 s20, s21  }
.LBB2_1:
0x10: {  	[spmem:s10], [sflag:s5] =	dma.local [hbm:s4], $0x2780  }
0x11: {  	_ =	swait.ge [sflag:s11], $0x2780  }
0x12: {  	[sflag:s11] =	ssyncset.done $0x0  }
0x13: {  	[sflag:s11] =	ssyncadd.s32 $0xFFFFD880  }
0x14: {  	s21 =	simm.s32 $0x0;
	[bflag:$0x0] =	sbarrier.arrive $0xFFFF  }
.LBB2_2:
0x15: {  	s22 =	sshll.u32 s21, $0xA  }
0x16: {  	s24 =	simm.s32 $0x0;
	s23 =	sadd.s32 s22, s6  }
0x17: {  	[tilespmem:s24], [sflag:$0x3] =	stream.linear.gather [hbm4b:s23+s24], $0x2000, $0x38;
	[tilespmem:$0x1FC00] =	vst v63  }
0x18: {  	_ =	swait.ge [sflag:s11], $0x2000  }
0x19: {  	[sflag:s11] =	ssyncset.done $0x0  }
0x1a: {  	s22 =	sadd.s32 s22, s7;
	[sflag:s11] =	ssyncadd.s32 $0xFFFFE000  }
0x1b: {  	[tilespmem:s12], [sflag:$0x3] =	stream.linear.gather [hbm4b:s22+s24], $0x2000, $0x38;
	[tilespmem:$0x1FC00] =	vst v63  }
0x1c: {  	_ =	swait.ge [sflag:s11], $0x2000  }
0x1d: {  	[sflag:s11] =	ssyncset.done $0x0  }
0x1e: {  	[sflag:s11] =	ssyncadd.s32 $0xFFFFE000  }
0x1f: {  	[tilespmem:s14], [sflag:$0x1] =	stream.indirect.gather [hbm4b:s8+s13], $0x80, s24, s13, $0xb8;
	[tilespmem:$0x1FC00] =	vst v63  }
0x20: {  	_ = 	snop  }
0x21: {  	[tilespmem:s15], [sflag:$0x2] =	stream.indirect.gather [hbm4b:s8+s13], $0x80, s13, s13, $0xb8;
	[tilespmem:$0x1FC00] =	vst v63  }
0x22: {  	_ =	swait.ge [sflag:s16], $0x4000  }
0x23: {  	[sflag:s16] =	ssyncset.done $0x0  }
0x24: {  	s29 =	simm.s32 $0x2000;
	[sflag:s16] =	ssyncadd.s32 $0xFFFFC000  }
0x25: {  	[spmem:s2] =	stream.indirect.scatter.add.f32 [tilespmem:s14], [sflag:$0x3], $0x80, s29, s13, $0xb8;
	[tilespmem:$0x1FC00] =	vst v63  }
0x26: {  	_ =	swait.ge [sflag:s11], $0x4000  }
0x27: {  	[sflag:s11] =	ssyncset.done $0x0  }
0x28: {  	s30 =	simm.s32 $0x100;
	[sflag:s11] =	ssyncadd.s32 $0xFFFFC000  }
0x29: {  	[tilespmem:s14], [sflag:$0x1] =	stream.indirect.gather [hbm4b:s8+s13], $0x80, s30, s13, $0xb8;
	[tilespmem:$0x1FC00] =	vst v63  }
0x2a: {  	_ =	swait.ge [sflag:s17], $0x4000  }
0x2b: {  	[sflag:s17] =	ssyncset.done $0x0  }
0x2c: {  	s31 =	simm.s32 $0x2080;
	[sflag:s17] =	ssyncadd.s32 $0xFFFFC000  }
0x2d: {  	[spmem:s2] =	stream.indirect.scatter.add.f32 [tilespmem:s15], [sflag:$0x3], $0x80, s31, s13, $0xb8;
	[tilespmem:$0x1FC00] =	vst v63  }
0x2e: {  	_ =	swait.ge [sflag:s11], $0x4000  }
0x2f: {  	[sflag:s11] =	ssyncset.done $0x0  }
0x30: {  	s23 =	simm.s32 $0x180;
	s22 =	simm.s32 $0x400;
	[sflag:s11] =	ssyncadd.s32 $0xFFFFC000  }
.LBB2_3:
0x31: {  	[tilespmem:s15], [sflag:$0x2] =	stream.indirect.gather [hbm4b:s8+s13], $0x80, s23, s13, $0xb8;
	[tilespmem:$0x1FC00] =	vst v63  }
0x32: {  	s23 =	smov.u32 s22  }
0x33: {  	p0 =	sne.s32 s22, $0x7800;
	s22 =	sadd.s32 $0x400, s22;
	_ =	swait.ge [sflag:s16], $0x4000  }
0x34: {  	s23 =	sshra.s32 s23, $0x2;
	[sflag:s16] =	ssyncset.done $0x0  }
0x35: {  	s24 =	sadd.s32 $0x2000, s23;
	[sflag:s16] =	ssyncadd.s32 $0xFFFFC000  }
0x36: {  	[spmem:s2] =	stream.indirect.scatter.add.f32 [tilespmem:s14], [sflag:$0x3], $0x80, s24, s13, $0xb8;
	[tilespmem:$0x1FC00] =	vst v63  }
0x37: {  	_ =	swait.ge [sflag:s11], $0x4000  }
0x38: {  	[sflag:s11] =	ssyncset.done $0x0  }
0x39: {  	s24 =	sadd.s32 $0x100, s23;
	[sflag:s11] =	ssyncadd.s32 $0xFFFFC000  }
0x3a: {  	[tilespmem:s14], [sflag:$0x1] =	stream.indirect.gather [hbm4b:s8+s13], $0x80, s24, s13, $0xb8;
	[tilespmem:$0x1FC00] =	vst v63  }
0x3b: {  	_ =	swait.ge [sflag:s17], $0x4000  }
0x3c: {  	[sflag:s17] =	ssyncset.done $0x0  }
.Ltmp0:
0x3d: {  	s24 =	sadd.s32 $0x2080, s23;
	[sflag:s17] =	ssyncadd.s32 $0xFFFFC000;
	(pc) =	sbr.rel @p0 .LBB2_3-.Ltmp0, $4  }
0x3e: {  	[spmem:s2] =	stream.indirect.scatter.add.f32 [tilespmem:s15], [sflag:$0x3], $0x80, s24, s13, $0xb8;
	[tilespmem:$0x1FC00] =	vst v63  }
0x3f: {  	_ =	swait.ge [sflag:s11], $0x4000  }
0x40: {  	[sflag:s11] =	ssyncset.done $0x0  }
0x41: {  	s23 =	sadd.s32 $0x180, s23;
	[sflag:s11] =	ssyncadd.s32 $0xFFFFC000  }
0x42: {  	[tilespmem:s15], [sflag:$0x2] =	stream.indirect.gather [hbm4b:s8+s13], $0x80, s23, s13, $0xb8;
	[tilespmem:$0x1FC00] =	vst v63  }
0x43: {  	_ =	swait.ge [sflag:s16], $0x4000  }
0x44: {  	[sflag:s16] =	ssyncset.done $0x0  }
0x45: {  	[sflag:s16] =	ssyncadd.s32 $0xFFFFC000  }
0x46: {  	[spmem:s2] =	stream.indirect.scatter.add.f32 [tilespmem:s14], [sflag:$0x3], $0x80, s18, s13, $0xb8;
	[tilespmem:$0x1FC00] =	vst v63  }
0x47: {  	_ =	swait.ge [sflag:s11], $0x4000  }
0x48: {  	[sflag:s11] =	ssyncset.done $0x0  }
0x49: {  	[sflag:s11] =	ssyncadd.s32 $0xFFFFC000  }
0x4a: {  	s21 =	sadd.s32 $0x1, s21;
	_ =	swait.ge [sflag:s17], $0x4000  }
0x4b: {  	p0 =	sne.s32 s21, $0x5;
	[sflag:s17] =	ssyncset.done $0x0  }
.Ltmp1:
0x4c: {  	[sflag:s17] =	ssyncadd.s32 $0xFFFFC000;
	(pc) =	sbr.rel @p0 .LBB2_2-.Ltmp1, $4  }
0x4d: {  	[spmem:s2] =	stream.indirect.scatter.add.f32 [tilespmem:s15], [sflag:$0x3], $0x80, s19, s13, $0xb8;
	[tilespmem:$0x1FC00] =	vst v63  }
0x4e: {  	_ =	swait.ge [sflag:s11], $0x4000  }
0x4f: {  	[sflag:s11] =	ssyncset.done $0x0  }
0x50: {  	[sflag:s11] =	ssyncadd.s32 $0xFFFFC000  }
0x51: {  	s3 =	sadd.s32 $0x1, s3  }
0x52: {  	p0 =	sne.s32 s3, s9  }
.Ltmp2:
0x53: {  	[bflag:$0x0] =	sbarrier.arrive $0xFFFF;
	(pc) =	sbr.rel @p0 .LBB2_1-.Ltmp2, $4  }
0x54: {  	[hbm:s20], [sflag:s5] =	dma.local [spmem:s10], $0x2780  }
0x55: {  	_ =	swait.ge [sflag:s11], $0x2780  }
0x56: {  	[sflag:s11] =	ssyncset.done $0x0  }
0x57: {  	[sflag:s11] =	ssyncadd.s32 $0xFFFFD880  }
0x58: {  	_ =	sfence.sel $0x180000  }
0x59: {  	[bflag:$0x0] =	sbarrier.arrive $0xFFFF  }
0x5a: {  	p0 =	sne.s32 s0, $0x0;
	_ =	strace $0x90000047  }
0x5b: {  	s0 =	sadd.s32 @!p0 $0x100000, s1;
	[bflag:$0x2] =	sbarrier.arrive $0xFFFF  }
0x5c: {  	[sflag:s0] =	ssyncadd.tile.s32 @!p0 $0x1;
	_ =	shalt  }
.Lfunc_end2:
_tile_overlayer_lowered:
.L_overlay_start_2:
0x5d: {  	(tag) =	ssettag $0x2  }
0x5e: {  	s0 =	rddreg [dreg:$0x0];
	s2 =	stileid.u32  }
0x5f: {  	s1 =	rddreg [dreg:$0x1];
	p0 =	sne.s32 s2, $0x0  }
0x60: {  	s3 =	rddreg [dreg:$0x2];
	[bflag:$0x3] =	sbarrier.arrive $0xFFFF;
	s2 =	simm.s32 @!p0 $0x1C03  }
0x61: {  	[timem:s3], [sflag:s2] =	dma.local @!p0 [hbm:s0], s1  }
0x62: {  	s0 =	simm.s32 @!p0 $0x3  }
0x63: {  	_ =	swait.ge @!p0 [sflag:s0], s1  }
0x64: {  	s1 =	ssub.s32 @!p0 $0x0, s1;
	[sflag:s0] =	ssyncset.done @!p0 $0x0  }
0x65: {  	[sflag:s0] =	ssyncadd.s32 @!p0 s1  }
0x66: {  	[bflag:$0x3] =	sbarrier.arrive $0xFFFF  }
0x67: {  	_ =	shalt  }

// kernel: kernel.20.cloned.1.call-start
scs
__scs_entry_jumppad:
0x0: {  	(pc) =	sbr.rel $0x88, $3  }
0x1: {  	(tag) =	ssettag $0x0;
	lr =	simm.s32 $0x1  }
0x2: {  	[smem:$0x3F8E] =	sst lr;
	_ =	strace $0xD0000000  }
0x3: {  	_ = 	snop  }
0x4: {  	_ = 	snop  }
0x5: {  	_ = 	snop  }
0x6: {  	_ = 	snop  }
0x7: {  	_ = 	snop  }
__scs_overlays_trampoline_lowered:
0x8: {  	[smem:$0x3F9D] =	sst s0  }
0x9: {  	[smem:$0x3F9E] =	sst s1  }
0xa: {  	[smem:$0x3F9F] =	sst s2  }
0xb: {  	[smem:$0x3FA0] =	sst s3  }
0xc: {  	[smem:$0x3FA1] =	sst s4  }
0xd: {  	[smem:$0x3FA2] =	sst s5  }
0xe: {  	[smem:$0x3FA3] =	sst s6  }
0xf: {  	[smem:$0x3FA4] =	sst s7  }
0x10: {  	[smem:$0x3FA5] =	sst s8  }
0x11: {  	[smem:$0x3FA6] =	sst s9;
	s0 =	simm.s32 @!p0 $0x0  }
0x12: {  	s1 =	sld [smem:$0x3F8C];
	s0 =	simm.s32 @p0 $0x1  }
0x13: {  	[smem:$0x3FA7] =	sst s0;
	s0 =	simm.s32 @!p1 $0x0  }
0x14: {  	s2 =	sld [smem:$0x3F8B];
	s0 =	simm.s32 @p1 $0x1  }
0x15: {  	[smem:$0x3FA8] =	sst s0;
	s0 =	simm.s32 @!p2 $0x0  }
0x16: {  	s3 =	sld [smem:$0x3FDB];
	s0 =	simm.s32 @p2 $0x1  }
0x17: {  	s4 =	simm.s32 $0x1BF5;
	[smem:$0x3FAA] =	sst s0  }
0x18: {  	s0 =	sld [smem:$0x3F8D];
	_ =	swait.ge [sflag:s4], $0x0  }
0x19: {  	s7 =	sld [smem:$0x3F8E]  }
0x1a: {  	s8 =	sadd.s32 $0xFFFFE003, lr  }
0x1b: {  	s9 =	sadd.s32 $0xFFFFFEF7, lr;
	s5 =	simm.s32 $0xFFFFFFFF;
	p2 =	slt.u32 s8, $0xFFFFF086  }
0x1c: {  	p1 =	slt.u32 s9, $0xF7A;
	s5 =	simm.s32 @!p2 $0x0  }
0x1d: {  	s5 =	simm.s32 @p1 $0x1;
	p0 =	seq.s32 s7, s2  }
0x1e: {  	s7 =	smul.u32 @!p0 $0xF7A, s2;
	p2 =	seq.s32 @!p0 s5, $0x0  }
0x1f: {  	s9 =	smul.u32 $0xF7A, s1;
	s8 =	simm.s32 @!p0 $0x1BF5;
	p2 =	por !p2, p0  }
0x20: {  	[sflag:s8] =	ssyncset.s32 @!p0 $0xFFFFF086;
	s6 =	sadd.s32 @!p0 s3, s7;
	s7 =	simm.s32 @!p0 $0x108  }
0x21: {  	s3 =	sadd.s32 s3, s9;
	s6 =	sadd.s32 @!p0 $0x88, s6;
	s7 =	simm.s32 @p2 $0x1082  }
0x22: {  	[simem:s7], [sflag:s8] =	dma.local @!p0 [hbm:s6], $0xF7A  }
0x23: {  	s9 =	sor.u32 $0xD0000000, s2;
	s6 =	simm.s32 $0x108;
	_ =	swait.ge @!p0 [sflag:s8], $0x0  }
0x24: {  	s3 =	sadd.s32 $0x88, s3;
	s6 =	simm.s32 @!p1 $0x1082;
	[sflag:s4] =	ssyncset.s32 $0xFFFFF086  }
0x25: {  	[simem:s6], [sflag:s4] =	dma.local [hbm:s3], $0xF7A  }
0x26: {  	[smem:$0x3F8E] =	sst s1;
	(tag) =	ssettag s2;
	_ =	strace s9  }
0x27: {  	s1 =	sld [smem:$0x3F9E]  }
0x28: {  	s2 =	sld [smem:$0x3F9F]  }
0x29: {  	s4 =	sld [smem:$0x3FA1]  }
0x2a: {  	p0 =	seq.s32 s5, $0x0;
	s5 =	sld [smem:$0x3FA2]  }
0x2b: {  	s6 =	sld [smem:$0x3FA3]  }
0x2c: {  	s7 =	sld [smem:$0x3FA4]  }
0x2d: {  	s3 =	simm.s32 $0x108;
	s8 =	sld [smem:$0x3FA5]  }
0x2e: {  	s3 =	simm.s32 @!p0 $0x1082;
	s9 =	sld [smem:$0x3FA6]  }
0x2f: {  	lr =	sadd.s32 s0, s3;
	s0 =	sld [smem:$0x3F9D]  }
0x30: {  	s3 =	sld [smem:$0x3FA0]  }
0x31: {  	[smem:$0x3FA9] =	sst s10  }
0x32: {  	s10 =	sld [smem:$0x3FA7];
	_ =	sdelay $0x3  }
0x33: {  	p0 =	seq.s32 s10, $0x1;
	s10 =	sld [smem:$0x3FA9];
	_ =	sdelay $0x3  }
0x34: {  	[smem:$0x3FA9] =	sst s10  }
0x35: {  	s10 =	sld [smem:$0x3FA8];
	_ =	sdelay $0x3  }
0x36: {  	p1 =	seq.s32 s10, $0x1;
	s10 =	sld [smem:$0x3FA9];
	_ =	sdelay $0x3  }
0x37: {  	[smem:$0x3FA9] =	sst s10  }
0x38: {  	s10 =	sld [smem:$0x3FAA]  }
0x39: {  	_ = 	snop;
	(pc) =	sbr.ind lr, $3  }
0x3a: {  	_ = 	snop  }
0x3b: {  	_ = 	snop  }
0x3c: {  	p2 =	seq.s32 s10, $0x1;
	s10 =	sld [smem:$0x3FA9]  }
0x3d: {  	_ =	shalt  }
0x3e: {  	_ =	shalt  }
0x3f: {  	_ =	shalt  }
0x40: {  	_ =	shalt  }
0x41: {  	_ =	shalt  }
0x42: {  	_ =	shalt  }
0x43: {  	_ =	shalt  }
0x44: {  	_ =	shalt  }
0x45: {  	_ =	shalt  }
0x46: {  	_ =	shalt  }
0x47: {  	_ =	shalt  }
0x48: {  	_ =	shalt  }
0x49: {  	_ =	shalt  }
0x4a: {  	_ =	shalt  }
0x4b: {  	_ =	shalt  }
0x4c: {  	_ =	shalt  }
0x4d: {  	_ =	shalt  }
0x4e: {  	_ =	shalt  }
0x4f: {  	_ =	shalt  }
0x50: {  	_ =	shalt  }
0x51: {  	_ =	shalt  }
0x52: {  	_ =	shalt  }
0x53: {  	_ =	shalt  }
0x54: {  	_ =	shalt  }
0x55: {  	_ =	shalt  }
0x56: {  	_ =	shalt  }
0x57: {  	_ =	shalt  }
0x58: {  	_ =	shalt  }
0x59: {  	_ =	shalt  }
0x5a: {  	_ =	shalt  }
0x5b: {  	_ =	shalt  }
0x5c: {  	_ =	shalt  }
0x5d: {  	_ =	shalt  }
0x5e: {  	_ =	shalt  }
0x5f: {  	_ =	shalt  }
0x60: {  	_ =	shalt  }
0x61: {  	_ =	shalt  }
0x62: {  	_ =	shalt  }
0x63: {  	_ =	shalt  }
0x64: {  	_ =	shalt  }
0x65: {  	_ =	shalt  }
0x66: {  	_ =	shalt  }
0x67: {  	_ =	shalt  }
0x68: {  	_ =	shalt  }
0x69: {  	_ =	shalt  }
0x6a: {  	_ =	shalt  }
0x6b: {  	_ =	shalt  }
0x6c: {  	_ =	shalt  }
0x6d: {  	_ =	shalt  }
0x6e: {  	_ =	shalt  }
0x6f: {  	_ =	shalt  }
0x70: {  	_ =	shalt  }
0x71: {  	_ =	shalt  }
0x72: {  	_ =	shalt  }
0x73: {  	_ =	shalt  }
0x74: {  	_ =	shalt  }
0x75: {  	_ =	shalt  }
0x76: {  	_ =	shalt  }
0x77: {  	_ =	shalt  }
0x78: {  	_ =	shalt  }
0x79: {  	_ =	shalt  }
0x7a: {  	_ =	shalt  }
0x7b: {  	_ =	shalt  }
0x7c: {  	_ =	shalt  }
0x7d: {  	_ =	shalt  }
0x7e: {  	_ =	shalt  }
0x7f: {  	_ =	shalt  }
0x80: {  	_ =	shalt  }
0x81: {  	_ =	shalt  }
0x82: {  	_ =	shalt  }
0x83: {  	_ =	shalt  }
0x84: {  	_ =	shalt  }
0x85: {  	_ =	shalt  }
0x86: {  	_ =	shalt  }
0x87: {  	_ =	shalt  }
.Lfunc_end0:
.L_simem_size_0:
called_computation.2_lowered:
.L_overlay_start_0:
0x88: {  	s2 =	sld [smem:$0x3FD9]  }
0x89: {  	s3 =	sld [smem:$0x3FFE];
	_ =	sdelay $0x1  }
0x8a: {  	s1 =	srdreg.scid  }
0x8b: {  	s0 =	sand.u32 $0x1, s1  }
0x8c: {  	s16 =	sshll.u32 s0, $0xA;
	s2 =	sadd.s32 s3, s2  }
0x8d: {  	s2 =	sadd.s32 s2, s16  }
0x8e: {  	[smem:$0x3FB5] =	sst s2  }
0x8f: {  	_ = 	snop  }
0x90: {  	(tm) =	ssettm $0x1  }
0x91: {  	s17 =	sld [smem:$0x3FFB];
	_ =	sdelay $0x3  }
0x92: {  	_ =	strace s17  }
0x93: {  	s2 =	sld [smem:$0x3FFC];
	_ =	sdelay $0x3  }
0x94: {  	_ =	strace s2  }
0x95: {  	s2 =	sld [smem:$0x3FFD];
	_ =	sdelay $0x3  }
0x96: {  	_ =	strace s2  }
0x97: {  	_ =	strace $0x8FFFFFFF  }
0x98: {  	s18 =	sld [smem:$0x3FDB];
	_ =	sdelay $0x1  }
0x99: {  	s19 =	simm.s32 $_scs_section_size  }
0x9a: {  	s4 =	simm.s32 $_size__tile_overlayer_lowered;
	s5 =	simm.s32 $_tile_overlayer_lowered  }
0x9b: {  	s22 =	simm.s32 $0x1BFF;
	s21 =	sshll.u32 s5, $0x1;
	s2 =	sadd.s32 s19, s18  }
0x9c: {  	s6 =	simm.s32 $0x0;
	s20 =	sshll.u32 s4, $0x1;
	s4 =	sadd.s32 s21, s2  }
0x9d: {  	[timem:s6], [sflag:s22] =	dma.local [hbm:s4], s20  }
0x9e: {  	_ =	swait.ge [sflag:s22], s20  }
0x9f: {  	s3 =	ssub.s32 $0x0, s20;
	[sflag:s22] =	ssyncset.done $0x0  }
0xa0: {  	[sflag:s22] =	ssyncadd.s32 s3;
	_ =	sdelay $0x1  }
0xa1: {  	s23 =	simm.s32 $0x1B8B  }
0xa2: {  	_ =	swait.ge [sflag:s23], $0x1  }
0xa3: {  	[sflag:s23] =	ssyncset.done $0x0  }
0xa4: {  	s25 =	simm.s32 $0x1B8E;
	s24 =	sld [smem:$0x3FFE];
	[sflag:s23] =	ssyncadd.s32 $0xFFFFFFFF  }
0xa5: {  	s26 =	simm.s32 $execute0_lowered;
	[smem:$0x3FD2] =	sst s25  }
0xa6: {  	s4 =	sshll.u32 s26, $0x1;
	_ =	strace $0x8000004C;
	[dreg:$0x1] =	wrdreg $0xFFFFFFFF  }
0xa7: {  	s28 =	simm.s32 $_size_execute0_lowered;
	s2 =	sadd.s32 s2, s4;
	[dreg:$0x0] =	wrdreg $0x0  }
0xa8: {  	s4 =	sshll.u32 s28, $0x1;
	[dreg:$0x2] =	wrdreg s2  }
0xa9: {  	[dreg:$0x3] =	wrdreg s4  }
0xaa: {  	[dreg:$0x4] =	wrdreg $0xC0  }
0xab: {  	_ =	task [dreg:s6], $0x5FFFF  }
0xac: {  	[dreg:$0x1] =	wrdreg $0xFFFFFFFF  }
0xad: {  	[dreg:$0x0] =	wrdreg $0x60  }
0xae: {  	[dreg:$0x2] =	wrdreg s24  }
0xaf: {  	[dreg:$0x3] =	wrdreg $0xC0000  }
0xb0: {  	[dreg:$0x4] =	wrdreg $0x9  }
0xb1: {  	_ =	task.clear_ibuf [dreg:s6], $0x5FFFF;
	_ =	strace $0x9000004C  }
0xb2: {  	s29 =	simm.s32 $0x9;
	_ =	strace $0x8000004E  }
0xb3: {  	_ =	swait.ge [sflag:s29], $0x1  }
0xb4: {  	[sflag:s29] =	ssyncadd.s32 $0xFFFFFFFF  }
0xb5: {  	_ =	strace $0x9000004E  }
0xb6: {  	_ =	sfence  }
0xb7: {  	s30 =	sld [smem:$0x0];
	_ =	sdelay $0x2  }
0xb8: {  	s31 =	sshll.u32 s1, $0xD;
	s1 =	sshrl.u32 s1, $0x2  }
0xb9: {  	s3 =	sand.u32 $0x4000, s31;
	s1 =	sadd.s32 s1, s30  }
0xba: {  	s0 =	sor.u32 s3, s0;
	s1 =	sshll.u32 s1, $0x11  }
0xbb: {  	s0 =	sor.u32 s1, s0  }
0xbc: {  	s0 =	sadd.s32 $0x8F2B, s0  }
0xbd: {  	[sflag:s0] =	ssyncadd.remote.s32 $0x1  }
0xbe: {  	_ =	sfence.sel $0xFFFF  }
0xbf: {  	[dreg:$0x0] =	wrdreg $0xFFFFFFFF;
	(pc) =	sbr.abs _section_cstart, $3  }
0xc0: {  	[dreg:$0x1] =	wrdreg $0xFFFFFFFF  }
0xc1: {  	_ =	task.clear_ibuf [dreg:s6], $0x2FFFF;
	_ =	strace $0x9FFFFFFF  }
0xc2: {  	(tm) =	ssettm $0x7FFFFFFF  }
0xc3: {  	_ =	shalt  }
tec
execute0_lowered:
.L_overlay_start_1:
0x0: {  	(tag) =	ssettag $0x1  }
0x1: {  	s4 =	rddreg [dreg:$0x0]  }
0x2: {  	s1 =	rddreg [dreg:$0x1];
	s2 =	srdreg.scid  }
0x3: {  	s0 =	rddreg [dreg:$0x2];
	s3 =	simm.s32 $0x0;
	s13 =	simm.s32 $0x80  }
0x4: {  	s14 =	simm.s32 $0x4000;
	s15 =	simm.s32 $0x8000;
	s5 =	sand.u32 $0x1, s2  }
0x5: {  	s16 =	simm.s32 $0x1;
	s2 =	stileid.u32;
	s6 =	smul.u32 $0x9C400, s5  }
0x6: {  	s17 =	simm.s32 $0x2;
	s18 =	simm.s32 $0x3F00;
	s7 =	smul.u32 $0x1400, s2  }
0x7: {  	s19 =	simm.s32 $0x3F80;
	[smem:$0x7FF] =	sst s3;
	s20 =	smul.u32 $0x2780, s2  }
0x8: {  	_ =	strace $0x8000004D;
	s30 =	smul.u32 $0x27800, s5;
	s5 =	ssub.s32 $0x2, s5  }
0x9: {  	s10 =	smul.u32 $0x4F000, s2;
	s31 =	sshll.u32 s2, $0x6;
	s9 =	sshrl.u32 s5, $0x1  }
0xa: {  	s8 =	sadd.s32 s6, s4;
	s7 =	sadd.s32 s7, s4;
	s11 =	sadd.s32 s20, s4  }
0xb: {  	s12 =	sadd.s32 s30, s4;
	s9 =	ssub.s32 s5, s9;
	s10 =	sshrl.u32 s10, $0x2  }
0xc: {  	s5 =	sor.u32 $0x1C03, s31;
	s4 =	sadd.s32 $0x41800, s11;
	s6 =	sadd.s32 $0x19800, s7  }
0xd: {  	s7 =	sadd.s32 $0x2D800, s7;
	s10 =	sadd.s32 s10, s1;
	s8 =	sadd.s32 $0x2D8A00, s8  }
0xe: {  	s21 =	sadd.s32 $0x1A0200, s12;
	s9 =	smax.u32 s9, $0x1;
	s11 =	simm.s32 $0x3  }
0xf: {  	s12 =	simm.s32 $0x2000;
	s10 =	sshrl.u32 s10, $0x3;
	s20 =	sadd.s32 s20, s21  }
.LBB2_1:
0x10: {  	[spmem:s10], [sflag:s5] =	dma.local [hbm:s4], $0x2780  }
0x11: {  	_ =	swait.ge [sflag:s11], $0x2780  }
0x12: {  	[sflag:s11] =	ssyncset.done $0x0  }
0x13: {  	[sflag:s11] =	ssyncadd.s32 $0xFFFFD880  }
0x14: {  	s21 =	simm.s32 $0x0;
	[bflag:$0x0] =	sbarrier.arrive $0xFFFF  }
.LBB2_2:
0x15: {  	s22 =	sshll.u32 s21, $0xA  }
0x16: {  	s24 =	simm.s32 $0x0;
	s23 =	sadd.s32 s22, s6  }
0x17: {  	[tilespmem:s24], [sflag:$0x3] =	stream.linear.gather [hbm4b:s23+s24], $0x2000, $0x38;
	[tilespmem:$0x1FC00] =	vst v63  }
0x18: {  	_ =	swait.ge [sflag:s11], $0x2000  }
0x19: {  	[sflag:s11] =	ssyncset.done $0x0  }
0x1a: {  	s22 =	sadd.s32 s22, s7;
	[sflag:s11] =	ssyncadd.s32 $0xFFFFE000  }
0x1b: {  	[tilespmem:s12], [sflag:$0x3] =	stream.linear.gather [hbm4b:s22+s24], $0x2000, $0x38;
	[tilespmem:$0x1FC00] =	vst v63  }
0x1c: {  	_ =	swait.ge [sflag:s11], $0x2000  }
0x1d: {  	[sflag:s11] =	ssyncset.done $0x0  }
0x1e: {  	[sflag:s11] =	ssyncadd.s32 $0xFFFFE000  }
0x1f: {  	[tilespmem:s14], [sflag:$0x1] =	stream.indirect.gather [hbm4b:s8+s13], $0x80, s24, s13, $0xb8;
	[tilespmem:$0x1FC00] =	vst v63  }
0x20: {  	_ = 	snop  }
0x21: {  	[tilespmem:s15], [sflag:$0x2] =	stream.indirect.gather [hbm4b:s8+s13], $0x80, s13, s13, $0xb8;
	[tilespmem:$0x1FC00] =	vst v63  }
0x22: {  	_ =	swait.ge [sflag:s16], $0x4000  }
0x23: {  	[sflag:s16] =	ssyncset.done $0x0  }
0x24: {  	s29 =	simm.s32 $0x2000;
	[sflag:s16] =	ssyncadd.s32 $0xFFFFC000  }
0x25: {  	[spmem:s1] =	stream.indirect.scatter.add.f32 [tilespmem:s14], [sflag:$0x3], $0x80, s29, s13, $0xb8;
	[tilespmem:$0x1FC00] =	vst v63  }
0x26: {  	_ =	swait.ge [sflag:s11], $0x4000  }
0x27: {  	[sflag:s11] =	ssyncset.done $0x0  }
0x28: {  	s30 =	simm.s32 $0x100;
	[sflag:s11] =	ssyncadd.s32 $0xFFFFC000  }
0x29: {  	[tilespmem:s14], [sflag:$0x1] =	stream.indirect.gather [hbm4b:s8+s13], $0x80, s30, s13, $0xb8;
	[tilespmem:$0x1FC00] =	vst v63  }
0x2a: {  	_ =	swait.ge [sflag:s17], $0x4000  }
0x2b: {  	[sflag:s17] =	ssyncset.done $0x0  }
0x2c: {  	s31 =	simm.s32 $0x2080;
	[sflag:s17] =	ssyncadd.s32 $0xFFFFC000  }
0x2d: {  	[spmem:s1] =	stream.indirect.scatter.add.f32 [tilespmem:s15], [sflag:$0x3], $0x80, s31, s13, $0xb8;
	[tilespmem:$0x1FC00] =	vst v63  }
0x2e: {  	_ =	swait.ge [sflag:s11], $0x4000  }
0x2f: {  	[sflag:s11] =	ssyncset.done $0x0  }
0x30: {  	s23 =	simm.s32 $0x180;
	s22 =	simm.s32 $0x400;
	[sflag:s11] =	ssyncadd.s32 $0xFFFFC000  }
.LBB2_3:
0x31: {  	[tilespmem:s15], [sflag:$0x2] =	stream.indirect.gather [hbm4b:s8+s13], $0x80, s23, s13, $0xb8;
	[tilespmem:$0x1FC00] =	vst v63  }
0x32: {  	s23 =	smov.u32 s22  }
0x33: {  	p0 =	sne.s32 s22, $0x7800;
	s22 =	sadd.s32 $0x400, s22;
	_ =	swait.ge [sflag:s16], $0x4000  }
0x34: {  	s23 =	sshra.s32 s23, $0x2;
	[sflag:s16] =	ssyncset.done $0x0  }
0x35: {  	s24 =	sadd.s32 $0x2000, s23;
	[sflag:s16] =	ssyncadd.s32 $0xFFFFC000  }
0x36: {  	[spmem:s1] =	stream.indirect.scatter.add.f32 [tilespmem:s14], [sflag:$0x3], $0x80, s24, s13, $0xb8;
	[tilespmem:$0x1FC00] =	vst v63  }
0x37: {  	_ =	swait.ge [sflag:s11], $0x4000  }
0x38: {  	[sflag:s11] =	ssyncset.done $0x0  }
0x39: {  	s24 =	sadd.s32 $0x100, s23;
	[sflag:s11] =	ssyncadd.s32 $0xFFFFC000  }
0x3a: {  	[tilespmem:s14], [sflag:$0x1] =	stream.indirect.gather [hbm4b:s8+s13], $0x80, s24, s13, $0xb8;
	[tilespmem:$0x1FC00] =	vst v63  }
0x3b: {  	_ =	swait.ge [sflag:s17], $0x4000  }
0x3c: {  	[sflag:s17] =	ssyncset.done $0x0  }
.Ltmp0:
0x3d: {  	s24 =	sadd.s32 $0x2080, s23;
	[sflag:s17] =	ssyncadd.s32 $0xFFFFC000;
	(pc) =	sbr.rel @p0 .LBB2_3-.Ltmp0, $4  }
0x3e: {  	[spmem:s1] =	stream.indirect.scatter.add.f32 [tilespmem:s15], [sflag:$0x3], $0x80, s24, s13, $0xb8;
	[tilespmem:$0x1FC00] =	vst v63  }
0x3f: {  	_ =	swait.ge [sflag:s11], $0x4000  }
0x40: {  	[sflag:s11] =	ssyncset.done $0x0  }
0x41: {  	s23 =	sadd.s32 $0x180, s23;
	[sflag:s11] =	ssyncadd.s32 $0xFFFFC000  }
0x42: {  	[tilespmem:s15], [sflag:$0x2] =	stream.indirect.gather [hbm4b:s8+s13], $0x80, s23, s13, $0xb8;
	[tilespmem:$0x1FC00] =	vst v63  }
0x43: {  	_ =	swait.ge [sflag:s16], $0x4000  }
0x44: {  	[sflag:s16] =	ssyncset.done $0x0  }
0x45: {  	[sflag:s16] =	ssyncadd.s32 $0xFFFFC000  }
0x46: {  	[spmem:s1] =	stream.indirect.scatter.add.f32 [tilespmem:s14], [sflag:$0x3], $0x80, s18, s13, $0xb8;
	[tilespmem:$0x1FC00] =	vst v63  }
0x47: {  	_ =	swait.ge [sflag:s11], $0x4000  }
0x48: {  	[sflag:s11] =	ssyncset.done $0x0  }
0x49: {  	[sflag:s11] =	ssyncadd.s32 $0xFFFFC000  }
0x4a: {  	s21 =	sadd.s32 $0x1, s21;
	_ =	swait.ge [sflag:s17], $0x4000  }
0x4b: {  	p0 =	sne.s32 s21, $0x5;
	[sflag:s17] =	ssyncset.done $0x0  }
.Ltmp1:
0x4c: {  	[sflag:s17] =	ssyncadd.s32 $0xFFFFC000;
	(pc) =	sbr.rel @p0 .LBB2_2-.Ltmp1, $4  }
0x4d: {  	[spmem:s1] =	stream.indirect.scatter.add.f32 [tilespmem:s15], [sflag:$0x3], $0x80, s19, s13, $0xb8;
	[tilespmem:$0x1FC00] =	vst v63  }
0x4e: {  	_ =	swait.ge [sflag:s11], $0x4000  }
0x4f: {  	[sflag:s11] =	ssyncset.done $0x0  }
0x50: {  	[sflag:s11] =	ssyncadd.s32 $0xFFFFC000  }
0x51: {  	s3 =	sadd.s32 $0x1, s3  }
0x52: {  	p0 =	sne.s32 s3, s9  }
.Ltmp2:
0x53: {  	[bflag:$0x0] =	sbarrier.arrive $0xFFFF;
	(pc) =	sbr.rel @p0 .LBB2_1-.Ltmp2, $4  }
0x54: {  	[hbm:s20], [sflag:s5] =	dma.local [spmem:s10], $0x2780  }
0x55: {  	_ =	swait.ge [sflag:s11], $0x2780  }
0x56: {  	[sflag:s11] =	ssyncset.done $0x0  }
0x57: {  	[sflag:s11] =	ssyncadd.s32 $0xFFFFD880  }
0x58: {  	_ =	sfence.sel $0x180000  }
0x59: {  	[bflag:$0x0] =	sbarrier.arrive $0xFFFF  }
0x5a: {  	p0 =	sne.s32 s2, $0x0;
	_ =	strace $0x9000004D  }
0x5b: {  	s0 =	sadd.s32 @!p0 $0x100000, s0;
	[bflag:$0x2] =	sbarrier.arrive $0xFFFF  }
0x5c: {  	[sflag:s0] =	ssyncadd.tile.s32 @!p0 $0x1;
	_ =	shalt  }
.Lfunc_end2:
_tile_overlayer_lowered:
.L_overlay_start_2:
0x5d: {  	(tag) =	ssettag $0x2  }
0x5e: {  	s0 =	rddreg [dreg:$0x0];
	s2 =	stileid.u32  }
0x5f: {  	s1 =	rddreg [dreg:$0x1];
	p0 =	sne.s32 s2, $0x0  }
0x60: {  	s3 =	rddreg [dreg:$0x2];
	[bflag:$0x3] =	sbarrier.arrive $0xFFFF;
	s2 =	simm.s32 @!p0 $0x1C03  }
0x61: {  	[timem:s3], [sflag:s2] =	dma.local @!p0 [hbm:s0], s1  }
0x62: {  	s0 =	simm.s32 @!p0 $0x3  }
0x63: {  	_ =	swait.ge @!p0 [sflag:s0], s1  }
0x64: {  	s1 =	ssub.s32 @!p0 $0x0, s1;
	[sflag:s0] =	ssyncset.done @!p0 $0x0  }
0x65: {  	[sflag:s0] =	ssyncadd.s32 @!p0 s1  }
0x66: {  	[bflag:$0x3] =	sbarrier.arrive $0xFFFF  }
0x67: {  	_ =	shalt  }

// kernel: kernel.23.cloned.1.call-start
scs
__scs_entry_jumppad:
0x0: {  	(pc) =	sbr.rel $0x88, $3  }
0x1: {  	(tag) =	ssettag $0x0;
	lr =	simm.s32 $0x1  }
0x2: {  	[smem:$0x3F8E] =	sst lr;
	_ =	strace $0xD0000000  }
0x3: {  	_ = 	snop  }
0x4: {  	_ = 	snop  }
0x5: {  	_ = 	snop  }
0x6: {  	_ = 	snop  }
0x7: {  	_ = 	snop  }
__scs_overlays_trampoline_lowered:
0x8: {  	[smem:$0x3F9D] =	sst s0  }
0x9: {  	[smem:$0x3F9E] =	sst s1  }
0xa: {  	[smem:$0x3F9F] =	sst s2  }
0xb: {  	[smem:$0x3FA0] =	sst s3  }
0xc: {  	[smem:$0x3FA1] =	sst s4  }
0xd: {  	[smem:$0x3FA2] =	sst s5  }
0xe: {  	[smem:$0x3FA3] =	sst s6  }
0xf: {  	[smem:$0x3FA4] =	sst s7  }
0x10: {  	[smem:$0x3FA5] =	sst s8  }
0x11: {  	[smem:$0x3FA6] =	sst s9;
	s0 =	simm.s32 @!p0 $0x0  }
0x12: {  	s1 =	sld [smem:$0x3F8C];
	s0 =	simm.s32 @p0 $0x1  }
0x13: {  	[smem:$0x3FA7] =	sst s0;
	s0 =	simm.s32 @!p1 $0x0  }
0x14: {  	s2 =	sld [smem:$0x3F8B];
	s0 =	simm.s32 @p1 $0x1  }
0x15: {  	[smem:$0x3FA8] =	sst s0;
	s0 =	simm.s32 @!p2 $0x0  }
0x16: {  	s3 =	sld [smem:$0x3FDB];
	s0 =	simm.s32 @p2 $0x1  }
0x17: {  	s4 =	simm.s32 $0x1BF5;
	[smem:$0x3FAA] =	sst s0  }
0x18: {  	s0 =	sld [smem:$0x3F8D];
	_ =	swait.ge [sflag:s4], $0x0  }
0x19: {  	s7 =	sld [smem:$0x3F8E]  }
0x1a: {  	s8 =	sadd.s32 $0xFFFFE003, lr  }
0x1b: {  	s9 =	sadd.s32 $0xFFFFFEF7, lr;
	s5 =	simm.s32 $0xFFFFFFFF;
	p2 =	slt.u32 s8, $0xFFFFF086  }
0x1c: {  	p1 =	slt.u32 s9, $0xF7A;
	s5 =	simm.s32 @!p2 $0x0  }
0x1d: {  	s5 =	simm.s32 @p1 $0x1;
	p0 =	seq.s32 s7, s2  }
0x1e: {  	s7 =	smul.u32 @!p0 $0xF7A, s2;
	p2 =	seq.s32 @!p0 s5, $0x0  }
0x1f: {  	s9 =	smul.u32 $0xF7A, s1;
	s8 =	simm.s32 @!p0 $0x1BF5;
	p2 =	por !p2, p0  }
0x20: {  	[sflag:s8] =	ssyncset.s32 @!p0 $0xFFFFF086;
	s6 =	sadd.s32 @!p0 s3, s7;
	s7 =	simm.s32 @!p0 $0x108  }
0x21: {  	s3 =	sadd.s32 s3, s9;
	s6 =	sadd.s32 @!p0 $0x88, s6;
	s7 =	simm.s32 @p2 $0x1082  }
0x22: {  	[simem:s7], [sflag:s8] =	dma.local @!p0 [hbm:s6], $0xF7A  }
0x23: {  	s9 =	sor.u32 $0xD0000000, s2;
	s6 =	simm.s32 $0x108;
	_ =	swait.ge @!p0 [sflag:s8], $0x0  }
0x24: {  	s3 =	sadd.s32 $0x88, s3;
	s6 =	simm.s32 @!p1 $0x1082;
	[sflag:s4] =	ssyncset.s32 $0xFFFFF086  }
0x25: {  	[simem:s6], [sflag:s4] =	dma.local [hbm:s3], $0xF7A  }
0x26: {  	[smem:$0x3F8E] =	sst s1;
	(tag) =	ssettag s2;
	_ =	strace s9  }
0x27: {  	s1 =	sld [smem:$0x3F9E]  }
0x28: {  	s2 =	sld [smem:$0x3F9F]  }
0x29: {  	s4 =	sld [smem:$0x3FA1]  }
0x2a: {  	p0 =	seq.s32 s5, $0x0;
	s5 =	sld [smem:$0x3FA2]  }
0x2b: {  	s6 =	sld [smem:$0x3FA3]  }
0x2c: {  	s7 =	sld [smem:$0x3FA4]  }
0x2d: {  	s3 =	simm.s32 $0x108;
	s8 =	sld [smem:$0x3FA5]  }
0x2e: {  	s3 =	simm.s32 @!p0 $0x1082;
	s9 =	sld [smem:$0x3FA6]  }
0x2f: {  	lr =	sadd.s32 s0, s3;
	s0 =	sld [smem:$0x3F9D]  }
0x30: {  	s3 =	sld [smem:$0x3FA0]  }
0x31: {  	[smem:$0x3FA9] =	sst s10  }
0x32: {  	s10 =	sld [smem:$0x3FA7];
	_ =	sdelay $0x3  }
0x33: {  	p0 =	seq.s32 s10, $0x1;
	s10 =	sld [smem:$0x3FA9];
	_ =	sdelay $0x3  }
0x34: {  	[smem:$0x3FA9] =	sst s10  }
0x35: {  	s10 =	sld [smem:$0x3FA8];
	_ =	sdelay $0x3  }
0x36: {  	p1 =	seq.s32 s10, $0x1;
	s10 =	sld [smem:$0x3FA9];
	_ =	sdelay $0x3  }
0x37: {  	[smem:$0x3FA9] =	sst s10  }
0x38: {  	s10 =	sld [smem:$0x3FAA]  }
0x39: {  	_ = 	snop;
	(pc) =	sbr.ind lr, $3  }
0x3a: {  	_ = 	snop  }
0x3b: {  	_ = 	snop  }
0x3c: {  	p2 =	seq.s32 s10, $0x1;
	s10 =	sld [smem:$0x3FA9]  }
0x3d: {  	_ =	shalt  }
0x3e: {  	_ =	shalt  }
0x3f: {  	_ =	shalt  }
0x40: {  	_ =	shalt  }
0x41: {  	_ =	shalt  }
0x42: {  	_ =	shalt  }
0x43: {  	_ =	shalt  }
0x44: {  	_ =	shalt  }
0x45: {  	_ =	shalt  }
0x46: {  	_ =	shalt  }
0x47: {  	_ =	shalt  }
0x48: {  	_ =	shalt  }
0x49: {  	_ =	shalt  }
0x4a: {  	_ =	shalt  }
0x4b: {  	_ =	shalt  }
0x4c: {  	_ =	shalt  }
0x4d: {  	_ =	shalt  }
0x4e: {  	_ =	shalt  }
0x4f: {  	_ =	shalt  }
0x50: {  	_ =	shalt  }
0x51: {  	_ =	shalt  }
0x52: {  	_ =	shalt  }
0x53: {  	_ =	shalt  }
0x54: {  	_ =	shalt  }
0x55: {  	_ =	shalt  }
0x56: {  	_ =	shalt  }
0x57: {  	_ =	shalt  }
0x58: {  	_ =	shalt  }
0x59: {  	_ =	shalt  }
0x5a: {  	_ =	shalt  }
0x5b: {  	_ =	shalt  }
0x5c: {  	_ =	shalt  }
0x5d: {  	_ =	shalt  }
0x5e: {  	_ =	shalt  }
0x5f: {  	_ =	shalt  }
0x60: {  	_ =	shalt  }
0x61: {  	_ =	shalt  }
0x62: {  	_ =	shalt  }
0x63: {  	_ =	shalt  }
0x64: {  	_ =	shalt  }
0x65: {  	_ =	shalt  }
0x66: {  	_ =	shalt  }
0x67: {  	_ =	shalt  }
0x68: {  	_ =	shalt  }
0x69: {  	_ =	shalt  }
0x6a: {  	_ =	shalt  }
0x6b: {  	_ =	shalt  }
0x6c: {  	_ =	shalt  }
0x6d: {  	_ =	shalt  }
0x6e: {  	_ =	shalt  }
0x6f: {  	_ =	shalt  }
0x70: {  	_ =	shalt  }
0x71: {  	_ =	shalt  }
0x72: {  	_ =	shalt  }
0x73: {  	_ =	shalt  }
0x74: {  	_ =	shalt  }
0x75: {  	_ =	shalt  }
0x76: {  	_ =	shalt  }
0x77: {  	_ =	shalt  }
0x78: {  	_ =	shalt  }
0x79: {  	_ =	shalt  }
0x7a: {  	_ =	shalt  }
0x7b: {  	_ =	shalt  }
0x7c: {  	_ =	shalt  }
0x7d: {  	_ =	shalt  }
0x7e: {  	_ =	shalt  }
0x7f: {  	_ =	shalt  }
0x80: {  	_ =	shalt  }
0x81: {  	_ =	shalt  }
0x82: {  	_ =	shalt  }
0x83: {  	_ =	shalt  }
0x84: {  	_ =	shalt  }
0x85: {  	_ =	shalt  }
0x86: {  	_ =	shalt  }
0x87: {  	_ =	shalt  }
.Lfunc_end0:
.L_simem_size_0:
called_computation.3_lowered:
.L_overlay_start_0:
0x88: {  	s2 =	sld [smem:$0x3FD9]  }
0x89: {  	s3 =	sld [smem:$0x3FFE];
	_ =	sdelay $0x1  }
0x8a: {  	s1 =	srdreg.scid  }
0x8b: {  	s0 =	sand.u32 $0x1, s1  }
0x8c: {  	s16 =	sshll.u32 s0, $0xA;
	s2 =	sadd.s32 s3, s2  }
0x8d: {  	s2 =	sadd.s32 s2, s16  }
0x8e: {  	[smem:$0x3FB5] =	sst s2  }
0x8f: {  	_ = 	snop  }
0x90: {  	(tm) =	ssettm $0x1  }
0x91: {  	s17 =	sld [smem:$0x3FFB];
	_ =	sdelay $0x3  }
0x92: {  	_ =	strace s17  }
0x93: {  	s2 =	sld [smem:$0x3FFC];
	_ =	sdelay $0x3  }
0x94: {  	_ =	strace s2  }
0x95: {  	s2 =	sld [smem:$0x3FFD];
	_ =	sdelay $0x3  }
0x96: {  	_ =	strace s2  }
0x97: {  	_ =	strace $0x8FFFFFFF  }
0x98: {  	s18 =	sld [smem:$0x3FDB];
	_ =	sdelay $0x1  }
0x99: {  	s19 =	simm.s32 $_scs_section_size  }
0x9a: {  	s4 =	simm.s32 $_size__tile_overlayer_lowered;
	s5 =	simm.s32 $_tile_overlayer_lowered  }
0x9b: {  	s22 =	simm.s32 $0x1BFF;
	s21 =	sshll.u32 s5, $0x1;
	s2 =	sadd.s32 s19, s18  }
0x9c: {  	s6 =	simm.s32 $0x0;
	s20 =	sshll.u32 s4, $0x1;
	s4 =	sadd.s32 s21, s2  }
0x9d: {  	[timem:s6], [sflag:s22] =	dma.local [hbm:s4], s20  }
0x9e: {  	_ =	swait.ge [sflag:s22], s20  }
0x9f: {  	s3 =	ssub.s32 $0x0, s20;
	[sflag:s22] =	ssyncset.done $0x0  }
0xa0: {  	[sflag:s22] =	ssyncadd.s32 s3;
	_ =	sdelay $0x1  }
0xa1: {  	s23 =	simm.s32 $0x1B8B  }
0xa2: {  	_ =	swait.ge [sflag:s23], $0x1  }
0xa3: {  	[sflag:s23] =	ssyncset.done $0x0  }
0xa4: {  	s25 =	simm.s32 $0x1B8E;
	s24 =	sld [smem:$0x3FFE];
	[sflag:s23] =	ssyncadd.s32 $0xFFFFFFFF  }
0xa5: {  	s26 =	simm.s32 $execute0_lowered;
	[smem:$0x3FD2] =	sst s25  }
0xa6: {  	s4 =	sshll.u32 s26, $0x1;
	_ =	strace $0x8000004F;
	[dreg:$0x1] =	wrdreg $0xFFFFFFFF  }
0xa7: {  	s28 =	simm.s32 $_size_execute0_lowered;
	s2 =	sadd.s32 s2, s4;
	[dreg:$0x0] =	wrdreg $0x0  }
0xa8: {  	s4 =	sshll.u32 s28, $0x1;
	[dreg:$0x2] =	wrdreg s2  }
0xa9: {  	[dreg:$0x3] =	wrdreg s4  }
0xaa: {  	[dreg:$0x4] =	wrdreg $0xC0  }
0xab: {  	_ =	task [dreg:s6], $0x5FFFF  }
0xac: {  	[dreg:$0x1] =	wrdreg $0xFFFFFFFF  }
0xad: {  	[dreg:$0x0] =	wrdreg $0x60  }
0xae: {  	[dreg:$0x2] =	wrdreg s24  }
0xaf: {  	[dreg:$0x3] =	wrdreg $0xC0000  }
0xb0: {  	[dreg:$0x4] =	wrdreg $0x9  }
0xb1: {  	_ =	task.clear_ibuf [dreg:s6], $0x5FFFF;
	_ =	strace $0x9000004F  }
0xb2: {  	s29 =	simm.s32 $0x9;
	_ =	strace $0x80000051  }
0xb3: {  	_ =	swait.ge [sflag:s29], $0x1  }
0xb4: {  	[sflag:s29] =	ssyncadd.s32 $0xFFFFFFFF  }
0xb5: {  	_ =	strace $0x90000051  }
0xb6: {  	_ =	sfence  }
0xb7: {  	s30 =	sld [smem:$0x0];
	_ =	sdelay $0x2  }
0xb8: {  	s31 =	sshll.u32 s1, $0xD;
	s1 =	sshrl.u32 s1, $0x2  }
0xb9: {  	s3 =	sand.u32 $0x4000, s31;
	s1 =	sadd.s32 s1, s30  }
0xba: {  	s0 =	sor.u32 s3, s0;
	s1 =	sshll.u32 s1, $0x11  }
0xbb: {  	s0 =	sor.u32 s1, s0  }
0xbc: {  	s0 =	sadd.s32 $0x8F2B, s0  }
0xbd: {  	[sflag:s0] =	ssyncadd.remote.s32 $0x1  }
0xbe: {  	_ =	sfence.sel $0xFFFF  }
0xbf: {  	[dreg:$0x0] =	wrdreg $0xFFFFFFFF;
	(pc) =	sbr.abs _section_cstart, $3  }
0xc0: {  	[dreg:$0x1] =	wrdreg $0xFFFFFFFF  }
0xc1: {  	_ =	task.clear_ibuf [dreg:s6], $0x2FFFF;
	_ =	strace $0x9FFFFFFF  }
0xc2: {  	(tm) =	ssettm $0x7FFFFFFF  }
0xc3: {  	_ =	shalt  }
tec
execute0_lowered:
.L_overlay_start_1:
0x0: {  	(tag) =	ssettag $0x1  }
0x1: {  	s4 =	rddreg [dreg:$0x0]  }
0x2: {  	s1 =	rddreg [dreg:$0x1];
	s2 =	srdreg.scid  }
0x3: {  	s0 =	rddreg [dreg:$0x2];
	s3 =	simm.s32 $0x0;
	s13 =	simm.s32 $0x80  }
0x4: {  	s14 =	simm.s32 $0x4000;
	s15 =	simm.s32 $0x8000;
	s5 =	sand.u32 $0x1, s2  }
0x5: {  	s16 =	simm.s32 $0x1;
	s2 =	stileid.u32;
	s6 =	smul.u32 $0x9C400, s5  }
0x6: {  	s17 =	simm.s32 $0x2;
	s18 =	simm.s32 $0x3F00;
	s7 =	smul.u32 $0x1400, s2  }
0x7: {  	s19 =	simm.s32 $0x3F80;
	[smem:$0x7FF] =	sst s3;
	s20 =	smul.u32 $0x2780, s2  }
0x8: {  	_ =	strace $0x80000050;
	s30 =	smul.u32 $0x27800, s5;
	s5 =	ssub.s32 $0x2, s5  }
0x9: {  	s10 =	smul.u32 $0x4F000, s2;
	s31 =	sshll.u32 s2, $0x6;
	s9 =	sshrl.u32 s5, $0x1  }
0xa: {  	s8 =	sadd.s32 s6, s4;
	s7 =	sadd.s32 s7, s4;
	s11 =	sadd.s32 s20, s4  }
0xb: {  	s12 =	sadd.s32 s30, s4;
	s9 =	ssub.s32 s5, s9;
	s10 =	sshrl.u32 s10, $0x2  }
0xc: {  	s5 =	sor.u32 $0x1C03, s31;
	s4 =	sadd.s32 $0x41800, s11;
	s6 =	sadd.s32 $0x19800, s7  }
0xd: {  	s7 =	sadd.s32 $0x2D800, s7;
	s10 =	sadd.s32 s10, s1;
	s8 =	sadd.s32 $0x326C00, s8  }
0xe: {  	s21 =	sadd.s32 $0x1A0200, s12;
	s9 =	smax.u32 s9, $0x1;
	s11 =	simm.s32 $0x3  }
0xf: {  	s12 =	simm.s32 $0x2000;
	s10 =	sshrl.u32 s10, $0x3;
	s20 =	sadd.s32 s20, s21  }
.LBB2_1:
0x10: {  	[spmem:s10], [sflag:s5] =	dma.local [hbm:s4], $0x2780  }
0x11: {  	_ =	swait.ge [sflag:s11], $0x2780  }
0x12: {  	[sflag:s11] =	ssyncset.done $0x0  }
0x13: {  	[sflag:s11] =	ssyncadd.s32 $0xFFFFD880  }
0x14: {  	s21 =	simm.s32 $0x0;
	[bflag:$0x0] =	sbarrier.arrive $0xFFFF  }
.LBB2_2:
0x15: {  	s22 =	sshll.u32 s21, $0xA  }
0x16: {  	s24 =	simm.s32 $0x0;
	s23 =	sadd.s32 s22, s6  }
0x17: {  	[tilespmem:s24], [sflag:$0x3] =	stream.linear.gather [hbm4b:s23+s24], $0x2000, $0x38;
	[tilespmem:$0x1FC00] =	vst v63  }
0x18: {  	_ =	swait.ge [sflag:s11], $0x2000  }
0x19: {  	[sflag:s11] =	ssyncset.done $0x0  }
0x1a: {  	s22 =	sadd.s32 s22, s7;
	[sflag:s11] =	ssyncadd.s32 $0xFFFFE000  }
0x1b: {  	[tilespmem:s12], [sflag:$0x3] =	stream.linear.gather [hbm4b:s22+s24], $0x2000, $0x38;
	[tilespmem:$0x1FC00] =	vst v63  }
0x1c: {  	_ =	swait.ge [sflag:s11], $0x2000  }
0x1d: {  	[sflag:s11] =	ssyncset.done $0x0  }
0x1e: {  	[sflag:s11] =	ssyncadd.s32 $0xFFFFE000  }
0x1f: {  	[tilespmem:s14], [sflag:$0x1] =	stream.indirect.gather [hbm4b:s8+s13], $0x80, s24, s13, $0xb8;
	[tilespmem:$0x1FC00] =	vst v63  }
0x20: {  	_ = 	snop  }
0x21: {  	[tilespmem:s15], [sflag:$0x2] =	stream.indirect.gather [hbm4b:s8+s13], $0x80, s13, s13, $0xb8;
	[tilespmem:$0x1FC00] =	vst v63  }
0x22: {  	_ =	swait.ge [sflag:s16], $0x4000  }
0x23: {  	[sflag:s16] =	ssyncset.done $0x0  }
0x24: {  	s29 =	simm.s32 $0x2000;
	[sflag:s16] =	ssyncadd.s32 $0xFFFFC000  }
0x25: {  	[spmem:s1] =	stream.indirect.scatter.add.f32 [tilespmem:s14], [sflag:$0x3], $0x80, s29, s13, $0xb8;
	[tilespmem:$0x1FC00] =	vst v63  }
0x26: {  	_ =	swait.ge [sflag:s11], $0x4000  }
0x27: {  	[sflag:s11] =	ssyncset.done $0x0  }
0x28: {  	s30 =	simm.s32 $0x100;
	[sflag:s11] =	ssyncadd.s32 $0xFFFFC000  }
0x29: {  	[tilespmem:s14], [sflag:$0x1] =	stream.indirect.gather [hbm4b:s8+s13], $0x80, s30, s13, $0xb8;
	[tilespmem:$0x1FC00] =	vst v63  }
0x2a: {  	_ =	swait.ge [sflag:s17], $0x4000  }
0x2b: {  	[sflag:s17] =	ssyncset.done $0x0  }
0x2c: {  	s31 =	simm.s32 $0x2080;
	[sflag:s17] =	ssyncadd.s32 $0xFFFFC000  }
0x2d: {  	[spmem:s1] =	stream.indirect.scatter.add.f32 [tilespmem:s15], [sflag:$0x3], $0x80, s31, s13, $0xb8;
	[tilespmem:$0x1FC00] =	vst v63  }
0x2e: {  	_ =	swait.ge [sflag:s11], $0x4000  }
0x2f: {  	[sflag:s11] =	ssyncset.done $0x0  }
0x30: {  	s23 =	simm.s32 $0x180;
	s22 =	simm.s32 $0x400;
	[sflag:s11] =	ssyncadd.s32 $0xFFFFC000  }
.LBB2_3:
0x31: {  	[tilespmem:s15], [sflag:$0x2] =	stream.indirect.gather [hbm4b:s8+s13], $0x80, s23, s13, $0xb8;
	[tilespmem:$0x1FC00] =	vst v63  }
0x32: {  	s23 =	smov.u32 s22  }
0x33: {  	p0 =	sne.s32 s22, $0x7800;
	s22 =	sadd.s32 $0x400, s22;
	_ =	swait.ge [sflag:s16], $0x4000  }
0x34: {  	s23 =	sshra.s32 s23, $0x2;
	[sflag:s16] =	ssyncset.done $0x0  }
0x35: {  	s24 =	sadd.s32 $0x2000, s23;
	[sflag:s16] =	ssyncadd.s32 $0xFFFFC000  }
0x36: {  	[spmem:s1] =	stream.indirect.scatter.add.f32 [tilespmem:s14], [sflag:$0x3], $0x80, s24, s13, $0xb8;
	[tilespmem:$0x1FC00] =	vst v63  }
0x37: {  	_ =	swait.ge [sflag:s11], $0x4000  }
0x38: {  	[sflag:s11] =	ssyncset.done $0x0  }
0x39: {  	s24 =	sadd.s32 $0x100, s23;
	[sflag:s11] =	ssyncadd.s32 $0xFFFFC000  }
0x3a: {  	[tilespmem:s14], [sflag:$0x1] =	stream.indirect.gather [hbm4b:s8+s13], $0x80, s24, s13, $0xb8;
	[tilespmem:$0x1FC00] =	vst v63  }
0x3b: {  	_ =	swait.ge [sflag:s17], $0x4000  }
0x3c: {  	[sflag:s17] =	ssyncset.done $0x0  }
.Ltmp0:
0x3d: {  	s24 =	sadd.s32 $0x2080, s23;
	[sflag:s17] =	ssyncadd.s32 $0xFFFFC000;
	(pc) =	sbr.rel @p0 .LBB2_3-.Ltmp0, $4  }
0x3e: {  	[spmem:s1] =	stream.indirect.scatter.add.f32 [tilespmem:s15], [sflag:$0x3], $0x80, s24, s13, $0xb8;
	[tilespmem:$0x1FC00] =	vst v63  }
0x3f: {  	_ =	swait.ge [sflag:s11], $0x4000  }
0x40: {  	[sflag:s11] =	ssyncset.done $0x0  }
0x41: {  	s23 =	sadd.s32 $0x180, s23;
	[sflag:s11] =	ssyncadd.s32 $0xFFFFC000  }
0x42: {  	[tilespmem:s15], [sflag:$0x2] =	stream.indirect.gather [hbm4b:s8+s13], $0x80, s23, s13, $0xb8;
	[tilespmem:$0x1FC00] =	vst v63  }
0x43: {  	_ =	swait.ge [sflag:s16], $0x4000  }
0x44: {  	[sflag:s16] =	ssyncset.done $0x0  }
0x45: {  	[sflag:s16] =	ssyncadd.s32 $0xFFFFC000  }
0x46: {  	[spmem:s1] =	stream.indirect.scatter.add.f32 [tilespmem:s14], [sflag:$0x3], $0x80, s18, s13, $0xb8;
	[tilespmem:$0x1FC00] =	vst v63  }
0x47: {  	_ =	swait.ge [sflag:s11], $0x4000  }
0x48: {  	[sflag:s11] =	ssyncset.done $0x0  }
0x49: {  	[sflag:s11] =	ssyncadd.s32 $0xFFFFC000  }
0x4a: {  	s21 =	sadd.s32 $0x1, s21;
	_ =	swait.ge [sflag:s17], $0x4000  }
0x4b: {  	p0 =	sne.s32 s21, $0x5;
	[sflag:s17] =	ssyncset.done $0x0  }
.Ltmp1:
0x4c: {  	[sflag:s17] =	ssyncadd.s32 $0xFFFFC000;
	(pc) =	sbr.rel @p0 .LBB2_2-.Ltmp1, $4  }
0x4d: {  	[spmem:s1] =	stream.indirect.scatter.add.f32 [tilespmem:s15], [sflag:$0x3], $0x80, s19, s13, $0xb8;
	[tilespmem:$0x1FC00] =	vst v63  }
0x4e: {  	_ =	swait.ge [sflag:s11], $0x4000  }
0x4f: {  	[sflag:s11] =	ssyncset.done $0x0  }
0x50: {  	[sflag:s11] =	ssyncadd.s32 $0xFFFFC000  }
0x51: {  	s3 =	sadd.s32 $0x1, s3  }
0x52: {  	p0 =	sne.s32 s3, s9  }
.Ltmp2:
0x53: {  	[bflag:$0x0] =	sbarrier.arrive $0xFFFF;
	(pc) =	sbr.rel @p0 .LBB2_1-.Ltmp2, $4  }
0x54: {  	[hbm:s20], [sflag:s5] =	dma.local [spmem:s10], $0x2780  }
0x55: {  	_ =	swait.ge [sflag:s11], $0x2780  }
0x56: {  	[sflag:s11] =	ssyncset.done $0x0  }
0x57: {  	[sflag:s11] =	ssyncadd.s32 $0xFFFFD880  }
0x58: {  	_ =	sfence.sel $0x180000  }
0x59: {  	[bflag:$0x0] =	sbarrier.arrive $0xFFFF  }
0x5a: {  	p0 =	sne.s32 s2, $0x0;
	_ =	strace $0x90000050  }
0x5b: {  	s0 =	sadd.s32 @!p0 $0x100000, s0;
	[bflag:$0x2] =	sbarrier.arrive $0xFFFF  }
0x5c: {  	[sflag:s0] =	ssyncadd.tile.s32 @!p0 $0x1;
	_ =	shalt  }
.Lfunc_end2:
_tile_overlayer_lowered:
.L_overlay_start_2:
0x5d: {  	(tag) =	ssettag $0x2  }
0x5e: {  	s0 =	rddreg [dreg:$0x0];
	s2 =	stileid.u32  }
0x5f: {  	s1 =	rddreg [dreg:$0x1];
	p0 =	sne.s32 s2, $0x0  }
0x60: {  	s3 =	rddreg [dreg:$0x2];
	[bflag:$0x3] =	sbarrier.arrive $0xFFFF;
	s2 =	simm.s32 @!p0 $0x1C03  }
0x61: {  	[timem:s3], [sflag:s2] =	dma.local @!p0 [hbm:s0], s1  }
0x62: {  	s0 =	simm.s32 @!p0 $0x3  }
0x63: {  	_ =	swait.ge @!p0 [sflag:s0], s1  }
0x64: {  	s1 =	ssub.s32 @!p0 $0x0, s1;
	[sflag:s0] =	ssyncset.done @!p0 $0x0  }
0x65: {  	[sflag:s0] =	ssyncadd.s32 @!p0 s1  }
0x66: {  	[bflag:$0x3] =	sbarrier.arrive $0xFFFF  }
0x67: {  	_ =	shalt  }

// kernel: kernel.26.cloned.1.call-start
scs
__scs_entry_jumppad:
0x0: {  	(pc) =	sbr.rel $0x88, $3  }
0x1: {  	(tag) =	ssettag $0x0;
	lr =	simm.s32 $0x1  }
0x2: {  	[smem:$0x3F8E] =	sst lr;
	_ =	strace $0xD0000000  }
0x3: {  	_ = 	snop  }
0x4: {  	_ = 	snop  }
0x5: {  	_ = 	snop  }
0x6: {  	_ = 	snop  }
0x7: {  	_ = 	snop  }
__scs_overlays_trampoline_lowered:
0x8: {  	[smem:$0x3F9D] =	sst s0  }
0x9: {  	[smem:$0x3F9E] =	sst s1  }
0xa: {  	[smem:$0x3F9F] =	sst s2  }
0xb: {  	[smem:$0x3FA0] =	sst s3  }
0xc: {  	[smem:$0x3FA1] =	sst s4  }
0xd: {  	[smem:$0x3FA2] =	sst s5  }
0xe: {  	[smem:$0x3FA3] =	sst s6  }
0xf: {  	[smem:$0x3FA4] =	sst s7  }
0x10: {  	[smem:$0x3FA5] =	sst s8  }
0x11: {  	[smem:$0x3FA6] =	sst s9;
	s0 =	simm.s32 @!p0 $0x0  }
0x12: {  	s1 =	sld [smem:$0x3F8C];
	s0 =	simm.s32 @p0 $0x1  }
0x13: {  	[smem:$0x3FA7] =	sst s0;
	s0 =	simm.s32 @!p1 $0x0  }
0x14: {  	s2 =	sld [smem:$0x3F8B];
	s0 =	simm.s32 @p1 $0x1  }
0x15: {  	[smem:$0x3FA8] =	sst s0;
	s0 =	simm.s32 @!p2 $0x0  }
0x16: {  	s3 =	sld [smem:$0x3FDB];
	s0 =	simm.s32 @p2 $0x1  }
0x17: {  	s4 =	simm.s32 $0x1BF5;
	[smem:$0x3FAA] =	sst s0  }
0x18: {  	s0 =	sld [smem:$0x3F8D];
	_ =	swait.ge [sflag:s4], $0x0  }
0x19: {  	s7 =	sld [smem:$0x3F8E]  }
0x1a: {  	s8 =	sadd.s32 $0xFFFFE003, lr  }
0x1b: {  	s9 =	sadd.s32 $0xFFFFFEF7, lr;
	s5 =	simm.s32 $0xFFFFFFFF;
	p2 =	slt.u32 s8, $0xFFFFF086  }
0x1c: {  	p1 =	slt.u32 s9, $0xF7A;
	s5 =	simm.s32 @!p2 $0x0  }
0x1d: {  	s5 =	simm.s32 @p1 $0x1;
	p0 =	seq.s32 s7, s2  }
0x1e: {  	s7 =	smul.u32 @!p0 $0xF7A, s2;
	p2 =	seq.s32 @!p0 s5, $0x0  }
0x1f: {  	s9 =	smul.u32 $0xF7A, s1;
	s8 =	simm.s32 @!p0 $0x1BF5;
	p2 =	por !p2, p0  }
0x20: {  	[sflag:s8] =	ssyncset.s32 @!p0 $0xFFFFF086;
	s6 =	sadd.s32 @!p0 s3, s7;
	s7 =	simm.s32 @!p0 $0x108  }
0x21: {  	s3 =	sadd.s32 s3, s9;
	s6 =	sadd.s32 @!p0 $0x88, s6;
	s7 =	simm.s32 @p2 $0x1082  }
0x22: {  	[simem:s7], [sflag:s8] =	dma.local @!p0 [hbm:s6], $0xF7A  }
0x23: {  	s9 =	sor.u32 $0xD0000000, s2;
	s6 =	simm.s32 $0x108;
	_ =	swait.ge @!p0 [sflag:s8], $0x0  }
0x24: {  	s3 =	sadd.s32 $0x88, s3;
	s6 =	simm.s32 @!p1 $0x1082;
	[sflag:s4] =	ssyncset.s32 $0xFFFFF086  }
0x25: {  	[simem:s6], [sflag:s4] =	dma.local [hbm:s3], $0xF7A  }
0x26: {  	[smem:$0x3F8E] =	sst s1;
	(tag) =	ssettag s2;
	_ =	strace s9  }
0x27: {  	s1 =	sld [smem:$0x3F9E]  }
0x28: {  	s2 =	sld [smem:$0x3F9F]  }
0x29: {  	s4 =	sld [smem:$0x3FA1]  }
0x2a: {  	p0 =	seq.s32 s5, $0x0;
	s5 =	sld [smem:$0x3FA2]  }
0x2b: {  	s6 =	sld [smem:$0x3FA3]  }
0x2c: {  	s7 =	sld [smem:$0x3FA4]  }
0x2d: {  	s3 =	simm.s32 $0x108;
	s8 =	sld [smem:$0x3FA5]  }
0x2e: {  	s3 =	simm.s32 @!p0 $0x1082;
	s9 =	sld [smem:$0x3FA6]  }
0x2f: {  	lr =	sadd.s32 s0, s3;
	s0 =	sld [smem:$0x3F9D]  }
0x30: {  	s3 =	sld [smem:$0x3FA0]  }
0x31: {  	[smem:$0x3FA9] =	sst s10  }
0x32: {  	s10 =	sld [smem:$0x3FA7];
	_ =	sdelay $0x3  }
0x33: {  	p0 =	seq.s32 s10, $0x1;
	s10 =	sld [smem:$0x3FA9];
	_ =	sdelay $0x3  }
0x34: {  	[smem:$0x3FA9] =	sst s10  }
0x35: {  	s10 =	sld [smem:$0x3FA8];
	_ =	sdelay $0x3  }
0x36: {  	p1 =	seq.s32 s10, $0x1;
	s10 =	sld [smem:$0x3FA9];
	_ =	sdelay $0x3  }
0x37: {  	[smem:$0x3FA9] =	sst s10  }
0x38: {  	s10 =	sld [smem:$0x3FAA]  }
0x39: {  	_ = 	snop;
	(pc) =	sbr.ind lr, $3  }
0x3a: {  	_ = 	snop  }
0x3b: {  	_ = 	snop  }
0x3c: {  	p2 =	seq.s32 s10, $0x1;
	s10 =	sld [smem:$0x3FA9]  }
0x3d: {  	_ =	shalt  }
0x3e: {  	_ =	shalt  }
0x3f: {  	_ =	shalt  }
0x40: {  	_ =	shalt  }
0x41: {  	_ =	shalt  }
0x42: {  	_ =	shalt  }
0x43: {  	_ =	shalt  }
0x44: {  	_ =	shalt  }
0x45: {  	_ =	shalt  }
0x46: {  	_ =	shalt  }
0x47: {  	_ =	shalt  }
0x48: {  	_ =	shalt  }
0x49: {  	_ =	shalt  }
0x4a: {  	_ =	shalt  }
0x4b: {  	_ =	shalt  }
0x4c: {  	_ =	shalt  }
0x4d: {  	_ =	shalt  }
0x4e: {  	_ =	shalt  }
0x4f: {  	_ =	shalt  }
0x50: {  	_ =	shalt  }
0x51: {  	_ =	shalt  }
0x52: {  	_ =	shalt  }
0x53: {  	_ =	shalt  }
0x54: {  	_ =	shalt  }
0x55: {  	_ =	shalt  }
0x56: {  	_ =	shalt  }
0x57: {  	_ =	shalt  }
0x58: {  	_ =	shalt  }
0x59: {  	_ =	shalt  }
0x5a: {  	_ =	shalt  }
0x5b: {  	_ =	shalt  }
0x5c: {  	_ =	shalt  }
0x5d: {  	_ =	shalt  }
0x5e: {  	_ =	shalt  }
0x5f: {  	_ =	shalt  }
0x60: {  	_ =	shalt  }
0x61: {  	_ =	shalt  }
0x62: {  	_ =	shalt  }
0x63: {  	_ =	shalt  }
0x64: {  	_ =	shalt  }
0x65: {  	_ =	shalt  }
0x66: {  	_ =	shalt  }
0x67: {  	_ =	shalt  }
0x68: {  	_ =	shalt  }
0x69: {  	_ =	shalt  }
0x6a: {  	_ =	shalt  }
0x6b: {  	_ =	shalt  }
0x6c: {  	_ =	shalt  }
0x6d: {  	_ =	shalt  }
0x6e: {  	_ =	shalt  }
0x6f: {  	_ =	shalt  }
0x70: {  	_ =	shalt  }
0x71: {  	_ =	shalt  }
0x72: {  	_ =	shalt  }
0x73: {  	_ =	shalt  }
0x74: {  	_ =	shalt  }
0x75: {  	_ =	shalt  }
0x76: {  	_ =	shalt  }
0x77: {  	_ =	shalt  }
0x78: {  	_ =	shalt  }
0x79: {  	_ =	shalt  }
0x7a: {  	_ =	shalt  }
0x7b: {  	_ =	shalt  }
0x7c: {  	_ =	shalt  }
0x7d: {  	_ =	shalt  }
0x7e: {  	_ =	shalt  }
0x7f: {  	_ =	shalt  }
0x80: {  	_ =	shalt  }
0x81: {  	_ =	shalt  }
0x82: {  	_ =	shalt  }
0x83: {  	_ =	shalt  }
0x84: {  	_ =	shalt  }
0x85: {  	_ =	shalt  }
0x86: {  	_ =	shalt  }
0x87: {  	_ =	shalt  }
.Lfunc_end0:
.L_simem_size_0:
called_computation.4_lowered:
.L_overlay_start_0:
0x88: {  	s2 =	sld [smem:$0x3FD9]  }
0x89: {  	s3 =	sld [smem:$0x3FFE];
	_ =	sdelay $0x1  }
0x8a: {  	s1 =	srdreg.scid  }
0x8b: {  	s0 =	sand.u32 $0x1, s1  }
0x8c: {  	s16 =	sshll.u32 s0, $0xA;
	s2 =	sadd.s32 s3, s2  }
0x8d: {  	s2 =	sadd.s32 s2, s16  }
0x8e: {  	[smem:$0x3FB5] =	sst s2  }
0x8f: {  	_ = 	snop  }
0x90: {  	(tm) =	ssettm $0x1  }
0x91: {  	s17 =	sld [smem:$0x3FFB];
	_ =	sdelay $0x3  }
0x92: {  	_ =	strace s17  }
0x93: {  	s2 =	sld [smem:$0x3FFC];
	_ =	sdelay $0x3  }
0x94: {  	_ =	strace s2  }
0x95: {  	s2 =	sld [smem:$0x3FFD];
	_ =	sdelay $0x3  }
0x96: {  	_ =	strace s2  }
0x97: {  	_ =	strace $0x8FFFFFFF  }
0x98: {  	s18 =	sld [smem:$0x3FDB];
	_ =	sdelay $0x1  }
0x99: {  	s19 =	simm.s32 $_scs_section_size  }
0x9a: {  	s4 =	simm.s32 $_size__tile_overlayer_lowered;
	s5 =	simm.s32 $_tile_overlayer_lowered  }
0x9b: {  	s22 =	simm.s32 $0x1BFF;
	s21 =	sshll.u32 s5, $0x1;
	s2 =	sadd.s32 s19, s18  }
0x9c: {  	s6 =	simm.s32 $0x0;
	s20 =	sshll.u32 s4, $0x1;
	s4 =	sadd.s32 s21, s2  }
0x9d: {  	[timem:s6], [sflag:s22] =	dma.local [hbm:s4], s20  }
0x9e: {  	_ =	swait.ge [sflag:s22], s20  }
0x9f: {  	s3 =	ssub.s32 $0x0, s20;
	[sflag:s22] =	ssyncset.done $0x0  }
0xa0: {  	[sflag:s22] =	ssyncadd.s32 s3;
	_ =	sdelay $0x1  }
0xa1: {  	s23 =	simm.s32 $0x1B8B  }
0xa2: {  	_ =	swait.ge [sflag:s23], $0x1  }
0xa3: {  	[sflag:s23] =	ssyncset.done $0x0  }
0xa4: {  	s25 =	simm.s32 $0x1B8E;
	s24 =	sld [smem:$0x3FFE];
	[sflag:s23] =	ssyncadd.s32 $0xFFFFFFFF  }
0xa5: {  	s26 =	simm.s32 $execute0_lowered;
	[smem:$0x3FD2] =	sst s25  }
0xa6: {  	s4 =	sshll.u32 s26, $0x1;
	_ =	strace $0x80000052;
	[dreg:$0x1] =	wrdreg $0xFFFFFFFF  }
0xa7: {  	s28 =	simm.s32 $_size_execute0_lowered;
	s2 =	sadd.s32 s2, s4;
	[dreg:$0x0] =	wrdreg $0x0  }
0xa8: {  	s4 =	sshll.u32 s28, $0x1;
	[dreg:$0x2] =	wrdreg s2  }
0xa9: {  	[dreg:$0x3] =	wrdreg s4  }
0xaa: {  	[dreg:$0x4] =	wrdreg $0xC0  }
0xab: {  	_ =	task [dreg:s6], $0x5FFFF  }
0xac: {  	[dreg:$0x1] =	wrdreg $0xFFFFFFFF  }
0xad: {  	[dreg:$0x0] =	wrdreg $0x60  }
0xae: {  	[dreg:$0x2] =	wrdreg s24  }
0xaf: {  	[dreg:$0x3] =	wrdreg $0xC0000  }
0xb0: {  	[dreg:$0x4] =	wrdreg $0x9  }
0xb1: {  	_ =	task.clear_ibuf [dreg:s6], $0x5FFFF;
	_ =	strace $0x90000052  }
0xb2: {  	s29 =	simm.s32 $0x9;
	_ =	strace $0x80000054  }
0xb3: {  	_ =	swait.ge [sflag:s29], $0x1  }
0xb4: {  	[sflag:s29] =	ssyncadd.s32 $0xFFFFFFFF  }
0xb5: {  	_ =	strace $0x90000054  }
0xb6: {  	_ =	sfence  }
0xb7: {  	s30 =	sld [smem:$0x0];
	_ =	sdelay $0x2  }
0xb8: {  	s31 =	sshll.u32 s1, $0xD;
	s1 =	sshrl.u32 s1, $0x2  }
0xb9: {  	s3 =	sand.u32 $0x4000, s31;
	s1 =	sadd.s32 s1, s30  }
0xba: {  	s0 =	sor.u32 s3, s0;
	s1 =	sshll.u32 s1, $0x11  }
0xbb: {  	s0 =	sor.u32 s1, s0  }
0xbc: {  	s0 =	sadd.s32 $0x8F2B, s0  }
0xbd: {  	[sflag:s0] =	ssyncadd.remote.s32 $0x1  }
0xbe: {  	_ =	sfence.sel $0xFFFF  }
0xbf: {  	[dreg:$0x0] =	wrdreg $0xFFFFFFFF;
	(pc) =	sbr.abs _section_cstart, $3  }
0xc0: {  	[dreg:$0x1] =	wrdreg $0xFFFFFFFF  }
0xc1: {  	_ =	task.clear_ibuf [dreg:s6], $0x2FFFF;
	_ =	strace $0x9FFFFFFF  }
0xc2: {  	(tm) =	ssettm $0x7FFFFFFF  }
0xc3: {  	_ =	shalt  }
tec
execute0_lowered:
.L_overlay_start_1:
0x0: {  	(tag) =	ssettag $0x1  }
0x1: {  	s4 =	rddreg [dreg:$0x0]  }
0x2: {  	s1 =	rddreg [dreg:$0x1];
	s2 =	srdreg.scid  }
0x3: {  	s0 =	rddreg [dreg:$0x2];
	s3 =	simm.s32 $0x0;
	s13 =	simm.s32 $0x80  }
0x4: {  	s14 =	simm.s32 $0x4000;
	s15 =	simm.s32 $0x8000;
	s5 =	sand.u32 $0x1, s2  }
0x5: {  	s16 =	simm.s32 $0x1;
	s2 =	stileid.u32;
	s6 =	smul.u32 $0x9C400, s5  }
0x6: {  	s17 =	simm.s32 $0x2;
	s18 =	simm.s32 $0x3F00;
	s7 =	smul.u32 $0x1400, s2  }
0x7: {  	s19 =	simm.s32 $0x3F80;
	[smem:$0x7FF] =	sst s3;
	s20 =	smul.u32 $0x2780, s2  }
0x8: {  	_ =	strace $0x80000053;
	s30 =	smul.u32 $0x27800, s5;
	s5 =	ssub.s32 $0x2, s5  }
0x9: {  	s10 =	smul.u32 $0x4F000, s2;
	s31 =	sshll.u32 s2, $0x6;
	s9 =	sshrl.u32 s5, $0x1  }
0xa: {  	s8 =	sadd.s32 s6, s4;
	s7 =	sadd.s32 s7, s4;
	s11 =	sadd.s32 s20, s4  }
0xb: {  	s12 =	sadd.s32 s30, s4;
	s9 =	ssub.s32 s5, s9;
	s10 =	sshrl.u32 s10, $0x2  }
0xc: {  	s5 =	sor.u32 $0x1C03, s31;
	s4 =	sadd.s32 $0x41800, s11;
	s6 =	sadd.s32 $0x19800, s7  }
0xd: {  	s7 =	sadd.s32 $0x2D800, s7;
	s10 =	sadd.s32 s10, s1;
	s8 =	sadd.s32 $0x374E00, s8  }
0xe: {  	s21 =	sadd.s32 $0x1A0200, s12;
	s9 =	smax.u32 s9, $0x1;
	s11 =	simm.s32 $0x3  }
0xf: {  	s12 =	simm.s32 $0x2000;
	s10 =	sshrl.u32 s10, $0x3;
	s20 =	sadd.s32 s20, s21  }
.LBB2_1:
0x10: {  	[spmem:s10], [sflag:s5] =	dma.local [hbm:s4], $0x2780  }
0x11: {  	_ =	swait.ge [sflag:s11], $0x2780  }
0x12: {  	[sflag:s11] =	ssyncset.done $0x0  }
0x13: {  	[sflag:s11] =	ssyncadd.s32 $0xFFFFD880  }
0x14: {  	s21 =	simm.s32 $0x0;
	[bflag:$0x0] =	sbarrier.arrive $0xFFFF  }
.LBB2_2:
0x15: {  	s22 =	sshll.u32 s21, $0xA  }
0x16: {  	s24 =	simm.s32 $0x0;
	s23 =	sadd.s32 s22, s6  }
0x17: {  	[tilespmem:s24], [sflag:$0x3] =	stream.linear.gather [hbm4b:s23+s24], $0x2000, $0x38;
	[tilespmem:$0x1FC00] =	vst v63  }
0x18: {  	_ =	swait.ge [sflag:s11], $0x2000  }
0x19: {  	[sflag:s11] =	ssyncset.done $0x0  }
0x1a: {  	s22 =	sadd.s32 s22, s7;
	[sflag:s11] =	ssyncadd.s32 $0xFFFFE000  }
0x1b: {  	[tilespmem:s12], [sflag:$0x3] =	stream.linear.gather [hbm4b:s22+s24], $0x2000, $0x38;
	[tilespmem:$0x1FC00] =	vst v63  }
0x1c: {  	_ =	swait.ge [sflag:s11], $0x2000  }
0x1d: {  	[sflag:s11] =	ssyncset.done $0x0  }
0x1e: {  	[sflag:s11] =	ssyncadd.s32 $0xFFFFE000  }
0x1f: {  	[tilespmem:s14], [sflag:$0x1] =	stream.indirect.gather [hbm4b:s8+s13], $0x80, s24, s13, $0xb8;
	[tilespmem:$0x1FC00] =	vst v63  }
0x20: {  	_ = 	snop  }
0x21: {  	[tilespmem:s15], [sflag:$0x2] =	stream.indirect.gather [hbm4b:s8+s13], $0x80, s13, s13, $0xb8;
	[tilespmem:$0x1FC00] =	vst v63  }
0x22: {  	_ =	swait.ge [sflag:s16], $0x4000  }
0x23: {  	[sflag:s16] =	ssyncset.done $0x0  }
0x24: {  	s29 =	simm.s32 $0x2000;
	[sflag:s16] =	ssyncadd.s32 $0xFFFFC000  }
0x25: {  	[spmem:s1] =	stream.indirect.scatter.add.f32 [tilespmem:s14], [sflag:$0x3], $0x80, s29, s13, $0xb8;
	[tilespmem:$0x1FC00] =	vst v63  }
0x26: {  	_ =	swait.ge [sflag:s11], $0x4000  }
0x27: {  	[sflag:s11] =	ssyncset.done $0x0  }
0x28: {  	s30 =	simm.s32 $0x100;
	[sflag:s11] =	ssyncadd.s32 $0xFFFFC000  }
0x29: {  	[tilespmem:s14], [sflag:$0x1] =	stream.indirect.gather [hbm4b:s8+s13], $0x80, s30, s13, $0xb8;
	[tilespmem:$0x1FC00] =	vst v63  }
0x2a: {  	_ =	swait.ge [sflag:s17], $0x4000  }
0x2b: {  	[sflag:s17] =	ssyncset.done $0x0  }
0x2c: {  	s31 =	simm.s32 $0x2080;
	[sflag:s17] =	ssyncadd.s32 $0xFFFFC000  }
0x2d: {  	[spmem:s1] =	stream.indirect.scatter.add.f32 [tilespmem:s15], [sflag:$0x3], $0x80, s31, s13, $0xb8;
	[tilespmem:$0x1FC00] =	vst v63  }
0x2e: {  	_ =	swait.ge [sflag:s11], $0x4000  }
0x2f: {  	[sflag:s11] =	ssyncset.done $0x0  }
0x30: {  	s23 =	simm.s32 $0x180;
	s22 =	simm.s32 $0x400;
	[sflag:s11] =	ssyncadd.s32 $0xFFFFC000  }
.LBB2_3:
0x31: {  	[tilespmem:s15], [sflag:$0x2] =	stream.indirect.gather [hbm4b:s8+s13], $0x80, s23, s13, $0xb8;
	[tilespmem:$0x1FC00] =	vst v63  }
0x32: {  	s23 =	smov.u32 s22  }
0x33: {  	p0 =	sne.s32 s22, $0x7800;
	s22 =	sadd.s32 $0x400, s22;
	_ =	swait.ge [sflag:s16], $0x4000  }
0x34: {  	s23 =	sshra.s32 s23, $0x2;
	[sflag:s16] =	ssyncset.done $0x0  }
0x35: {  	s24 =	sadd.s32 $0x2000, s23;
	[sflag:s16] =	ssyncadd.s32 $0xFFFFC000  }
0x36: {  	[spmem:s1] =	stream.indirect.scatter.add.f32 [tilespmem:s14], [sflag:$0x3], $0x80, s24, s13, $0xb8;
	[tilespmem:$0x1FC00] =	vst v63  }
0x37: {  	_ =	swait.ge [sflag:s11], $0x4000  }
0x38: {  	[sflag:s11] =	ssyncset.done $0x0  }
0x39: {  	s24 =	sadd.s32 $0x100, s23;
	[sflag:s11] =	ssyncadd.s32 $0xFFFFC000  }
0x3a: {  	[tilespmem:s14], [sflag:$0x1] =	stream.indirect.gather [hbm4b:s8+s13], $0x80, s24, s13, $0xb8;
	[tilespmem:$0x1FC00] =	vst v63  }
0x3b: {  	_ =	swait.ge [sflag:s17], $0x4000  }
0x3c: {  	[sflag:s17] =	ssyncset.done $0x0  }
.Ltmp0:
0x3d: {  	s24 =	sadd.s32 $0x2080, s23;
	[sflag:s17] =	ssyncadd.s32 $0xFFFFC000;
	(pc) =	sbr.rel @p0 .LBB2_3-.Ltmp0, $4  }
0x3e: {  	[spmem:s1] =	stream.indirect.scatter.add.f32 [tilespmem:s15], [sflag:$0x3], $0x80, s24, s13, $0xb8;
	[tilespmem:$0x1FC00] =	vst v63  }
0x3f: {  	_ =	swait.ge [sflag:s11], $0x4000  }
0x40: {  	[sflag:s11] =	ssyncset.done $0x0  }
0x41: {  	s23 =	sadd.s32 $0x180, s23;
	[sflag:s11] =	ssyncadd.s32 $0xFFFFC000  }
0x42: {  	[tilespmem:s15], [sflag:$0x2] =	stream.indirect.gather [hbm4b:s8+s13], $0x80, s23, s13, $0xb8;
	[tilespmem:$0x1FC00] =	vst v63  }
0x43: {  	_ =	swait.ge [sflag:s16], $0x4000  }
0x44: {  	[sflag:s16] =	ssyncset.done $0x0  }
0x45: {  	[sflag:s16] =	ssyncadd.s32 $0xFFFFC000  }
0x46: {  	[spmem:s1] =	stream.indirect.scatter.add.f32 [tilespmem:s14], [sflag:$0x3], $0x80, s18, s13, $0xb8;
	[tilespmem:$0x1FC00] =	vst v63  }
0x47: {  	_ =	swait.ge [sflag:s11], $0x4000  }
0x48: {  	[sflag:s11] =	ssyncset.done $0x0  }
0x49: {  	[sflag:s11] =	ssyncadd.s32 $0xFFFFC000  }
0x4a: {  	s21 =	sadd.s32 $0x1, s21;
	_ =	swait.ge [sflag:s17], $0x4000  }
0x4b: {  	p0 =	sne.s32 s21, $0x5;
	[sflag:s17] =	ssyncset.done $0x0  }
.Ltmp1:
0x4c: {  	[sflag:s17] =	ssyncadd.s32 $0xFFFFC000;
	(pc) =	sbr.rel @p0 .LBB2_2-.Ltmp1, $4  }
0x4d: {  	[spmem:s1] =	stream.indirect.scatter.add.f32 [tilespmem:s15], [sflag:$0x3], $0x80, s19, s13, $0xb8;
	[tilespmem:$0x1FC00] =	vst v63  }
0x4e: {  	_ =	swait.ge [sflag:s11], $0x4000  }
0x4f: {  	[sflag:s11] =	ssyncset.done $0x0  }
0x50: {  	[sflag:s11] =	ssyncadd.s32 $0xFFFFC000  }
0x51: {  	s3 =	sadd.s32 $0x1, s3  }
0x52: {  	p0 =	sne.s32 s3, s9  }
.Ltmp2:
0x53: {  	[bflag:$0x0] =	sbarrier.arrive $0xFFFF;
	(pc) =	sbr.rel @p0 .LBB2_1-.Ltmp2, $4  }
0x54: {  	[hbm:s20], [sflag:s5] =	dma.local [spmem:s10], $0x2780  }
0x55: {  	_ =	swait.ge [sflag:s11], $0x2780  }
0x56: {  	[sflag:s11] =	ssyncset.done $0x0  }
0x57: {  	[sflag:s11] =	ssyncadd.s32 $0xFFFFD880  }
0x58: {  	_ =	sfence.sel $0x180000  }
0x59: {  	[bflag:$0x0] =	sbarrier.arrive $0xFFFF  }
0x5a: {  	p0 =	sne.s32 s2, $0x0;
	_ =	strace $0x90000053  }
0x5b: {  	s0 =	sadd.s32 @!p0 $0x100000, s0;
	[bflag:$0x2] =	sbarrier.arrive $0xFFFF  }
0x5c: {  	[sflag:s0] =	ssyncadd.tile.s32 @!p0 $0x1;
	_ =	shalt  }
.Lfunc_end2:
_tile_overlayer_lowered:
.L_overlay_start_2:
0x5d: {  	(tag) =	ssettag $0x2  }
0x5e: {  	s0 =	rddreg [dreg:$0x0];
	s2 =	stileid.u32  }
0x5f: {  	s1 =	rddreg [dreg:$0x1];
	p0 =	sne.s32 s2, $0x0  }
0x60: {  	s3 =	rddreg [dreg:$0x2];
	[bflag:$0x3] =	sbarrier.arrive $0xFFFF;
	s2 =	simm.s32 @!p0 $0x1C03  }
0x61: {  	[timem:s3], [sflag:s2] =	dma.local @!p0 [hbm:s0], s1  }
0x62: {  	s0 =	simm.s32 @!p0 $0x3  }
0x63: {  	_ =	swait.ge @!p0 [sflag:s0], s1  }
0x64: {  	s1 =	ssub.s32 @!p0 $0x0, s1;
	[sflag:s0] =	ssyncset.done @!p0 $0x0  }
0x65: {  	[sflag:s0] =	ssyncadd.s32 @!p0 s1  }
0x66: {  	[bflag:$0x3] =	sbarrier.arrive $0xFFFF  }
0x67: {  	_ =	shalt  }

</sc_bundles>
